<compile_context>
chip_gen: v7x
topology: tpu7x:2x2x1
jax: 0.10.2.dev20260603
libtpu: 0.0.44.dev20260713+nightly
codegen_flags: <defaults>
</compile_context>

<pallas_src>
import jax
import jax.numpy as jnp
from jax import lax
from jax.experimental import pallas as pl
from jax.experimental.pallas import tpu as pltpu
from jax.experimental.pallas import tpu_sc as plsc

FEAT = 64
WIDE = 128
SCALE = 8.0
G = 32
NGB = 8
BLK = NGB * G
NC = 2
NS = 16
NW = NC * NS
UNROLL = 8


def _emb_body(table_hbm, idx_hbm, out_hbm,
              idx_v0, idx_v1, rows_v0, rows_v1, cmp_v,
              isem0, isem1, gsem0, gsem1, osem):
    idx_v = (idx_v0, idx_v1)
    rows_v = (rows_v0, rows_v1)
    isem = (isem0, isem1)
    gsem = (gsem0, gsem1)

    wid = lax.axis_index("s") * NC + lax.axis_index("c")
    blocks = out_hbm.shape[0] // (BLK * NW)
    be0 = wid * blocks

    def load_idx(b, g_blk):
        pltpu.async_copy(
            idx_hbm.at[pl.ds(g_blk * NGB, NGB)], idx_v[b], isem[b]
        )

    def fire(b, g_blk):
        pltpu.make_async_copy(
            idx_hbm.at[pl.ds(g_blk * NGB, NGB)], idx_v[b], isem[b]
        ).wait()
        for j in range(NGB):
            pltpu.async_copy(
                table_hbm.at[idx_v[b].at[j]],
                rows_v[b].at[pl.ds(j * G, G)],
                gsem[b],
            )

    def drain_gathers(b):
        for j in range(NGB):
            pltpu.make_async_copy(
                table_hbm.at[idx_v[b].at[j]],
                rows_v[b].at[pl.ds(j * G, G)],
                gsem[b],
            ).wait()

    def store(g_blk):
        pltpu.async_copy(cmp_v, out_hbm.at[pl.ds(g_blk * BLK, BLK)], osem)

    def wait_store(g_blk):
        pltpu.make_async_copy(
            cmp_v, out_hbm.at[pl.ds(g_blk * BLK, BLK)], osem
        ).wait()

    def scale(b):
        def body(i, c):
            r0 = i * UNROLL
            for dr in range(UNROLL):
                for col in range(FEAT // 16):
                    sl = pl.ds(col * 16, 16)
                    cmp_v[r0 + dr, sl] = rows_v[b][r0 + dr, sl] * SCALE
            return c
        lax.fori_loop(0, BLK // UNROLL, body, 0)

    load_idx(0, be0)
    load_idx(1, be0 + 1)
    fire(0, be0)

    def pair(gp, carry):
        for b in range(2):
            g = gp * 2 + b
            blk = be0 + g
            gn = lax.rem(g + 1, blocks)
            fire(1 - b, be0 + gn)
            drain_gathers(b)
            gn2 = lax.rem(g + 2, blocks)
            load_idx(b, be0 + gn2)
            if b == 0:
                @pl.when(gp > 0)
                def _():
                    wait_store(blk - 1)
            else:
                wait_store(blk - 1)
            scale(b)
            store(blk)
        return carry

    lax.fori_loop(0, blocks // 2, pair, 0)

    pltpu.make_async_copy(
        idx_hbm.at[pl.ds((be0 + 1) * NGB, NGB)], idx_v[1], isem[1]
    ).wait()
    drain_gathers(0)
    wait_store(be0 + blocks - 1)


def kernel(token_idx, table):
    batch, hist = token_idx.shape
    n = batch * hist
    table_p = jnp.pad(table, ((0, 0), (0, WIDE - FEAT)))
    idx = token_idx.reshape(n // G, G).astype(jnp.int32)
    mesh = plsc.VectorSubcoreMesh(core_axis_name="c", subcore_axis_name="s")
    out = pl.kernel(
        _emb_body,
        out_type=jax.ShapeDtypeStruct((n, FEAT), jnp.float32),
        mesh=mesh,
        scratch_types=[
            pltpu.VMEM((NGB, G), jnp.int32),
            pltpu.VMEM((NGB, G), jnp.int32),
            pltpu.VMEM((BLK, WIDE), jnp.float32),
            pltpu.VMEM((BLK, WIDE), jnp.float32),
            pltpu.VMEM((BLK, FEAT), jnp.float32),
            pltpu.SemaphoreType.DMA,
            pltpu.SemaphoreType.DMA,
            pltpu.SemaphoreType.DMA,
            pltpu.SemaphoreType.DMA,
            pltpu.SemaphoreType.DMA,
        ],
        compiler_params=pltpu.CompilerParams(use_tc_tiling_on_sc=True),
    )(table_p, idx)
    return out.reshape(batch, hist, FEAT)

# --- scband reference (transcript-rebuilt; emitter-appended) ---
"""Pipeline reference for scband-idx-to-embedding-51488067944719 (READ-ONLY COPY).

The authoritative reference and input builder live on the scoring server;
editing this copy changes nothing except your own understanding.
"""

import jax, jax.numpy as jnp
import numpy as np
import math

VOCAB = 1000000
FEAT = 64
BATCH = 4096
HIST = 200

def setup_inputs(seed: int = 0) -> dict:
    key = jax.random.key(seed)
    k1, k2 = jax.random.split(key)
    token_idx = jax.random.randint(k1, (BATCH, HIST), 0, VOCAB, dtype=jnp.int64 if jax.config.jax_enable_x64 else jnp.int32)
    table = jax.random.normal(k2, (VOCAB, FEAT), dtype=jnp.float32) * 0.02
    return {"token_idx": token_idx, "table": table}

def reference(token_idx, table):
    # nn.Embedding lookup followed by scaling by sqrt(embedding_dim)
    emb = jnp.take(table, token_idx.astype(jnp.int32), axis=0)
    return emb * math.sqrt(FEAT)

if __name__ == "__main__":
    import jax
    _d = setup_inputs()
    print(jax.jit(kernel)(*tuple(_d.values())))

</pallas_src>

<mosaic_0001>
#map = affine_map<(d0, d1) -> (0, 0)>
module attributes {stable_mosaic.version = 14 : i64} {
  func.func @_emb_body(%arg0: i32, %arg1: i32, %arg2: memref<1000000x128xf32, #tpu.memory_space<hbm>>, %arg3: memref<25600x32xi32, #tpu.memory_space<hbm>>, %arg4: memref<819200x64xf32, #tpu.memory_space<hbm>>, %arg5: memref<8x32xi32, #tpu.memory_space<vmem>>, %arg6: memref<8x32xi32, #tpu.memory_space<vmem>>, %arg7: memref<256x128xf32, #tpu.memory_space<vmem>>, %arg8: memref<256x128xf32, #tpu.memory_space<vmem>>, %arg9: memref<256x64xf32, #tpu.memory_space<vmem>>, %arg10: memref<!tpu.dma_semaphore, #tpu.memory_space<semaphore_mem>>, %arg11: memref<!tpu.dma_semaphore, #tpu.memory_space<semaphore_mem>>, %arg12: memref<!tpu.dma_semaphore, #tpu.memory_space<semaphore_mem>>, %arg13: memref<!tpu.dma_semaphore, #tpu.memory_space<semaphore_mem>>, %arg14: memref<!tpu.dma_semaphore, #tpu.memory_space<semaphore_mem>>) attributes {dimension_semantics = [#tpu.dimension_semantics<core_parallel>, #tpu.dimension_semantics<subcore_parallel>], iteration_bounds = array<i64: 2, 16>, scalar_prefetch = 0 : i64, scratch_operands = 10 : i64, tpu.core_type = #tpu.core_type<sc_vector_subcore>, window_params = [{transform_indices = #map}, {transform_indices = #map}, {transform_indices = #map}]} {
    %mul3A = arith.constant 2 : i32
    %mul3A_0 = arith.muli %arg1, %mul3A : i32
    %add3A = arith.addi %mul3A_0, %arg0 : i32
    %mul3A_1 = arith.constant 100 : i32
    %mul3A_2 = arith.muli %add3A, %mul3A_1 : i32
    %mul3A_3 = arith.constant 8 : i32
    %mul3A_4 = arith.muli %mul3A_2, %mul3A_3 : i32
    %dma_start3A = arith.constant 0 : i32
    %dma_start3A_5 = tpu.memref_slice %arg3[%mul3A_4, %dma_start3A] : memref<25600x32xi32, #tpu.memory_space<hbm>> -> memref<8x32xi32, #tpu.memory_space<hbm>>
    %dma_start3A_6 = arith.constant 0 : i32
    %dma_start3A_7 = tpu.memref_slice %arg3[%mul3A_4, %dma_start3A_6] : memref<25600x32xi32, #tpu.memory_space<hbm>> -> memref<8x32xi32, #tpu.memory_space<hbm>>
    tpu.enqueue_dma source(%dma_start3A_7 : memref<8x32xi32, #tpu.memory_space<hbm>>) target(%arg5 : memref<8x32xi32, #tpu.memory_space<vmem>>) target_semaphore(%arg10 : memref<!tpu.dma_semaphore, #tpu.memory_space<semaphore_mem>>)
    %add3A_8 = arith.constant 1 : i32
    %add3A_9 = arith.addi %mul3A_2, %add3A_8 : i32
    %mul3A_10 = arith.constant 8 : i32
    %mul3A_11 = arith.muli %add3A_9, %mul3A_10 : i32
    %dma_start3A_12 = arith.constant 0 : i32
    %dma_start3A_13 = tpu.memref_slice %arg3[%mul3A_11, %dma_start3A_12] : memref<25600x32xi32, #tpu.memory_space<hbm>> -> memref<8x32xi32, #tpu.memory_space<hbm>>
    %dma_start3A_14 = arith.constant 0 : i32
    %dma_start3A_15 = tpu.memref_slice %arg3[%mul3A_11, %dma_start3A_14] : memref<25600x32xi32, #tpu.memory_space<hbm>> -> memref<8x32xi32, #tpu.memory_space<hbm>>
    tpu.enqueue_dma source(%dma_start3A_15 : memref<8x32xi32, #tpu.memory_space<hbm>>) target(%arg6 : memref<8x32xi32, #tpu.memory_space<vmem>>) target_semaphore(%arg11 : memref<!tpu.dma_semaphore, #tpu.memory_space<semaphore_mem>>)
    %mul3A_16 = arith.constant 8 : i32
    %mul3A_17 = arith.muli %mul3A_2, %mul3A_16 : i32
    %dma_wait3A = arith.constant 0 : i32
    %dma_wait3A_18 = tpu.memref_slice %arg3[%mul3A_17, %dma_wait3A] : memref<25600x32xi32, #tpu.memory_space<hbm>> -> memref<8x32xi32, #tpu.memory_space<hbm>>
    %dma_wait3A_19 = arith.constant 0 : i32
    %dma_wait3A_20 = tpu.memref_slice %arg3[%mul3A_17, %dma_wait3A_19] : memref<25600x32xi32, #tpu.memory_space<hbm>> -> memref<8x32xi32, #tpu.memory_space<hbm>>
    tpu.wait_dma2 semaphore(%arg10 : memref<!tpu.dma_semaphore, #tpu.memory_space<semaphore_mem>>) src(%dma_wait3A_20 : memref<8x32xi32, #tpu.memory_space<hbm>>) dst(%arg5 : memref<8x32xi32, #tpu.memory_space<vmem>>)
    %dma_start3A_21 = arith.constant 0 : i32
    %dma_start3A_22 = arith.constant 0 : i32
    %dma_start3A_23 = arith.constant 0 : i32
    %dma_start3A_24 = tpu.memref_slice %arg7[%dma_start3A_22, %dma_start3A_23] : memref<256x128xf32, #tpu.memory_space<vmem>> -> memref<32x128xf32, #tpu.memory_space<vmem>>
    %dma_start3A_25 = arith.constant 0 : i32
    %dma_start3A_26 = tpu.memref_slice %arg5[%dma_start3A_21, %dma_start3A_25] : memref<8x32xi32, #tpu.memory_space<vmem>> -> memref<1x32xi32, #tpu.memory_space<vmem>>
    %dma_start3A_27 = tpu.memref_squeeze %dma_start3A_26 : memref<1x32xi32, #tpu.memory_space<vmem>> -> memref<32xi32, #tpu.memory_space<vmem>>
    %dma_start3A_28 = arith.constant 0 : i32
    %dma_start3A_29 = arith.constant 0 : i32
    %dma_start3A_30 = tpu.memref_slice %arg2[%dma_start3A_28, %dma_start3A_29] : memref<1000000x128xf32, #tpu.memory_space<hbm>> -> memref<1000000x128xf32, #tpu.memory_space<hbm>>
    tpu.enqueue_indirect_dma source(%dma_start3A_30 : memref<1000000x128xf32, #tpu.memory_space<hbm>>) target(%dma_start3A_24 : memref<32x128xf32, #tpu.memory_space<vmem>>) offsets(%dma_start3A_27 : memref<32xi32, #tpu.memory_space<vmem>>) semaphore(%arg12 : memref<!tpu.dma_semaphore, #tpu.memory_space<semaphore_mem>>)
    %dma_start3A_31 = arith.constant 1 : i32
    %dma_start3A_32 = arith.constant 32 : i32
    %dma_start3A_33 = arith.constant 0 : i32
    %dma_start3A_34 = tpu.memref_slice %arg7[%dma_start3A_32, %dma_start3A_33] : memref<256x128xf32, #tpu.memory_space<vmem>> -> memref<32x128xf32, #tpu.memory_space<vmem>>
    %dma_start3A_35 = arith.constant 0 : i32
    %dma_start3A_36 = tpu.memref_slice %arg5[%dma_start3A_31, %dma_start3A_35] : memref<8x32xi32, #tpu.memory_space<vmem>> -> memref<1x32xi32, #tpu.memory_space<vmem>>
    %dma_start3A_37 = tpu.memref_squeeze %dma_start3A_36 : memref<1x32xi32, #tpu.memory_space<vmem>> -> memref<32xi32, #tpu.memory_space<vmem>>
    %dma_start3A_38 = arith.constant 0 : i32
    %dma_start3A_39 = arith.constant 0 : i32
    %dma_start3A_40 = tpu.memref_slice %arg2[%dma_start3A_38, %dma_start3A_39] : memref<1000000x128xf32, #tpu.memory_space<hbm>> -> memref<1000000x128xf32, #tpu.memory_space<hbm>>
    tpu.enqueue_indirect_dma source(%dma_start3A_40 : memref<1000000x128xf32, #tpu.memory_space<hbm>>) target(%dma_start3A_34 : memref<32x128xf32, #tpu.memory_space<vmem>>) offsets(%dma_start3A_37 : memref<32xi32, #tpu.memory_space<vmem>>) semaphore(%arg12 : memref<!tpu.dma_semaphore, #tpu.memory_space<semaphore_mem>>)
    %dma_start3A_41 = arith.constant 2 : i32
    %dma_start3A_42 = arith.constant 64 : i32
    %dma_start3A_43 = arith.constant 0 : i32
    %dma_start3A_44 = tpu.memref_slice %arg7[%dma_start3A_42, %dma_start3A_43] : memref<256x128xf32, #tpu.memory_space<vmem>> -> memref<32x128xf32, #tpu.memory_space<vmem>>
    %dma_start3A_45 = arith.constant 0 : i32
    %dma_start3A_46 = tpu.memref_slice %arg5[%dma_start3A_41, %dma_start3A_45] : memref<8x32xi32, #tpu.memory_space<vmem>> -> memref<1x32xi32, #tpu.memory_space<vmem>>
    %dma_start3A_47 = tpu.memref_squeeze %dma_start3A_46 : memref<1x32xi32, #tpu.memory_space<vmem>> -> memref<32xi32, #tpu.memory_space<vmem>>
    %dma_start3A_48 = arith.constant 0 : i32
    %dma_start3A_49 = arith.constant 0 : i32
    %dma_start3A_50 = tpu.memref_slice %arg2[%dma_start3A_48, %dma_start3A_49] : memref<1000000x128xf32, #tpu.memory_space<hbm>> -> memref<1000000x128xf32, #tpu.memory_space<hbm>>
    tpu.enqueue_indirect_dma source(%dma_start3A_50 : memref<1000000x128xf32, #tpu.memory_space<hbm>>) target(%dma_start3A_44 : memref<32x128xf32, #tpu.memory_space<vmem>>) offsets(%dma_start3A_47 : memref<32xi32, #tpu.memory_space<vmem>>) semaphore(%arg12 : memref<!tpu.dma_semaphore, #tpu.memory_space<semaphore_mem>>)
    %dma_start3A_51 = arith.constant 3 : i32
    %dma_start3A_52 = arith.constant 96 : i32
    %dma_start3A_53 = arith.constant 0 : i32
    %dma_start3A_54 = tpu.memref_slice %arg7[%dma_start3A_52, %dma_start3A_53] : memref<256x128xf32, #tpu.memory_space<vmem>> -> memref<32x128xf32, #tpu.memory_space<vmem>>
    %dma_start3A_55 = arith.constant 0 : i32
    %dma_start3A_56 = tpu.memref_slice %arg5[%dma_start3A_51, %dma_start3A_55] : memref<8x32xi32, #tpu.memory_space<vmem>> -> memref<1x32xi32, #tpu.memory_space<vmem>>
    %dma_start3A_57 = tpu.memref_squeeze %dma_start3A_56 : memref<1x32xi32, #tpu.memory_space<vmem>> -> memref<32xi32, #tpu.memory_space<vmem>>
    %dma_start3A_58 = arith.constant 0 : i32
    %dma_start3A_59 = arith.constant 0 : i32
    %dma_start3A_60 = tpu.memref_slice %arg2[%dma_start3A_58, %dma_start3A_59] : memref<1000000x128xf32, #tpu.memory_space<hbm>> -> memref<1000000x128xf32, #tpu.memory_space<hbm>>
    tpu.enqueue_indirect_dma source(%dma_start3A_60 : memref<1000000x128xf32, #tpu.memory_space<hbm>>) target(%dma_start3A_54 : memref<32x128xf32, #tpu.memory_space<vmem>>) offsets(%dma_start3A_57 : memref<32xi32, #tpu.memory_space<vmem>>) semaphore(%arg12 : memref<!tpu.dma_semaphore, #tpu.memory_space<semaphore_mem>>)
    %dma_start3A_61 = arith.constant 4 : i32
    %dma_start3A_62 = arith.constant 128 : i32
    %dma_start3A_63 = arith.constant 0 : i32
    %dma_start3A_64 = tpu.memref_slice %arg7[%dma_start3A_62, %dma_start3A_63] : memref<256x128xf32, #tpu.memory_space<vmem>> -> memref<32x128xf32, #tpu.memory_space<vmem>>
    %dma_start3A_65 = arith.constant 0 : i32
    %dma_start3A_66 = tpu.memref_slice %arg5[%dma_start3A_61, %dma_start3A_65] : memref<8x32xi32, #tpu.memory_space<vmem>> -> memref<1x32xi32, #tpu.memory_space<vmem>>
    %dma_start3A_67 = tpu.memref_squeeze %dma_start3A_66 : memref<1x32xi32, #tpu.memory_space<vmem>> -> memref<32xi32, #tpu.memory_space<vmem>>
    %dma_start3A_68 = arith.constant 0 : i32
    %dma_start3A_69 = arith.constant 0 : i32
    %dma_start3A_70 = tpu.memref_slice %arg2[%dma_start3A_68, %dma_start3A_69] : memref<1000000x128xf32, #tpu.memory_space<hbm>> -> memref<1000000x128xf32, #tpu.memory_space<hbm>>
    tpu.enqueue_indirect_dma source(%dma_start3A_70 : memref<1000000x128xf32, #tpu.memory_space<hbm>>) target(%dma_start3A_64 : memref<32x128xf32, #tpu.memory_space<vmem>>) offsets(%dma_start3A_67 : memref<32xi32, #tpu.memory_space<vmem>>) semaphore(%arg12 : memref<!tpu.dma_semaphore, #tpu.memory_space<semaphore_mem>>)
    %dma_start3A_71 = arith.constant 5 : i32
    %dma_start3A_72 = arith.constant 160 : i32
    %dma_start3A_73 = arith.constant 0 : i32
    %dma_start3A_74 = tpu.memref_slice %arg7[%dma_start3A_72, %dma_start3A_73] : memref<256x128xf32, #tpu.memory_space<vmem>> -> memref<32x128xf32, #tpu.memory_space<vmem>>
    %dma_start3A_75 = arith.constant 0 : i32
    %dma_start3A_76 = tpu.memref_slice %arg5[%dma_start3A_71, %dma_start3A_75] : memref<8x32xi32, #tpu.memory_space<vmem>> -> memref<1x32xi32, #tpu.memory_space<vmem>>
    %dma_start3A_77 = tpu.memref_squeeze %dma_start3A_76 : memref<1x32xi32, #tpu.memory_space<vmem>> -> memref<32xi32, #tpu.memory_space<vmem>>
    %dma_start3A_78 = arith.constant 0 : i32
    %dma_start3A_79 = arith.constant 0 : i32
    %dma_start3A_80 = tpu.memref_slice %arg2[%dma_start3A_78, %dma_start3A_79] : memref<1000000x128xf32, #tpu.memory_space<hbm>> -> memref<1000000x128xf32, #tpu.memory_space<hbm>>
    tpu.enqueue_indirect_dma source(%dma_start3A_80 : memref<1000000x128xf32, #tpu.memory_space<hbm>>) target(%dma_start3A_74 : memref<32x128xf32, #tpu.memory_space<vmem>>) offsets(%dma_start3A_77 : memref<32xi32, #tpu.memory_space<vmem>>) semaphore(%arg12 : memref<!tpu.dma_semaphore, #tpu.memory_space<semaphore_mem>>)
    %dma_start3A_81 = arith.constant 6 : i32
    %dma_start3A_82 = arith.constant 192 : i32
    %dma_start3A_83 = arith.constant 0 : i32
    %dma_start3A_84 = tpu.memref_slice %arg7[%dma_start3A_82, %dma_start3A_83] : memref<256x128xf32, #tpu.memory_space<vmem>> -> memref<32x128xf32, #tpu.memory_space<vmem>>
    %dma_start3A_85 = arith.constant 0 : i32
    %dma_start3A_86 = tpu.memref_slice %arg5[%dma_start3A_81, %dma_start3A_85] : memref<8x32xi32, #tpu.memory_space<vmem>> -> memref<1x32xi32, #tpu.memory_space<vmem>>
    %dma_start3A_87 = tpu.memref_squeeze %dma_start3A_86 : memref<1x32xi32, #tpu.memory_space<vmem>> -> memref<32xi32, #tpu.memory_space<vmem>>
    %dma_start3A_88 = arith.constant 0 : i32
    %dma_start3A_89 = arith.constant 0 : i32
    %dma_start3A_90 = tpu.memref_slice %arg2[%dma_start3A_88, %dma_start3A_89] : memref<1000000x128xf32, #tpu.memory_space<hbm>> -> memref<1000000x128xf32, #tpu.memory_space<hbm>>
    tpu.enqueue_indirect_dma source(%dma_start3A_90 : memref<1000000x128xf32, #tpu.memory_space<hbm>>) target(%dma_start3A_84 : memref<32x128xf32, #tpu.memory_space<vmem>>) offsets(%dma_start3A_87 : memref<32xi32, #tpu.memory_space<vmem>>) semaphore(%arg12 : memref<!tpu.dma_semaphore, #tpu.memory_space<semaphore_mem>>)
    %dma_start3A_91 = arith.constant 7 : i32
    %dma_start3A_92 = arith.constant 224 : i32
    %dma_start3A_93 = arith.constant 0 : i32
    %dma_start3A_94 = tpu.memref_slice %arg7[%dma_start3A_92, %dma_start3A_93] : memref<256x128xf32, #tpu.memory_space<vmem>> -> memref<32x128xf32, #tpu.memory_space<vmem>>
    %dma_start3A_95 = arith.constant 0 : i32
    %dma_start3A_96 = tpu.memref_slice %arg5[%dma_start3A_91, %dma_start3A_95] : memref<8x32xi32, #tpu.memory_space<vmem>> -> memref<1x32xi32, #tpu.memory_space<vmem>>
    %dma_start3A_97 = tpu.memref_squeeze %dma_start3A_96 : memref<1x32xi32, #tpu.memory_space<vmem>> -> memref<32xi32, #tpu.memory_space<vmem>>
    %dma_start3A_98 = arith.constant 0 : i32
    %dma_start3A_99 = arith.constant 0 : i32
    %dma_start3A_100 = tpu.memref_slice %arg2[%dma_start3A_98, %dma_start3A_99] : memref<1000000x128xf32, #tpu.memory_space<hbm>> -> memref<1000000x128xf32, #tpu.memory_space<hbm>>
    tpu.enqueue_indirect_dma source(%dma_start3A_100 : memref<1000000x128xf32, #tpu.memory_space<hbm>>) target(%dma_start3A_94 : memref<32x128xf32, #tpu.memory_space<vmem>>) offsets(%dma_start3A_97 : memref<32xi32, #tpu.memory_space<vmem>>) semaphore(%arg12 : memref<!tpu.dma_semaphore, #tpu.memory_space<semaphore_mem>>)
    %scan3A = arith.constant 0 : i32
    %scan3A_101 = arith.constant 0 : i32
    %scan3A_102 = arith.constant 50 : i32
    %scan3A_103 = arith.addi %scan3A_101, %scan3A_102 : i32
    %scan3A_104 = arith.constant 1 : i32
    scf.for %scan3A_203 = %scan3A_101 to %scan3A_103 step %scan3A_104  : i32 {
      %mul3A_204 = arith.constant 2 : i32
      %mul3A_205 = arith.muli %scan3A_203, %mul3A_204 : i32
      %add3A_206 = arith.constant 0 : i32
      %add3A_207 = arith.addi %mul3A_205, %add3A_206 : i32
      %add3A_208 = arith.addi %mul3A_2, %add3A_207 : i32
      %add3A_209 = arith.constant 1 : i32
      %add3A_210 = arith.addi %add3A_207, %add3A_209 : i32
      %rem3A = arith.constant 100 : i32
      %rem3A_211 = arith.remsi %add3A_210, %rem3A : i32
      %add3A_212 = arith.addi %mul3A_2, %rem3A_211 : i32
      %mul3A_213 = arith.constant 8 : i32
      %mul3A_214 = arith.muli %add3A_212, %mul3A_213 : i32
      %dma_wait3A_215 = arith.constant 0 : i32
      %dma_wait3A_216 = tpu.memref_slice %arg3[%mul3A_214, %dma_wait3A_215] : memref<25600x32xi32, #tpu.memory_space<hbm>> -> memref<8x32xi32, #tpu.memory_space<hbm>>
      %dma_wait3A_217 = arith.constant 0 : i32
      %dma_wait3A_218 = tpu.memref_slice %arg3[%mul3A_214, %dma_wait3A_217] : memref<25600x32xi32, #tpu.memory_space<hbm>> -> memref<8x32xi32, #tpu.memory_space<hbm>>
      tpu.wait_dma2 semaphore(%arg11 : memref<!tpu.dma_semaphore, #tpu.memory_space<semaphore_mem>>) src(%dma_wait3A_218 : memref<8x32xi32, #tpu.memory_space<hbm>>) dst(%arg6 : memref<8x32xi32, #tpu.memory_space<vmem>>)
      %dma_start3A_219 = arith.constant 0 : i32
      %dma_start3A_220 = arith.constant 0 : i32
      %dma_start3A_221 = arith.constant 0 : i32
      %dma_start3A_222 = tpu.memref_slice %arg8[%dma_start3A_220, %dma_start3A_221] : memref<256x128xf32, #tpu.memory_space<vmem>> -> memref<32x128xf32, #tpu.memory_space<vmem>>
      %dma_start3A_223 = arith.constant 0 : i32
      %dma_start3A_224 = tpu.memref_slice %arg6[%dma_start3A_219, %dma_start3A_223] : memref<8x32xi32, #tpu.memory_space<vmem>> -> memref<1x32xi32, #tpu.memory_space<vmem>>
      %dma_start3A_225 = tpu.memref_squeeze %dma_start3A_224 : memref<1x32xi32, #tpu.memory_space<vmem>> -> memref<32xi32, #tpu.memory_space<vmem>>
      %dma_start3A_226 = arith.constant 0 : i32
      %dma_start3A_227 = arith.constant 0 : i32
      %dma_start3A_228 = tpu.memref_slice %arg2[%dma_start3A_226, %dma_start3A_227] : memref<1000000x128xf32, #tpu.memory_space<hbm>> -> memref<1000000x128xf32, #tpu.memory_space<hbm>>
      tpu.enqueue_indirect_dma source(%dma_start3A_228 : memref<1000000x128xf32, #tpu.memory_space<hbm>>) target(%dma_start3A_222 : memref<32x128xf32, #tpu.memory_space<vmem>>) offsets(%dma_start3A_225 : memref<32xi32, #tpu.memory_space<vmem>>) semaphore(%arg13 : memref<!tpu.dma_semaphore, #tpu.memory_space<semaphore_mem>>)
      %dma_start3A_229 = arith.constant 1 : i32
      %dma_start3A_230 = arith.constant 32 : i32
      %dma_start3A_231 = arith.constant 0 : i32
      %dma_start3A_232 = tpu.memref_slice %arg8[%dma_start3A_230, %dma_start3A_231] : memref<256x128xf32, #tpu.memory_space<vmem>> -> memref<32x128xf32, #tpu.memory_space<vmem>>
      %dma_start3A_233 = arith.constant 0 : i32
      %dma_start3A_234 = tpu.memref_slice %arg6[%dma_start3A_229, %dma_start3A_233] : memref<8x32xi32, #tpu.memory_space<vmem>> -> memref<1x32xi32, #tpu.memory_space<vmem>>
      %dma_start3A_235 = tpu.memref_squeeze %dma_start3A_234 : memref<1x32xi32, #tpu.memory_space<vmem>> -> memref<32xi32, #tpu.memory_space<vmem>>
      %dma_start3A_236 = arith.constant 0 : i32
      %dma_start3A_237 = arith.constant 0 : i32
      %dma_start3A_238 = tpu.memref_slice %arg2[%dma_start3A_236, %dma_start3A_237] : memref<1000000x128xf32, #tpu.memory_space<hbm>> -> memref<1000000x128xf32, #tpu.memory_space<hbm>>
      tpu.enqueue_indirect_dma source(%dma_start3A_238 : memref<1000000x128xf32, #tpu.memory_space<hbm>>) target(%dma_start3A_232 : memref<32x128xf32, #tpu.memory_space<vmem>>) offsets(%dma_start3A_235 : memref<32xi32, #tpu.memory_space<vmem>>) semaphore(%arg13 : memref<!tpu.dma_semaphore, #tpu.memory_space<semaphore_mem>>)
      %dma_start3A_239 = arith.constant 2 : i32
      %dma_start3A_240 = arith.constant 64 : i32
      %dma_start3A_241 = arith.constant 0 : i32
      %dma_start3A_242 = tpu.memref_slice %arg8[%dma_start3A_240, %dma_start3A_241] : memref<256x128xf32, #tpu.memory_space<vmem>> -> memref<32x128xf32, #tpu.memory_space<vmem>>
      %dma_start3A_243 = arith.constant 0 : i32
      %dma_start3A_244 = tpu.memref_slice %arg6[%dma_start3A_239, %dma_start3A_243] : memref<8x32xi32, #tpu.memory_space<vmem>> -> memref<1x32xi32, #tpu.memory_space<vmem>>
      %dma_start3A_245 = tpu.memref_squeeze %dma_start3A_244 : memref<1x32xi32, #tpu.memory_space<vmem>> -> memref<32xi32, #tpu.memory_space<vmem>>
      %dma_start3A_246 = arith.constant 0 : i32
      %dma_start3A_247 = arith.constant 0 : i32
      %dma_start3A_248 = tpu.memref_slice %arg2[%dma_start3A_246, %dma_start3A_247] : memref<1000000x128xf32, #tpu.memory_space<hbm>> -> memref<1000000x128xf32, #tpu.memory_space<hbm>>
      tpu.enqueue_indirect_dma source(%dma_start3A_248 : memref<1000000x128xf32, #tpu.memory_space<hbm>>) target(%dma_start3A_242 : memref<32x128xf32, #tpu.memory_space<vmem>>) offsets(%dma_start3A_245 : memref<32xi32, #tpu.memory_space<vmem>>) semaphore(%arg13 : memref<!tpu.dma_semaphore, #tpu.memory_space<semaphore_mem>>)
      %dma_start3A_249 = arith.constant 3 : i32
      %dma_start3A_250 = arith.constant 96 : i32
      %dma_start3A_251 = arith.constant 0 : i32
      %dma_start3A_252 = tpu.memref_slice %arg8[%dma_start3A_250, %dma_start3A_251] : memref<256x128xf32, #tpu.memory_space<vmem>> -> memref<32x128xf32, #tpu.memory_space<vmem>>
      %dma_start3A_253 = arith.constant 0 : i32
      %dma_start3A_254 = tpu.memref_slice %arg6[%dma_start3A_249, %dma_start3A_253] : memref<8x32xi32, #tpu.memory_space<vmem>> -> memref<1x32xi32, #tpu.memory_space<vmem>>
      %dma_start3A_255 = tpu.memref_squeeze %dma_start3A_254 : memref<1x32xi32, #tpu.memory_space<vmem>> -> memref<32xi32, #tpu.memory_space<vmem>>
      %dma_start3A_256 = arith.constant 0 : i32
      %dma_start3A_257 = arith.constant 0 : i32
      %dma_start3A_258 = tpu.memref_slice %arg2[%dma_start3A_256, %dma_start3A_257] : memref<1000000x128xf32, #tpu.memory_space<hbm>> -> memref<1000000x128xf32, #tpu.memory_space<hbm>>
      tpu.enqueue_indirect_dma source(%dma_start3A_258 : memref<1000000x128xf32, #tpu.memory_space<hbm>>) target(%dma_start3A_252 : memref<32x128xf32, #tpu.memory_space<vmem>>) offsets(%dma_start3A_255 : memref<32xi32, #tpu.memory_space<vmem>>) semaphore(%arg13 : memref<!tpu.dma_semaphore, #tpu.memory_space<semaphore_mem>>)
      %dma_start3A_259 = arith.constant 4 : i32
      %dma_start3A_260 = arith.constant 128 : i32
      %dma_start3A_261 = arith.constant 0 : i32
      %dma_start3A_262 = tpu.memref_slice %arg8[%dma_start3A_260, %dma_start3A_261] : memref<256x128xf32, #tpu.memory_space<vmem>> -> memref<32x128xf32, #tpu.memory_space<vmem>>
      %dma_start3A_263 = arith.constant 0 : i32
      %dma_start3A_264 = tpu.memref_slice %arg6[%dma_start3A_259, %dma_start3A_263] : memref<8x32xi32, #tpu.memory_space<vmem>> -> memref<1x32xi32, #tpu.memory_space<vmem>>
      %dma_start3A_265 = tpu.memref_squeeze %dma_start3A_264 : memref<1x32xi32, #tpu.memory_space<vmem>> -> memref<32xi32, #tpu.memory_space<vmem>>
      %dma_start3A_266 = arith.constant 0 : i32
      %dma_start3A_267 = arith.constant 0 : i32
      %dma_start3A_268 = tpu.memref_slice %arg2[%dma_start3A_266, %dma_start3A_267] : memref<1000000x128xf32, #tpu.memory_space<hbm>> -> memref<1000000x128xf32, #tpu.memory_space<hbm>>
      tpu.enqueue_indirect_dma source(%dma_start3A_268 : memref<1000000x128xf32, #tpu.memory_space<hbm>>) target(%dma_start3A_262 : memref<32x128xf32, #tpu.memory_space<vmem>>) offsets(%dma_start3A_265 : memref<32xi32, #tpu.memory_space<vmem>>) semaphore(%arg13 : memref<!tpu.dma_semaphore, #tpu.memory_space<semaphore_mem>>)
      %dma_start3A_269 = arith.constant 5 : i32
      %dma_start3A_270 = arith.constant 160 : i32
      %dma_start3A_271 = arith.constant 0 : i32
      %dma_start3A_272 = tpu.memref_slice %arg8[%dma_start3A_270, %dma_start3A_271] : memref<256x128xf32, #tpu.memory_space<vmem>> -> memref<32x128xf32, #tpu.memory_space<vmem>>
      %dma_start3A_273 = arith.constant 0 : i32
      %dma_start3A_274 = tpu.memref_slice %arg6[%dma_start3A_269, %dma_start3A_273] : memref<8x32xi32, #tpu.memory_space<vmem>> -> memref<1x32xi32, #tpu.memory_space<vmem>>
      %dma_start3A_275 = tpu.memref_squeeze %dma_start3A_274 : memref<1x32xi32, #tpu.memory_space<vmem>> -> memref<32xi32, #tpu.memory_space<vmem>>
      %dma_start3A_276 = arith.constant 0 : i32
      %dma_start3A_277 = arith.constant 0 : i32
      %dma_start3A_278 = tpu.memref_slice %arg2[%dma_start3A_276, %dma_start3A_277] : memref<1000000x128xf32, #tpu.memory_space<hbm>> -> memref<1000000x128xf32, #tpu.memory_space<hbm>>
      tpu.enqueue_indirect_dma source(%dma_start3A_278 : memref<1000000x128xf32, #tpu.memory_space<hbm>>) target(%dma_start3A_272 : memref<32x128xf32, #tpu.memory_space<vmem>>) offsets(%dma_start3A_275 : memref<32xi32, #tpu.memory_space<vmem>>) semaphore(%arg13 : memref<!tpu.dma_semaphore, #tpu.memory_space<semaphore_mem>>)
      %dma_start3A_279 = arith.constant 6 : i32
      %dma_start3A_280 = arith.constant 192 : i32
      %dma_start3A_281 = arith.constant 0 : i32
      %dma_start3A_282 = tpu.memref_slice %arg8[%dma_start3A_280, %dma_start3A_281] : memref<256x128xf32, #tpu.memory_space<vmem>> -> memref<32x128xf32, #tpu.memory_space<vmem>>
      %dma_start3A_283 = arith.constant 0 : i32
      %dma_start3A_284 = tpu.memref_slice %arg6[%dma_start3A_279, %dma_start3A_283] : memref<8x32xi32, #tpu.memory_space<vmem>> -> memref<1x32xi32, #tpu.memory_space<vmem>>
      %dma_start3A_285 = tpu.memref_squeeze %dma_start3A_284 : memref<1x32xi32, #tpu.memory_space<vmem>> -> memref<32xi32, #tpu.memory_space<vmem>>
      %dma_start3A_286 = arith.constant 0 : i32
      %dma_start3A_287 = arith.constant 0 : i32
      %dma_start3A_288 = tpu.memref_slice %arg2[%dma_start3A_286, %dma_start3A_287] : memref<1000000x128xf32, #tpu.memory_space<hbm>> -> memref<1000000x128xf32, #tpu.memory_space<hbm>>
      tpu.enqueue_indirect_dma source(%dma_start3A_288 : memref<1000000x128xf32, #tpu.memory_space<hbm>>) target(%dma_start3A_282 : memref<32x128xf32, #tpu.memory_space<vmem>>) offsets(%dma_start3A_285 : memref<32xi32, #tpu.memory_space<vmem>>) semaphore(%arg13 : memref<!tpu.dma_semaphore, #tpu.memory_space<semaphore_mem>>)
      %dma_start3A_289 = arith.constant 7 : i32
      %dma_start3A_290 = arith.constant 224 : i32
      %dma_start3A_291 = arith.constant 0 : i32
      %dma_start3A_292 = tpu.memref_slice %arg8[%dma_start3A_290, %dma_start3A_291] : memref<256x128xf32, #tpu.memory_space<vmem>> -> memref<32x128xf32, #tpu.memory_space<vmem>>
      %dma_start3A_293 = arith.constant 0 : i32
      %dma_start3A_294 = tpu.memref_slice %arg6[%dma_start3A_289, %dma_start3A_293] : memref<8x32xi32, #tpu.memory_space<vmem>> -> memref<1x32xi32, #tpu.memory_space<vmem>>
      %dma_start3A_295 = tpu.memref_squeeze %dma_start3A_294 : memref<1x32xi32, #tpu.memory_space<vmem>> -> memref<32xi32, #tpu.memory_space<vmem>>
      %dma_start3A_296 = arith.constant 0 : i32
      %dma_start3A_297 = arith.constant 0 : i32
      %dma_start3A_298 = tpu.memref_slice %arg2[%dma_start3A_296, %dma_start3A_297] : memref<1000000x128xf32, #tpu.memory_space<hbm>> -> memref<1000000x128xf32, #tpu.memory_space<hbm>>
      tpu.enqueue_indirect_dma source(%dma_start3A_298 : memref<1000000x128xf32, #tpu.memory_space<hbm>>) target(%dma_start3A_292 : memref<32x128xf32, #tpu.memory_space<vmem>>) offsets(%dma_start3A_295 : memref<32xi32, #tpu.memory_space<vmem>>) semaphore(%arg13 : memref<!tpu.dma_semaphore, #tpu.memory_space<semaphore_mem>>)
      %dma_wait3A_299 = arith.constant 0 : i32
      %dma_wait3A_300 = arith.constant 0 : i32
      %dma_wait3A_301 = arith.constant 0 : i32
      %dma_wait3A_302 = tpu.memref_slice %arg7[%dma_wait3A_300, %dma_wait3A_301] : memref<256x128xf32, #tpu.memory_space<vmem>> -> memref<32x128xf32, #tpu.memory_space<vmem>>
      %dma_wait3A_303 = arith.constant 0 : i32
      %dma_wait3A_304 = tpu.memref_slice %arg5[%dma_wait3A_299, %dma_wait3A_303] : memref<8x32xi32, #tpu.memory_space<vmem>> -> memref<1x32xi32, #tpu.memory_space<vmem>>
      %dma_wait3A_305 = tpu.memref_squeeze %dma_wait3A_304 : memref<1x32xi32, #tpu.memory_space<vmem>> -> memref<32xi32, #tpu.memory_space<vmem>>
      %dma_wait3A_306 = arith.constant 0 : i32
      %dma_wait3A_307 = arith.constant 0 : i32
      %dma_wait3A_308 = tpu.memref_slice %arg2[%dma_wait3A_306, %dma_wait3A_307] : memref<1000000x128xf32, #tpu.memory_space<hbm>> -> memref<1000000x128xf32, #tpu.memory_space<hbm>>
      tpu.wait_indirect_dma semaphore(%arg12 : memref<!tpu.dma_semaphore, #tpu.memory_space<semaphore_mem>>) src(%dma_wait3A_308 : memref<1000000x128xf32, #tpu.memory_space<hbm>>) dst(%dma_wait3A_302 : memref<32x128xf32, #tpu.memory_space<vmem>>)
      %dma_wait3A_309 = arith.constant 1 : i32
      %dma_wait3A_310 = arith.constant 32 : i32
      %dma_wait3A_311 = arith.constant 0 : i32
      %dma_wait3A_312 = tpu.memref_slice %arg7[%dma_wait3A_310, %dma_wait3A_311] : memref<256x128xf32, #tpu.memory_space<vmem>> -> memref<32x128xf32, #tpu.memory_space<vmem>>
      %dma_wait3A_313 = arith.constant 0 : i32
      %dma_wait3A_314 = tpu.memref_slice %arg5[%dma_wait3A_309, %dma_wait3A_313] : memref<8x32xi32, #tpu.memory_space<vmem>> -> memref<1x32xi32, #tpu.memory_space<vmem>>
      %dma_wait3A_315 = tpu.memref_squeeze %dma_wait3A_314 : memref<1x32xi32, #tpu.memory_space<vmem>> -> memref<32xi32, #tpu.memory_space<vmem>>
      %dma_wait3A_316 = arith.constant 0 : i32
      %dma_wait3A_317 = arith.constant 0 : i32
      %dma_wait3A_318 = tpu.memref_slice %arg2[%dma_wait3A_316, %dma_wait3A_317] : memref<1000000x128xf32, #tpu.memory_space<hbm>> -> memref<1000000x128xf32, #tpu.memory_space<hbm>>
      tpu.wait_indirect_dma semaphore(%arg12 : memref<!tpu.dma_semaphore, #tpu.memory_space<semaphore_mem>>) src(%dma_wait3A_318 : memref<1000000x128xf32, #tpu.memory_space<hbm>>) dst(%dma_wait3A_312 : memref<32x128xf32, #tpu.memory_space<vmem>>)
      %dma_wait3A_319 = arith.constant 2 : i32
      %dma_wait3A_320 = arith.constant 64 : i32
      %dma_wait3A_321 = arith.constant 0 : i32
      %dma_wait3A_322 = tpu.memref_slice %arg7[%dma_wait3A_320, %dma_wait3A_321] : memref<256x128xf32, #tpu.memory_space<vmem>> -> memref<32x128xf32, #tpu.memory_space<vmem>>
      %dma_wait3A_323 = arith.constant 0 : i32
      %dma_wait3A_324 = tpu.memref_slice %arg5[%dma_wait3A_319, %dma_wait3A_323] : memref<8x32xi32, #tpu.memory_space<vmem>> -> memref<1x32xi32, #tpu.memory_space<vmem>>
      %dma_wait3A_325 = tpu.memref_squeeze %dma_wait3A_324 : memref<1x32xi32, #tpu.memory_space<vmem>> -> memref<32xi32, #tpu.memory_space<vmem>>
      %dma_wait3A_326 = arith.constant 0 : i32
      %dma_wait3A_327 = arith.constant 0 : i32
      %dma_wait3A_328 = tpu.memref_slice %arg2[%dma_wait3A_326, %dma_wait3A_327] : memref<1000000x128xf32, #tpu.memory_space<hbm>> -> memref<1000000x128xf32, #tpu.memory_space<hbm>>
      tpu.wait_indirect_dma semaphore(%arg12 : memref<!tpu.dma_semaphore, #tpu.memory_space<semaphore_mem>>) src(%dma_wait3A_328 : memref<1000000x128xf32, #tpu.memory_space<hbm>>) dst(%dma_wait3A_322 : memref<32x128xf32, #tpu.memory_space<vmem>>)
      %dma_wait3A_329 = arith.constant 3 : i32
      %dma_wait3A_330 = arith.constant 96 : i32
      %dma_wait3A_331 = arith.constant 0 : i32
      %dma_wait3A_332 = tpu.memref_slice %arg7[%dma_wait3A_330, %dma_wait3A_331] : memref<256x128xf32, #tpu.memory_space<vmem>> -> memref<32x128xf32, #tpu.memory_space<vmem>>
      %dma_wait3A_333 = arith.constant 0 : i32
      %dma_wait3A_334 = tpu.memref_slice %arg5[%dma_wait3A_329, %dma_wait3A_333] : memref<8x32xi32, #tpu.memory_space<vmem>> -> memref<1x32xi32, #tpu.memory_space<vmem>>
      %dma_wait3A_335 = tpu.memref_squeeze %dma_wait3A_334 : memref<1x32xi32, #tpu.memory_space<vmem>> -> memref<32xi32, #tpu.memory_space<vmem>>
      %dma_wait3A_336 = arith.constant 0 : i32
      %dma_wait3A_337 = arith.constant 0 : i32
      %dma_wait3A_338 = tpu.memref_slice %arg2[%dma_wait3A_336, %dma_wait3A_337] : memref<1000000x128xf32, #tpu.memory_space<hbm>> -> memref<1000000x128xf32, #tpu.memory_space<hbm>>
      tpu.wait_indirect_dma semaphore(%arg12 : memref<!tpu.dma_semaphore, #tpu.memory_space<semaphore_mem>>) src(%dma_wait3A_338 : memref<1000000x128xf32, #tpu.memory_space<hbm>>) dst(%dma_wait3A_332 : memref<32x128xf32, #tpu.memory_space<vmem>>)
      %dma_wait3A_339 = arith.constant 4 : i32
      %dma_wait3A_340 = arith.constant 128 : i32
      %dma_wait3A_341 = arith.constant 0 : i32
      %dma_wait3A_342 = tpu.memref_slice %arg7[%dma_wait3A_340, %dma_wait3A_341] : memref<256x128xf32, #tpu.memory_space<vmem>> -> memref<32x128xf32, #tpu.memory_space<vmem>>
      %dma_wait3A_343 = arith.constant 0 : i32
      %dma_wait3A_344 = tpu.memref_slice %arg5[%dma_wait3A_339, %dma_wait3A_343] : memref<8x32xi32, #tpu.memory_space<vmem>> -> memref<1x32xi32, #tpu.memory_space<vmem>>
      %dma_wait3A_345 = tpu.memref_squeeze %dma_wait3A_344 : memref<1x32xi32, #tpu.memory_space<vmem>> -> memref<32xi32, #tpu.memory_space<vmem>>
      %dma_wait3A_346 = arith.constant 0 : i32
      %dma_wait3A_347 = arith.constant 0 : i32
      %dma_wait3A_348 = tpu.memref_slice %arg2[%dma_wait3A_346, %dma_wait3A_347] : memref<1000000x128xf32, #tpu.memory_space<hbm>> -> memref<1000000x128xf32, #tpu.memory_space<hbm>>
      tpu.wait_indirect_dma semaphore(%arg12 : memref<!tpu.dma_semaphore, #tpu.memory_space<semaphore_mem>>) src(%dma_wait3A_348 : memref<1000000x128xf32, #tpu.memory_space<hbm>>) dst(%dma_wait3A_342 : memref<32x128xf32, #tpu.memory_space<vmem>>)
      %dma_wait3A_349 = arith.constant 5 : i32
      %dma_wait3A_350 = arith.constant 160 : i32
      %dma_wait3A_351 = arith.constant 0 : i32
      %dma_wait3A_352 = tpu.memref_slice %arg7[%dma_wait3A_350, %dma_wait3A_351] : memref<256x128xf32, #tpu.memory_space<vmem>> -> memref<32x128xf32, #tpu.memory_space<vmem>>
      %dma_wait3A_353 = arith.constant 0 : i32
      %dma_wait3A_354 = tpu.memref_slice %arg5[%dma_wait3A_349, %dma_wait3A_353] : memref<8x32xi32, #tpu.memory_space<vmem>> -> memref<1x32xi32, #tpu.memory_space<vmem>>
      %dma_wait3A_355 = tpu.memref_squeeze %dma_wait3A_354 : memref<1x32xi32, #tpu.memory_space<vmem>> -> memref<32xi32, #tpu.memory_space<vmem>>
      %dma_wait3A_356 = arith.constant 0 : i32
      %dma_wait3A_357 = arith.constant 0 : i32
      %dma_wait3A_358 = tpu.memref_slice %arg2[%dma_wait3A_356, %dma_wait3A_357] : memref<1000000x128xf32, #tpu.memory_space<hbm>> -> memref<1000000x128xf32, #tpu.memory_space<hbm>>
      tpu.wait_indirect_dma semaphore(%arg12 : memref<!tpu.dma_semaphore, #tpu.memory_space<semaphore_mem>>) src(%dma_wait3A_358 : memref<1000000x128xf32, #tpu.memory_space<hbm>>) dst(%dma_wait3A_352 : memref<32x128xf32, #tpu.memory_space<vmem>>)
      %dma_wait3A_359 = arith.constant 6 : i32
      %dma_wait3A_360 = arith.constant 192 : i32
      %dma_wait3A_361 = arith.constant 0 : i32
      %dma_wait3A_362 = tpu.memref_slice %arg7[%dma_wait3A_360, %dma_wait3A_361] : memref<256x128xf32, #tpu.memory_space<vmem>> -> memref<32x128xf32, #tpu.memory_space<vmem>>
      %dma_wait3A_363 = arith.constant 0 : i32
      %dma_wait3A_364 = tpu.memref_slice %arg5[%dma_wait3A_359, %dma_wait3A_363] : memref<8x32xi32, #tpu.memory_space<vmem>> -> memref<1x32xi32, #tpu.memory_space<vmem>>
      %dma_wait3A_365 = tpu.memref_squeeze %dma_wait3A_364 : memref<1x32xi32, #tpu.memory_space<vmem>> -> memref<32xi32, #tpu.memory_space<vmem>>
      %dma_wait3A_366 = arith.constant 0 : i32
      %dma_wait3A_367 = arith.constant 0 : i32
      %dma_wait3A_368 = tpu.memref_slice %arg2[%dma_wait3A_366, %dma_wait3A_367] : memref<1000000x128xf32, #tpu.memory_space<hbm>> -> memref<1000000x128xf32, #tpu.memory_space<hbm>>
      tpu.wait_indirect_dma semaphore(%arg12 : memref<!tpu.dma_semaphore, #tpu.memory_space<semaphore_mem>>) src(%dma_wait3A_368 : memref<1000000x128xf32, #tpu.memory_space<hbm>>) dst(%dma_wait3A_362 : memref<32x128xf32, #tpu.memory_space<vmem>>)
      %dma_wait3A_369 = arith.constant 7 : i32
      %dma_wait3A_370 = arith.constant 224 : i32
      %dma_wait3A_371 = arith.constant 0 : i32
      %dma_wait3A_372 = tpu.memref_slice %arg7[%dma_wait3A_370, %dma_wait3A_371] : memref<256x128xf32, #tpu.memory_space<vmem>> -> memref<32x128xf32, #tpu.memory_space<vmem>>
      %dma_wait3A_373 = arith.constant 0 : i32
      %dma_wait3A_374 = tpu.memref_slice %arg5[%dma_wait3A_369, %dma_wait3A_373] : memref<8x32xi32, #tpu.memory_space<vmem>> -> memref<1x32xi32, #tpu.memory_space<vmem>>
      %dma_wait3A_375 = tpu.memref_squeeze %dma_wait3A_374 : memref<1x32xi32, #tpu.memory_space<vmem>> -> memref<32xi32, #tpu.memory_space<vmem>>
      %dma_wait3A_376 = arith.constant 0 : i32
      %dma_wait3A_377 = arith.constant 0 : i32
      %dma_wait3A_378 = tpu.memref_slice %arg2[%dma_wait3A_376, %dma_wait3A_377] : memref<1000000x128xf32, #tpu.memory_space<hbm>> -> memref<1000000x128xf32, #tpu.memory_space<hbm>>
      tpu.wait_indirect_dma semaphore(%arg12 : memref<!tpu.dma_semaphore, #tpu.memory_space<semaphore_mem>>) src(%dma_wait3A_378 : memref<1000000x128xf32, #tpu.memory_space<hbm>>) dst(%dma_wait3A_372 : memref<32x128xf32, #tpu.memory_space<vmem>>)
      %add3A_379 = arith.constant 2 : i32
      %add3A_380 = arith.addi %add3A_207, %add3A_379 : i32
      %rem3A_381 = arith.constant 100 : i32
      %rem3A_382 = arith.remsi %add3A_380, %rem3A_381 : i32
      %add3A_383 = arith.addi %mul3A_2, %rem3A_382 : i32
      %mul3A_384 = arith.constant 8 : i32
      %mul3A_385 = arith.muli %add3A_383, %mul3A_384 : i32
      %dma_start3A_386 = arith.constant 0 : i32
      %dma_start3A_387 = tpu.memref_slice %arg3[%mul3A_385, %dma_start3A_386] : memref<25600x32xi32, #tpu.memory_space<hbm>> -> memref<8x32xi32, #tpu.memory_space<hbm>>
      %dma_start3A_388 = arith.constant 0 : i32
      %dma_start3A_389 = tpu.memref_slice %arg3[%mul3A_385, %dma_start3A_388] : memref<25600x32xi32, #tpu.memory_space<hbm>> -> memref<8x32xi32, #tpu.memory_space<hbm>>
      tpu.enqueue_dma source(%dma_start3A_389 : memref<8x32xi32, #tpu.memory_space<hbm>>) target(%arg5 : memref<8x32xi32, #tpu.memory_space<vmem>>) target_semaphore(%arg10 : memref<!tpu.dma_semaphore, #tpu.memory_space<semaphore_mem>>)
      %gt3A = arith.constant 0 : i32
      %gt3A_390 = arith.cmpi sgt, %scan3A_203, %gt3A : i32
      %convert_element_type3A = arith.extui %gt3A_390 : i1 to i32
      %cond3A = arith.constant 0 : i32
      %cond3A_391 = arith.cmpi ne, %convert_element_type3A, %cond3A : i32
      scf.if %cond3A_391 {
        %sub3A_611 = arith.constant 1 : i32
        %sub3A_612 = arith.subi %add3A_208, %sub3A_611 : i32
        %mul3A_613 = arith.constant 256 : i32
        %mul3A_614 = arith.muli %sub3A_612, %mul3A_613 : i32
        %dma_wait3A_615 = arith.constant 0 : i32
        %dma_wait3A_616 = tpu.memref_slice %arg4[%mul3A_614, %dma_wait3A_615] : memref<819200x64xf32, #tpu.memory_space<hbm>> -> memref<256x64xf32, #tpu.memory_space<hbm>>
        %dma_wait3A_617 = arith.constant 0 : i32
        %dma_wait3A_618 = tpu.memref_slice %arg4[%mul3A_614, %dma_wait3A_617] : memref<819200x64xf32, #tpu.memory_space<hbm>> -> memref<256x64xf32, #tpu.memory_space<hbm>>
        tpu.wait_dma2 semaphore(%arg14 : memref<!tpu.dma_semaphore, #tpu.memory_space<semaphore_mem>>) src(%arg9 : memref<256x64xf32, #tpu.memory_space<vmem>>) dst(%dma_wait3A_618 : memref<256x64xf32, #tpu.memory_space<hbm>>)
      } else {
      }
      %scan3A_392 = arith.constant 0 : i32
      %scan3A_393 = arith.constant 0 : i32
      %scan3A_394 = arith.constant 32 : i32
      %scan3A_395 = arith.addi %scan3A_393, %scan3A_394 : i32
      %scan3A_396 = arith.constant 1 : i32
      scf.for %scan3A_611 = %scan3A_393 to %scan3A_395 step %scan3A_396  : i32 {
        %mul3A_612 = arith.constant 8 : i32
        %mul3A_613 = arith.muli %scan3A_611, %mul3A_612 : i32
        %add3A_614 = arith.constant 0 : i32
        %add3A_615 = arith.addi %mul3A_613, %add3A_614 : i32
        %get3A = arith.index_cast %add3A_615 : i32 to index
        %get3A_616 = arith.constant 0 : index
        %get3A_617 = tpu.vector_load %arg7[%get3A, %get3A_616] {strides = array<i32>} : memref<256x128xf32, #tpu.memory_space<vmem>>, vector<1x16xf32>,
        %get3A_618 = vector.shape_cast %get3A_617 : vector<1x16xf32> to vector<16xf32>
        %mul3A_619 = arith.constant 8.000000e+00 : f32
        %mul3A_620 = vector.broadcast %mul3A_619 : f32 to vector<16xf32>
        %mul3A_621 = arith.mulf %get3A_618, %mul3A_620 : vector<16xf32>
        %add3A_622 = arith.constant 0 : i32
        %add3A_623 = arith.addi %mul3A_613, %add3A_622 : i32
        %swap3A = arith.index_cast %add3A_623 : i32 to index
        %swap3A_624 = arith.constant 0 : index
        %swap3A_625 = tpu.vector_load %arg9[%swap3A, %swap3A_624] {strides = array<i32>} : memref<256x64xf32, #tpu.memory_space<vmem>>, vector<1x16xf32>,
        %swap3A_626 = vector.shape_cast %swap3A_625 : vector<1x16xf32> to vector<16xf32>
        %swap3A_627 = vector.shape_cast %mul3A_621 : vector<16xf32> to vector<1x16xf32>
        tpu.vector_store %arg9[%swap3A, %swap3A_624], %swap3A_627 {strides = array<i32>} : memref<256x64xf32, #tpu.memory_space<vmem>>, vector<1x16xf32>,
        %add3A_628 = arith.constant 0 : i32
        %add3A_629 = arith.addi %mul3A_613, %add3A_628 : i32
        %get3A_630 = arith.index_cast %add3A_629 : i32 to index
        %get3A_631 = arith.constant 16 : index
        %get3A_632 = tpu.vector_load %arg7[%get3A_630, %get3A_631] {strides = array<i32>} : memref<256x128xf32, #tpu.memory_space<vmem>>, vector<1x16xf32>,
        %get3A_633 = vector.shape_cast %get3A_632 : vector<1x16xf32> to vector<16xf32>
        %mul3A_634 = arith.constant 8.000000e+00 : f32
        %mul3A_635 = vector.broadcast %mul3A_634 : f32 to vector<16xf32>
        %mul3A_636 = arith.mulf %get3A_633, %mul3A_635 : vector<16xf32>
        %add3A_637 = arith.constant 0 : i32
        %add3A_638 = arith.addi %mul3A_613, %add3A_637 : i32
        %swap3A_639 = arith.index_cast %add3A_638 : i32 to index
        %swap3A_640 = arith.constant 16 : index
        %swap3A_641 = tpu.vector_load %arg9[%swap3A_639, %swap3A_640] {strides = array<i32>} : memref<256x64xf32, #tpu.memory_space<vmem>>, vector<1x16xf32>,
        %swap3A_642 = vector.shape_cast %swap3A_641 : vector<1x16xf32> to vector<16xf32>
        %swap3A_643 = vector.shape_cast %mul3A_636 : vector<16xf32> to vector<1x16xf32>
        tpu.vector_store %arg9[%swap3A_639, %swap3A_640], %swap3A_643 {strides = array<i32>} : memref<256x64xf32, #tpu.memory_space<vmem>>, vector<1x16xf32>,
        %add3A_644 = arith.constant 0 : i32
        %add3A_645 = arith.addi %mul3A_613, %add3A_644 : i32
        %get3A_646 = arith.index_cast %add3A_645 : i32 to index
        %get3A_647 = arith.constant 32 : index
        %get3A_648 = tpu.vector_load %arg7[%get3A_646, %get3A_647] {strides = array<i32>} : memref<256x128xf32, #tpu.memory_space<vmem>>, vector<1x16xf32>,
        %get3A_649 = vector.shape_cast %get3A_648 : vector<1x16xf32> to vector<16xf32>
        %mul3A_650 = arith.constant 8.000000e+00 : f32
        %mul3A_651 = vector.broadcast %mul3A_650 : f32 to vector<16xf32>
        %mul3A_652 = arith.mulf %get3A_649, %mul3A_651 : vector<16xf32>
        %add3A_653 = arith.constant 0 : i32
        %add3A_654 = arith.addi %mul3A_613, %add3A_653 : i32
        %swap3A_655 = arith.index_cast %add3A_654 : i32 to index
        %swap3A_656 = arith.constant 32 : index
        %swap3A_657 = tpu.vector_load %arg9[%swap3A_655, %swap3A_656] {strides = array<i32>} : memref<256x64xf32, #tpu.memory_space<vmem>>, vector<1x16xf32>,
        %swap3A_658 = vector.shape_cast %swap3A_657 : vector<1x16xf32> to vector<16xf32>
        %swap3A_659 = vector.shape_cast %mul3A_652 : vector<16xf32> to vector<1x16xf32>
        tpu.vector_store %arg9[%swap3A_655, %swap3A_656], %swap3A_659 {strides = array<i32>} : memref<256x64xf32, #tpu.memory_space<vmem>>, vector<1x16xf32>,
        %add3A_660 = arith.constant 0 : i32
        %add3A_661 = arith.addi %mul3A_613, %add3A_660 : i32
        %get3A_662 = arith.index_cast %add3A_661 : i32 to index
        %get3A_663 = arith.constant 48 : index
        %get3A_664 = tpu.vector_load %arg7[%get3A_662, %get3A_663] {strides = array<i32>} : memref<256x128xf32, #tpu.memory_space<vmem>>, vector<1x16xf32>,
        %get3A_665 = vector.shape_cast %get3A_664 : vector<1x16xf32> to vector<16xf32>
        %mul3A_666 = arith.constant 8.000000e+00 : f32
        %mul3A_667 = vector.broadcast %mul3A_666 : f32 to vector<16xf32>
        %mul3A_668 = arith.mulf %get3A_665, %mul3A_667 : vector<16xf32>
        %add3A_669 = arith.constant 0 : i32
        %add3A_670 = arith.addi %mul3A_613, %add3A_669 : i32
        %swap3A_671 = arith.index_cast %add3A_670 : i32 to index
        %swap3A_672 = arith.constant 48 : index
        %swap3A_673 = tpu.vector_load %arg9[%swap3A_671, %swap3A_672] {strides = array<i32>} : memref<256x64xf32, #tpu.memory_space<vmem>>, vector<1x16xf32>,
        %swap3A_674 = vector.shape_cast %swap3A_673 : vector<1x16xf32> to vector<16xf32>
        %swap3A_675 = vector.shape_cast %mul3A_668 : vector<16xf32> to vector<1x16xf32>
        tpu.vector_store %arg9[%swap3A_671, %swap3A_672], %swap3A_675 {strides = array<i32>} : memref<256x64xf32, #tpu.memory_space<vmem>>, vector<1x16xf32>,
        %add3A_676 = arith.constant 1 : i32
        %add3A_677 = arith.addi %mul3A_613, %add3A_676 : i32
        %get3A_678 = arith.index_cast %add3A_677 : i32 to index
        %get3A_679 = arith.constant 0 : index
        %get3A_680 = tpu.vector_load %arg7[%get3A_678, %get3A_679] {strides = array<i32>} : memref<256x128xf32, #tpu.memory_space<vmem>>, vector<1x16xf32>,
        %get3A_681 = vector.shape_cast %get3A_680 : vector<1x16xf32> to vector<16xf32>
        %mul3A_682 = arith.constant 8.000000e+00 : f32
        %mul3A_683 = vector.broadcast %mul3A_682 : f32 to vector<16xf32>
        %mul3A_684 = arith.mulf %get3A_681, %mul3A_683 : vector<16xf32>
        %add3A_685 = arith.constant 1 : i32
        %add3A_686 = arith.addi %mul3A_613, %add3A_685 : i32
        %swap3A_687 = arith.index_cast %add3A_686 : i32 to index
        %swap3A_688 = arith.constant 0 : index
        %swap3A_689 = tpu.vector_load %arg9[%swap3A_687, %swap3A_688] {strides = array<i32>} : memref<256x64xf32, #tpu.memory_space<vmem>>, vector<1x16xf32>,
        %swap3A_690 = vector.shape_cast %swap3A_689 : vector<1x16xf32> to vector<16xf32>
        %swap3A_691 = vector.shape_cast %mul3A_684 : vector<16xf32> to vector<1x16xf32>
        tpu.vector_store %arg9[%swap3A_687, %swap3A_688], %swap3A_691 {strides = array<i32>} : memref<256x64xf32, #tpu.memory_space<vmem>>, vector<1x16xf32>,
        %add3A_692 = arith.constant 1 : i32
        %add3A_693 = arith.addi %mul3A_613, %add3A_692 : i32
        %get3A_694 = arith.index_cast %add3A_693 : i32 to index
        %get3A_695 = arith.constant 16 : index
        %get3A_696 = tpu.vector_load %arg7[%get3A_694, %get3A_695] {strides = array<i32>} : memref<256x128xf32, #tpu.memory_space<vmem>>, vector<1x16xf32>,
        %get3A_697 = vector.shape_cast %get3A_696 : vector<1x16xf32> to vector<16xf32>
        %mul3A_698 = arith.constant 8.000000e+00 : f32
        %mul3A_699 = vector.broadcast %mul3A_698 : f32 to vector<16xf32>
        %mul3A_700 = arith.mulf %get3A_697, %mul3A_699 : vector<16xf32>
        %add3A_701 = arith.constant 1 : i32
        %add3A_702 = arith.addi %mul3A_613, %add3A_701 : i32
        %swap3A_703 = arith.index_cast %add3A_702 : i32 to index
        %swap3A_704 = arith.constant 16 : index
        %swap3A_705 = tpu.vector_load %arg9[%swap3A_703, %swap3A_704] {strides = array<i32>} : memref<256x64xf32, #tpu.memory_space<vmem>>, vector<1x16xf32>,
        %swap3A_706 = vector.shape_cast %swap3A_705 : vector<1x16xf32> to vector<16xf32>
        %swap3A_707 = vector.shape_cast %mul3A_700 : vector<16xf32> to vector<1x16xf32>
        tpu.vector_store %arg9[%swap3A_703, %swap3A_704], %swap3A_707 {strides = array<i32>} : memref<256x64xf32, #tpu.memory_space<vmem>>, vector<1x16xf32>,
        %add3A_708 = arith.constant 1 : i32
        %add3A_709 = arith.addi %mul3A_613, %add3A_708 : i32
        %get3A_710 = arith.index_cast %add3A_709 : i32 to index
        %get3A_711 = arith.constant 32 : index
        %get3A_712 = tpu.vector_load %arg7[%get3A_710, %get3A_711] {strides = array<i32>} : memref<256x128xf32, #tpu.memory_space<vmem>>, vector<1x16xf32>,
        %get3A_713 = vector.shape_cast %get3A_712 : vector<1x16xf32> to vector<16xf32>
        %mul3A_714 = arith.constant 8.000000e+00 : f32
        %mul3A_715 = vector.broadcast %mul3A_714 : f32 to vector<16xf32>
        %mul3A_716 = arith.mulf %get3A_713, %mul3A_715 : vector<16xf32>
        %add3A_717 = arith.constant 1 : i32
        %add3A_718 = arith.addi %mul3A_613, %add3A_717 : i32
        %swap3A_719 = arith.index_cast %add3A_718 : i32 to index
        %swap3A_720 = arith.constant 32 : index
        %swap3A_721 = tpu.vector_load %arg9[%swap3A_719, %swap3A_720] {strides = array<i32>} : memref<256x64xf32, #tpu.memory_space<vmem>>, vector<1x16xf32>,
        %swap3A_722 = vector.shape_cast %swap3A_721 : vector<1x16xf32> to vector<16xf32>
        %swap3A_723 = vector.shape_cast %mul3A_716 : vector<16xf32> to vector<1x16xf32>
        tpu.vector_store %arg9[%swap3A_719, %swap3A_720], %swap3A_723 {strides = array<i32>} : memref<256x64xf32, #tpu.memory_space<vmem>>, vector<1x16xf32>,
        %add3A_724 = arith.constant 1 : i32
        %add3A_725 = arith.addi %mul3A_613, %add3A_724 : i32
        %get3A_726 = arith.index_cast %add3A_725 : i32 to index
        %get3A_727 = arith.constant 48 : index
        %get3A_728 = tpu.vector_load %arg7[%get3A_726, %get3A_727] {strides = array<i32>} : memref<256x128xf32, #tpu.memory_space<vmem>>, vector<1x16xf32>,
        %get3A_729 = vector.shape_cast %get3A_728 : vector<1x16xf32> to vector<16xf32>
        %mul3A_730 = arith.constant 8.000000e+00 : f32
        %mul3A_731 = vector.broadcast %mul3A_730 : f32 to vector<16xf32>
        %mul3A_732 = arith.mulf %get3A_729, %mul3A_731 : vector<16xf32>
        %add3A_733 = arith.constant 1 : i32
        %add3A_734 = arith.addi %mul3A_613, %add3A_733 : i32
        %swap3A_735 = arith.index_cast %add3A_734 : i32 to index
        %swap3A_736 = arith.constant 48 : index
        %swap3A_737 = tpu.vector_load %arg9[%swap3A_735, %swap3A_736] {strides = array<i32>} : memref<256x64xf32, #tpu.memory_space<vmem>>, vector<1x16xf32>,
        %swap3A_738 = vector.shape_cast %swap3A_737 : vector<1x16xf32> to vector<16xf32>
        %swap3A_739 = vector.shape_cast %mul3A_732 : vector<16xf32> to vector<1x16xf32>
        tpu.vector_store %arg9[%swap3A_735, %swap3A_736], %swap3A_739 {strides = array<i32>} : memref<256x64xf32, #tpu.memory_space<vmem>>, vector<1x16xf32>,
        %add3A_740 = arith.constant 2 : i32
        %add3A_741 = arith.addi %mul3A_613, %add3A_740 : i32
        %get3A_742 = arith.index_cast %add3A_741 : i32 to index
        %get3A_743 = arith.constant 0 : index
        %get3A_744 = tpu.vector_load %arg7[%get3A_742, %get3A_743] {strides = array<i32>} : memref<256x128xf32, #tpu.memory_space<vmem>>, vector<1x16xf32>,
        %get3A_745 = vector.shape_cast %get3A_744 : vector<1x16xf32> to vector<16xf32>
        %mul3A_746 = arith.constant 8.000000e+00 : f32
        %mul3A_747 = vector.broadcast %mul3A_746 : f32 to vector<16xf32>
        %mul3A_748 = arith.mulf %get3A_745, %mul3A_747 : vector<16xf32>
        %add3A_749 = arith.constant 2 : i32
        %add3A_750 = arith.addi %mul3A_613, %add3A_749 : i32
        %swap3A_751 = arith.index_cast %add3A_750 : i32 to index
        %swap3A_752 = arith.constant 0 : index
        %swap3A_753 = tpu.vector_load %arg9[%swap3A_751, %swap3A_752] {strides = array<i32>} : memref<256x64xf32, #tpu.memory_space<vmem>>, vector<1x16xf32>,
        %swap3A_754 = vector.shape_cast %swap3A_753 : vector<1x16xf32> to vector<16xf32>
        %swap3A_755 = vector.shape_cast %mul3A_748 : vector<16xf32> to vector<1x16xf32>
        tpu.vector_store %arg9[%swap3A_751, %swap3A_752], %swap3A_755 {strides = array<i32>} : memref<256x64xf32, #tpu.memory_space<vmem>>, vector<1x16xf32>,
        %add3A_756 = arith.constant 2 : i32
        %add3A_757 = arith.addi %mul3A_613, %add3A_756 : i32
        %get3A_758 = arith.index_cast %add3A_757 : i32 to index
        %get3A_759 = arith.constant 16 : index
        %get3A_760 = tpu.vector_load %arg7[%get3A_758, %get3A_759] {strides = array<i32>} : memref<256x128xf32, #tpu.memory_space<vmem>>, vector<1x16xf32>,
        %get3A_761 = vector.shape_cast %get3A_760 : vector<1x16xf32> to vector<16xf32>
        %mul3A_762 = arith.constant 8.000000e+00 : f32
        %mul3A_763 = vector.broadcast %mul3A_762 : f32 to vector<16xf32>
        %mul3A_764 = arith.mulf %get3A_761, %mul3A_763 : vector<16xf32>
        %add3A_765 = arith.constant 2 : i32
        %add3A_766 = arith.addi %mul3A_613, %add3A_765 : i32
        %swap3A_767 = arith.index_cast %add3A_766 : i32 to index
        %swap3A_768 = arith.constant 16 : index
        %swap3A_769 = tpu.vector_load %arg9[%swap3A_767, %swap3A_768] {strides = array<i32>} : memref<256x64xf32, #tpu.memory_space<vmem>>, vector<1x16xf32>,
        %swap3A_770 = vector.shape_cast %swap3A_769 : vector<1x16xf32> to vector<16xf32>
        %swap3A_771 = vector.shape_cast %mul3A_764 : vector<16xf32> to vector<1x16xf32>
        tpu.vector_store %arg9[%swap3A_767, %swap3A_768], %swap3A_771 {strides = array<i32>} : memref<256x64xf32, #tpu.memory_space<vmem>>, vector<1x16xf32>,
        %add3A_772 = arith.constant 2 : i32
        %add3A_773 = arith.addi %mul3A_613, %add3A_772 : i32
        %get3A_774 = arith.index_cast %add3A_773 : i32 to index
        %get3A_775 = arith.constant 32 : index
        %get3A_776 = tpu.vector_load %arg7[%get3A_774, %get3A_775] {strides = array<i32>} : memref<256x128xf32, #tpu.memory_space<vmem>>, vector<1x16xf32>,
        %get3A_777 = vector.shape_cast %get3A_776 : vector<1x16xf32> to vector<16xf32>
        %mul3A_778 = arith.constant 8.000000e+00 : f32
        %mul3A_779 = vector.broadcast %mul3A_778 : f32 to vector<16xf32>
        %mul3A_780 = arith.mulf %get3A_777, %mul3A_779 : vector<16xf32>
        %add3A_781 = arith.constant 2 : i32
        %add3A_782 = arith.addi %mul3A_613, %add3A_781 : i32
        %swap3A_783 = arith.index_cast %add3A_782 : i32 to index
        %swap3A_784 = arith.constant 32 : index
        %swap3A_785 = tpu.vector_load %arg9[%swap3A_783, %swap3A_784] {strides = array<i32>} : memref<256x64xf32, #tpu.memory_space<vmem>>, vector<1x16xf32>,
        %swap3A_786 = vector.shape_cast %swap3A_785 : vector<1x16xf32> to vector<16xf32>
        %swap3A_787 = vector.shape_cast %mul3A_780 : vector<16xf32> to vector<1x16xf32>
        tpu.vector_store %arg9[%swap3A_783, %swap3A_784], %swap3A_787 {strides = array<i32>} : memref<256x64xf32, #tpu.memory_space<vmem>>, vector<1x16xf32>,
        %add3A_788 = arith.constant 2 : i32
        %add3A_789 = arith.addi %mul3A_613, %add3A_788 : i32
        %get3A_790 = arith.index_cast %add3A_789 : i32 to index
        %get3A_791 = arith.constant 48 : index
        %get3A_792 = tpu.vector_load %arg7[%get3A_790, %get3A_791] {strides = array<i32>} : memref<256x128xf32, #tpu.memory_space<vmem>>, vector<1x16xf32>,
        %get3A_793 = vector.shape_cast %get3A_792 : vector<1x16xf32> to vector<16xf32>
        %mul3A_794 = arith.constant 8.000000e+00 : f32
        %mul3A_795 = vector.broadcast %mul3A_794 : f32 to vector<16xf32>
        %mul3A_796 = arith.mulf %get3A_793, %mul3A_795 : vector<16xf32>
        %add3A_797 = arith.constant 2 : i32
        %add3A_798 = arith.addi %mul3A_613, %add3A_797 : i32
        %swap3A_799 = arith.index_cast %add3A_798 : i32 to index
        %swap3A_800 = arith.constant 48 : index
        %swap3A_801 = tpu.vector_load %arg9[%swap3A_799, %swap3A_800] {strides = array<i32>} : memref<256x64xf32, #tpu.memory_space<vmem>>, vector<1x16xf32>,
        %swap3A_802 = vector.shape_cast %swap3A_801 : vector<1x16xf32> to vector<16xf32>
        %swap3A_803 = vector.shape_cast %mul3A_796 : vector<16xf32> to vector<1x16xf32>
        tpu.vector_store %arg9[%swap3A_799, %swap3A_800], %swap3A_803 {strides = array<i32>} : memref<256x64xf32, #tpu.memory_space<vmem>>, vector<1x16xf32>,
        %add3A_804 = arith.constant 3 : i32
        %add3A_805 = arith.addi %mul3A_613, %add3A_804 : i32
        %get3A_806 = arith.index_cast %add3A_805 : i32 to index
        %get3A_807 = arith.constant 0 : index
        %get3A_808 = tpu.vector_load %arg7[%get3A_806, %get3A_807] {strides = array<i32>} : memref<256x128xf32, #tpu.memory_space<vmem>>, vector<1x16xf32>,
        %get3A_809 = vector.shape_cast %get3A_808 : vector<1x16xf32> to vector<16xf32>
        %mul3A_810 = arith.constant 8.000000e+00 : f32
        %mul3A_811 = vector.broadcast %mul3A_810 : f32 to vector<16xf32>
        %mul3A_812 = arith.mulf %get3A_809, %mul3A_811 : vector<16xf32>
        %add3A_813 = arith.constant 3 : i32
        %add3A_814 = arith.addi %mul3A_613, %add3A_813 : i32
        %swap3A_815 = arith.index_cast %add3A_814 : i32 to index
        %swap3A_816 = arith.constant 0 : index
        %swap3A_817 = tpu.vector_load %arg9[%swap3A_815, %swap3A_816] {strides = array<i32>} : memref<256x64xf32, #tpu.memory_space<vmem>>, vector<1x16xf32>,
        %swap3A_818 = vector.shape_cast %swap3A_817 : vector<1x16xf32> to vector<16xf32>
        %swap3A_819 = vector.shape_cast %mul3A_812 : vector<16xf32> to vector<1x16xf32>
        tpu.vector_store %arg9[%swap3A_815, %swap3A_816], %swap3A_819 {strides = array<i32>} : memref<256x64xf32, #tpu.memory_space<vmem>>, vector<1x16xf32>,
        %add3A_820 = arith.constant 3 : i32
        %add3A_821 = arith.addi %mul3A_613, %add3A_820 : i32
        %get3A_822 = arith.index_cast %add3A_821 : i32 to index
        %get3A_823 = arith.constant 16 : index
        %get3A_824 = tpu.vector_load %arg7[%get3A_822, %get3A_823] {strides = array<i32>} : memref<256x128xf32, #tpu.memory_space<vmem>>, vector<1x16xf32>,
        %get3A_825 = vector.shape_cast %get3A_824 : vector<1x16xf32> to vector<16xf32>
        %mul3A_826 = arith.constant 8.000000e+00 : f32
        %mul3A_827 = vector.broadcast %mul3A_826 : f32 to vector<16xf32>
        %mul3A_828 = arith.mulf %get3A_825, %mul3A_827 : vector<16xf32>
        %add3A_829 = arith.constant 3 : i32
        %add3A_830 = arith.addi %mul3A_613, %add3A_829 : i32
        %swap3A_831 = arith.index_cast %add3A_830 : i32 to index
        %swap3A_832 = arith.constant 16 : index
        %swap3A_833 = tpu.vector_load %arg9[%swap3A_831, %swap3A_832] {strides = array<i32>} : memref<256x64xf32, #tpu.memory_space<vmem>>, vector<1x16xf32>,
        %swap3A_834 = vector.shape_cast %swap3A_833 : vector<1x16xf32> to vector<16xf32>
        %swap3A_835 = vector.shape_cast %mul3A_828 : vector<16xf32> to vector<1x16xf32>
        tpu.vector_store %arg9[%swap3A_831, %swap3A_832], %swap3A_835 {strides = array<i32>} : memref<256x64xf32, #tpu.memory_space<vmem>>, vector<1x16xf32>,
        %add3A_836 = arith.constant 3 : i32
        %add3A_837 = arith.addi %mul3A_613, %add3A_836 : i32
        %get3A_838 = arith.index_cast %add3A_837 : i32 to index
        %get3A_839 = arith.constant 32 : index
        %get3A_840 = tpu.vector_load %arg7[%get3A_838, %get3A_839] {strides = array<i32>} : memref<256x128xf32, #tpu.memory_space<vmem>>, vector<1x16xf32>,
        %get3A_841 = vector.shape_cast %get3A_840 : vector<1x16xf32> to vector<16xf32>
        %mul3A_842 = arith.constant 8.000000e+00 : f32
        %mul3A_843 = vector.broadcast %mul3A_842 : f32 to vector<16xf32>
        %mul3A_844 = arith.mulf %get3A_841, %mul3A_843 : vector<16xf32>
        %add3A_845 = arith.constant 3 : i32
        %add3A_846 = arith.addi %mul3A_613, %add3A_845 : i32
        %swap3A_847 = arith.index_cast %add3A_846 : i32 to index
        %swap3A_848 = arith.constant 32 : index
        %swap3A_849 = tpu.vector_load %arg9[%swap3A_847, %swap3A_848] {strides = array<i32>} : memref<256x64xf32, #tpu.memory_space<vmem>>, vector<1x16xf32>,
        %swap3A_850 = vector.shape_cast %swap3A_849 : vector<1x16xf32> to vector<16xf32>
        %swap3A_851 = vector.shape_cast %mul3A_844 : vector<16xf32> to vector<1x16xf32>
        tpu.vector_store %arg9[%swap3A_847, %swap3A_848], %swap3A_851 {strides = array<i32>} : memref<256x64xf32, #tpu.memory_space<vmem>>, vector<1x16xf32>,
        %add3A_852 = arith.constant 3 : i32
        %add3A_853 = arith.addi %mul3A_613, %add3A_852 : i32
        %get3A_854 = arith.index_cast %add3A_853 : i32 to index
        %get3A_855 = arith.constant 48 : index
        %get3A_856 = tpu.vector_load %arg7[%get3A_854, %get3A_855] {strides = array<i32>} : memref<256x128xf32, #tpu.memory_space<vmem>>, vector<1x16xf32>,
        %get3A_857 = vector.shape_cast %get3A_856 : vector<1x16xf32> to vector<16xf32>
        %mul3A_858 = arith.constant 8.000000e+00 : f32
        %mul3A_859 = vector.broadcast %mul3A_858 : f32 to vector<16xf32>
        %mul3A_860 = arith.mulf %get3A_857, %mul3A_859 : vector<16xf32>
        %add3A_861 = arith.constant 3 : i32
        %add3A_862 = arith.addi %mul3A_613, %add3A_861 : i32
        %swap3A_863 = arith.index_cast %add3A_862 : i32 to index
        %swap3A_864 = arith.constant 48 : index
        %swap3A_865 = tpu.vector_load %arg9[%swap3A_863, %swap3A_864] {strides = array<i32>} : memref<256x64xf32, #tpu.memory_space<vmem>>, vector<1x16xf32>,
        %swap3A_866 = vector.shape_cast %swap3A_865 : vector<1x16xf32> to vector<16xf32>
        %swap3A_867 = vector.shape_cast %mul3A_860 : vector<16xf32> to vector<1x16xf32>
        tpu.vector_store %arg9[%swap3A_863, %swap3A_864], %swap3A_867 {strides = array<i32>} : memref<256x64xf32, #tpu.memory_space<vmem>>, vector<1x16xf32>,
        %add3A_868 = arith.constant 4 : i32
        %add3A_869 = arith.addi %mul3A_613, %add3A_868 : i32
        %get3A_870 = arith.index_cast %add3A_869 : i32 to index
        %get3A_871 = arith.constant 0 : index
        %get3A_872 = tpu.vector_load %arg7[%get3A_870, %get3A_871] {strides = array<i32>} : memref<256x128xf32, #tpu.memory_space<vmem>>, vector<1x16xf32>,
        %get3A_873 = vector.shape_cast %get3A_872 : vector<1x16xf32> to vector<16xf32>
        %mul3A_874 = arith.constant 8.000000e+00 : f32
        %mul3A_875 = vector.broadcast %mul3A_874 : f32 to vector<16xf32>
        %mul3A_876 = arith.mulf %get3A_873, %mul3A_875 : vector<16xf32>
        %add3A_877 = arith.constant 4 : i32
        %add3A_878 = arith.addi %mul3A_613, %add3A_877 : i32
        %swap3A_879 = arith.index_cast %add3A_878 : i32 to index
        %swap3A_880 = arith.constant 0 : index
        %swap3A_881 = tpu.vector_load %arg9[%swap3A_879, %swap3A_880] {strides = array<i32>} : memref<256x64xf32, #tpu.memory_space<vmem>>, vector<1x16xf32>,
        %swap3A_882 = vector.shape_cast %swap3A_881 : vector<1x16xf32> to vector<16xf32>
        %swap3A_883 = vector.shape_cast %mul3A_876 : vector<16xf32> to vector<1x16xf32>
        tpu.vector_store %arg9[%swap3A_879, %swap3A_880], %swap3A_883 {strides = array<i32>} : memref<256x64xf32, #tpu.memory_space<vmem>>, vector<1x16xf32>,
        %add3A_884 = arith.constant 4 : i32
        %add3A_885 = arith.addi %mul3A_613, %add3A_884 : i32
        %get3A_886 = arith.index_cast %add3A_885 : i32 to index
        %get3A_887 = arith.constant 16 : index
        %get3A_888 = tpu.vector_load %arg7[%get3A_886, %get3A_887] {strides = array<i32>} : memref<256x128xf32, #tpu.memory_space<vmem>>, vector<1x16xf32>,
        %get3A_889 = vector.shape_cast %get3A_888 : vector<1x16xf32> to vector<16xf32>
        %mul3A_890 = arith.constant 8.000000e+00 : f32
        %mul3A_891 = vector.broadcast %mul3A_890 : f32 to vector<16xf32>
        %mul3A_892 = arith.mulf %get3A_889, %mul3A_891 : vector<16xf32>
        %add3A_893 = arith.constant 4 : i32
        %add3A_894 = arith.addi %mul3A_613, %add3A_893 : i32
        %swap3A_895 = arith.index_cast %add3A_894 : i32 to index
        %swap3A_896 = arith.constant 16 : index
        %swap3A_897 = tpu.vector_load %arg9[%swap3A_895, %swap3A_896] {strides = array<i32>} : memref<256x64xf32, #tpu.memory_space<vmem>>, vector<1x16xf32>,
        %swap3A_898 = vector.shape_cast %swap3A_897 : vector<1x16xf32> to vector<16xf32>
        %swap3A_899 = vector.shape_cast %mul3A_892 : vector<16xf32> to vector<1x16xf32>
        tpu.vector_store %arg9[%swap3A_895, %swap3A_896], %swap3A_899 {strides = array<i32>} : memref<256x64xf32, #tpu.memory_space<vmem>>, vector<1x16xf32>,
        %add3A_900 = arith.constant 4 : i32
        %add3A_901 = arith.addi %mul3A_613, %add3A_900 : i32
        %get3A_902 = arith.index_cast %add3A_901 : i32 to index
        %get3A_903 = arith.constant 32 : index
        %get3A_904 = tpu.vector_load %arg7[%get3A_902, %get3A_903] {strides = array<i32>} : memref<256x128xf32, #tpu.memory_space<vmem>>, vector<1x16xf32>,
        %get3A_905 = vector.shape_cast %get3A_904 : vector<1x16xf32> to vector<16xf32>
        %mul3A_906 = arith.constant 8.000000e+00 : f32
        %mul3A_907 = vector.broadcast %mul3A_906 : f32 to vector<16xf32>
        %mul3A_908 = arith.mulf %get3A_905, %mul3A_907 : vector<16xf32>
        %add3A_909 = arith.constant 4 : i32
        %add3A_910 = arith.addi %mul3A_613, %add3A_909 : i32
        %swap3A_911 = arith.index_cast %add3A_910 : i32 to index
        %swap3A_912 = arith.constant 32 : index
        %swap3A_913 = tpu.vector_load %arg9[%swap3A_911, %swap3A_912] {strides = array<i32>} : memref<256x64xf32, #tpu.memory_space<vmem>>, vector<1x16xf32>,
        %swap3A_914 = vector.shape_cast %swap3A_913 : vector<1x16xf32> to vector<16xf32>
        %swap3A_915 = vector.shape_cast %mul3A_908 : vector<16xf32> to vector<1x16xf32>
        tpu.vector_store %arg9[%swap3A_911, %swap3A_912], %swap3A_915 {strides = array<i32>} : memref<256x64xf32, #tpu.memory_space<vmem>>, vector<1x16xf32>,
        %add3A_916 = arith.constant 4 : i32
        %add3A_917 = arith.addi %mul3A_613, %add3A_916 : i32
        %get3A_918 = arith.index_cast %add3A_917 : i32 to index
        %get3A_919 = arith.constant 48 : index
        %get3A_920 = tpu.vector_load %arg7[%get3A_918, %get3A_919] {strides = array<i32>} : memref<256x128xf32, #tpu.memory_space<vmem>>, vector<1x16xf32>,
        %get3A_921 = vector.shape_cast %get3A_920 : vector<1x16xf32> to vector<16xf32>
        %mul3A_922 = arith.constant 8.000000e+00 : f32
        %mul3A_923 = vector.broadcast %mul3A_922 : f32 to vector<16xf32>
        %mul3A_924 = arith.mulf %get3A_921, %mul3A_923 : vector<16xf32>
        %add3A_925 = arith.constant 4 : i32
        %add3A_926 = arith.addi %mul3A_613, %add3A_925 : i32
        %swap3A_927 = arith.index_cast %add3A_926 : i32 to index
        %swap3A_928 = arith.constant 48 : index
        %swap3A_929 = tpu.vector_load %arg9[%swap3A_927, %swap3A_928] {strides = array<i32>} : memref<256x64xf32, #tpu.memory_space<vmem>>, vector<1x16xf32>,
        %swap3A_930 = vector.shape_cast %swap3A_929 : vector<1x16xf32> to vector<16xf32>
        %swap3A_931 = vector.shape_cast %mul3A_924 : vector<16xf32> to vector<1x16xf32>
        tpu.vector_store %arg9[%swap3A_927, %swap3A_928], %swap3A_931 {strides = array<i32>} : memref<256x64xf32, #tpu.memory_space<vmem>>, vector<1x16xf32>,
        %add3A_932 = arith.constant 5 : i32
        %add3A_933 = arith.addi %mul3A_613, %add3A_932 : i32
        %get3A_934 = arith.index_cast %add3A_933 : i32 to index
        %get3A_935 = arith.constant 0 : index
        %get3A_936 = tpu.vector_load %arg7[%get3A_934, %get3A_935] {strides = array<i32>} : memref<256x128xf32, #tpu.memory_space<vmem>>, vector<1x16xf32>,
        %get3A_937 = vector.shape_cast %get3A_936 : vector<1x16xf32> to vector<16xf32>
        %mul3A_938 = arith.constant 8.000000e+00 : f32
        %mul3A_939 = vector.broadcast %mul3A_938 : f32 to vector<16xf32>
        %mul3A_940 = arith.mulf %get3A_937, %mul3A_939 : vector<16xf32>
        %add3A_941 = arith.constant 5 : i32
        %add3A_942 = arith.addi %mul3A_613, %add3A_941 : i32
        %swap3A_943 = arith.index_cast %add3A_942 : i32 to index
        %swap3A_944 = arith.constant 0 : index
        %swap3A_945 = tpu.vector_load %arg9[%swap3A_943, %swap3A_944] {strides = array<i32>} : memref<256x64xf32, #tpu.memory_space<vmem>>, vector<1x16xf32>,
        %swap3A_946 = vector.shape_cast %swap3A_945 : vector<1x16xf32> to vector<16xf32>
        %swap3A_947 = vector.shape_cast %mul3A_940 : vector<16xf32> to vector<1x16xf32>
        tpu.vector_store %arg9[%swap3A_943, %swap3A_944], %swap3A_947 {strides = array<i32>} : memref<256x64xf32, #tpu.memory_space<vmem>>, vector<1x16xf32>,
        %add3A_948 = arith.constant 5 : i32
        %add3A_949 = arith.addi %mul3A_613, %add3A_948 : i32
        %get3A_950 = arith.index_cast %add3A_949 : i32 to index
        %get3A_951 = arith.constant 16 : index
        %get3A_952 = tpu.vector_load %arg7[%get3A_950, %get3A_951] {strides = array<i32>} : memref<256x128xf32, #tpu.memory_space<vmem>>, vector<1x16xf32>,
        %get3A_953 = vector.shape_cast %get3A_952 : vector<1x16xf32> to vector<16xf32>
        %mul3A_954 = arith.constant 8.000000e+00 : f32
        %mul3A_955 = vector.broadcast %mul3A_954 : f32 to vector<16xf32>
        %mul3A_956 = arith.mulf %get3A_953, %mul3A_955 : vector<16xf32>
        %add3A_957 = arith.constant 5 : i32
        %add3A_958 = arith.addi %mul3A_613, %add3A_957 : i32
        %swap3A_959 = arith.index_cast %add3A_958 : i32 to index
        %swap3A_960 = arith.constant 16 : index
        %swap3A_961 = tpu.vector_load %arg9[%swap3A_959, %swap3A_960] {strides = array<i32>} : memref<256x64xf32, #tpu.memory_space<vmem>>, vector<1x16xf32>,
        %swap3A_962 = vector.shape_cast %swap3A_961 : vector<1x16xf32> to vector<16xf32>
        %swap3A_963 = vector.shape_cast %mul3A_956 : vector<16xf32> to vector<1x16xf32>
        tpu.vector_store %arg9[%swap3A_959, %swap3A_960], %swap3A_963 {strides = array<i32>} : memref<256x64xf32, #tpu.memory_space<vmem>>, vector<1x16xf32>,
        %add3A_964 = arith.constant 5 : i32
        %add3A_965 = arith.addi %mul3A_613, %add3A_964 : i32
        %get3A_966 = arith.index_cast %add3A_965 : i32 to index
        %get3A_967 = arith.constant 32 : index
        %get3A_968 = tpu.vector_load %arg7[%get3A_966, %get3A_967] {strides = array<i32>} : memref<256x128xf32, #tpu.memory_space<vmem>>, vector<1x16xf32>,
        %get3A_969 = vector.shape_cast %get3A_968 : vector<1x16xf32> to vector<16xf32>
        %mul3A_970 = arith.constant 8.000000e+00 : f32
        %mul3A_971 = vector.broadcast %mul3A_970 : f32 to vector<16xf32>
        %mul3A_972 = arith.mulf %get3A_969, %mul3A_971 : vector<16xf32>
        %add3A_973 = arith.constant 5 : i32
        %add3A_974 = arith.addi %mul3A_613, %add3A_973 : i32
        %swap3A_975 = arith.index_cast %add3A_974 : i32 to index
        %swap3A_976 = arith.constant 32 : index
        %swap3A_977 = tpu.vector_load %arg9[%swap3A_975, %swap3A_976] {strides = array<i32>} : memref<256x64xf32, #tpu.memory_space<vmem>>, vector<1x16xf32>,
        %swap3A_978 = vector.shape_cast %swap3A_977 : vector<1x16xf32> to vector<16xf32>
        %swap3A_979 = vector.shape_cast %mul3A_972 : vector<16xf32> to vector<1x16xf32>
        tpu.vector_store %arg9[%swap3A_975, %swap3A_976], %swap3A_979 {strides = array<i32>} : memref<256x64xf32, #tpu.memory_space<vmem>>, vector<1x16xf32>,
        %add3A_980 = arith.constant 5 : i32
        %add3A_981 = arith.addi %mul3A_613, %add3A_980 : i32
        %get3A_982 = arith.index_cast %add3A_981 : i32 to index
        %get3A_983 = arith.constant 48 : index
        %get3A_984 = tpu.vector_load %arg7[%get3A_982, %get3A_983] {strides = array<i32>} : memref<256x128xf32, #tpu.memory_space<vmem>>, vector<1x16xf32>,
        %get3A_985 = vector.shape_cast %get3A_984 : vector<1x16xf32> to vector<16xf32>
        %mul3A_986 = arith.constant 8.000000e+00 : f32
        %mul3A_987 = vector.broadcast %mul3A_986 : f32 to vector<16xf32>
        %mul3A_988 = arith.mulf %get3A_985, %mul3A_987 : vector<16xf32>
        %add3A_989 = arith.constant 5 : i32
        %add3A_990 = arith.addi %mul3A_613, %add3A_989 : i32
        %swap3A_991 = arith.index_cast %add3A_990 : i32 to index
        %swap3A_992 = arith.constant 48 : index
        %swap3A_993 = tpu.vector_load %arg9[%swap3A_991, %swap3A_992] {strides = array<i32>} : memref<256x64xf32, #tpu.memory_space<vmem>>, vector<1x16xf32>,
        %swap3A_994 = vector.shape_cast %swap3A_993 : vector<1x16xf32> to vector<16xf32>
        %swap3A_995 = vector.shape_cast %mul3A_988 : vector<16xf32> to vector<1x16xf32>
        tpu.vector_store %arg9[%swap3A_991, %swap3A_992], %swap3A_995 {strides = array<i32>} : memref<256x64xf32, #tpu.memory_space<vmem>>, vector<1x16xf32>,
        %add3A_996 = arith.constant 6 : i32
        %add3A_997 = arith.addi %mul3A_613, %add3A_996 : i32
        %get3A_998 = arith.index_cast %add3A_997 : i32 to index
        %get3A_999 = arith.constant 0 : index
        %get3A_1000 = tpu.vector_load %arg7[%get3A_998, %get3A_999] {strides = array<i32>} : memref<256x128xf32, #tpu.memory_space<vmem>>, vector<1x16xf32>,
        %get3A_1001 = vector.shape_cast %get3A_1000 : vector<1x16xf32> to vector<16xf32>
        %mul3A_1002 = arith.constant 8.000000e+00 : f32
        %mul3A_1003 = vector.broadcast %mul3A_1002 : f32 to vector<16xf32>
        %mul3A_1004 = arith.mulf %get3A_1001, %mul3A_1003 : vector<16xf32>
        %add3A_1005 = arith.constant 6 : i32
        %add3A_1006 = arith.addi %mul3A_613, %add3A_1005 : i32
        %swap3A_1007 = arith.index_cast %add3A_1006 : i32 to index
        %swap3A_1008 = arith.constant 0 : index
        %swap3A_1009 = tpu.vector_load %arg9[%swap3A_1007, %swap3A_1008] {strides = array<i32>} : memref<256x64xf32, #tpu.memory_space<vmem>>, vector<1x16xf32>,
        %swap3A_1010 = vector.shape_cast %swap3A_1009 : vector<1x16xf32> to vector<16xf32>
        %swap3A_1011 = vector.shape_cast %mul3A_1004 : vector<16xf32> to vector<1x16xf32>
        tpu.vector_store %arg9[%swap3A_1007, %swap3A_1008], %swap3A_1011 {strides = array<i32>} : memref<256x64xf32, #tpu.memory_space<vmem>>, vector<1x16xf32>,
        %add3A_1012 = arith.constant 6 : i32
        %add3A_1013 = arith.addi %mul3A_613, %add3A_1012 : i32
        %get3A_1014 = arith.index_cast %add3A_1013 : i32 to index
        %get3A_1015 = arith.constant 16 : index
        %get3A_1016 = tpu.vector_load %arg7[%get3A_1014, %get3A_1015] {strides = array<i32>} : memref<256x128xf32, #tpu.memory_space<vmem>>, vector<1x16xf32>,
        %get3A_1017 = vector.shape_cast %get3A_1016 : vector<1x16xf32> to vector<16xf32>
        %mul3A_1018 = arith.constant 8.000000e+00 : f32
        %mul3A_1019 = vector.broadcast %mul3A_1018 : f32 to vector<16xf32>
        %mul3A_1020 = arith.mulf %get3A_1017, %mul3A_1019 : vector<16xf32>
        %add3A_1021 = arith.constant 6 : i32
        %add3A_1022 = arith.addi %mul3A_613, %add3A_1021 : i32
        %swap3A_1023 = arith.index_cast %add3A_1022 : i32 to index
        %swap3A_1024 = arith.constant 16 : index
        %swap3A_1025 = tpu.vector_load %arg9[%swap3A_1023, %swap3A_1024] {strides = array<i32>} : memref<256x64xf32, #tpu.memory_space<vmem>>, vector<1x16xf32>,
        %swap3A_1026 = vector.shape_cast %swap3A_1025 : vector<1x16xf32> to vector<16xf32>
        %swap3A_1027 = vector.shape_cast %mul3A_1020 : vector<16xf32> to vector<1x16xf32>
        tpu.vector_store %arg9[%swap3A_1023, %swap3A_1024], %swap3A_1027 {strides = array<i32>} : memref<256x64xf32, #tpu.memory_space<vmem>>, vector<1x16xf32>,
        %add3A_1028 = arith.constant 6 : i32
        %add3A_1029 = arith.addi %mul3A_613, %add3A_1028 : i32
        %get3A_1030 = arith.index_cast %add3A_1029 : i32 to index
        %get3A_1031 = arith.constant 32 : index
        %get3A_1032 = tpu.vector_load %arg7[%get3A_1030, %get3A_1031] {strides = array<i32>} : memref<256x128xf32, #tpu.memory_space<vmem>>, vector<1x16xf32>,
        %get3A_1033 = vector.shape_cast %get3A_1032 : vector<1x16xf32> to vector<16xf32>
        %mul3A_1034 = arith.constant 8.000000e+00 : f32
        %mul3A_1035 = vector.broadcast %mul3A_1034 : f32 to vector<16xf32>
        %mul3A_1036 = arith.mulf %get3A_1033, %mul3A_1035 : vector<16xf32>
        %add3A_1037 = arith.constant 6 : i32
        %add3A_1038 = arith.addi %mul3A_613, %add3A_1037 : i32
        %swap3A_1039 = arith.index_cast %add3A_1038 : i32 to index
        %swap3A_1040 = arith.constant 32 : index
        %swap3A_1041 = tpu.vector_load %arg9[%swap3A_1039, %swap3A_1040] {strides = array<i32>} : memref<256x64xf32, #tpu.memory_space<vmem>>, vector<1x16xf32>,
        %swap3A_1042 = vector.shape_cast %swap3A_1041 : vector<1x16xf32> to vector<16xf32>
        %swap3A_1043 = vector.shape_cast %mul3A_1036 : vector<16xf32> to vector<1x16xf32>
        tpu.vector_store %arg9[%swap3A_1039, %swap3A_1040], %swap3A_1043 {strides = array<i32>} : memref<256x64xf32, #tpu.memory_space<vmem>>, vector<1x16xf32>,
        %add3A_1044 = arith.constant 6 : i32
        %add3A_1045 = arith.addi %mul3A_613, %add3A_1044 : i32
        %get3A_1046 = arith.index_cast %add3A_1045 : i32 to index
        %get3A_1047 = arith.constant 48 : index
        %get3A_1048 = tpu.vector_load %arg7[%get3A_1046, %get3A_1047] {strides = array<i32>} : memref<256x128xf32, #tpu.memory_space<vmem>>, vector<1x16xf32>,
        %get3A_1049 = vector.shape_cast %get3A_1048 : vector<1x16xf32> to vector<16xf32>
        %mul3A_1050 = arith.constant 8.000000e+00 : f32
        %mul3A_1051 = vector.broadcast %mul3A_1050 : f32 to vector<16xf32>
        %mul3A_1052 = arith.mulf %get3A_1049, %mul3A_1051 : vector<16xf32>
        %add3A_1053 = arith.constant 6 : i32
        %add3A_1054 = arith.addi %mul3A_613, %add3A_1053 : i32
        %swap3A_1055 = arith.index_cast %add3A_1054 : i32 to index
        %swap3A_1056 = arith.constant 48 : index
        %swap3A_1057 = tpu.vector_load %arg9[%swap3A_1055, %swap3A_1056] {strides = array<i32>} : memref<256x64xf32, #tpu.memory_space<vmem>>, vector<1x16xf32>,
        %swap3A_1058 = vector.shape_cast %swap3A_1057 : vector<1x16xf32> to vector<16xf32>
        %swap3A_1059 = vector.shape_cast %mul3A_1052 : vector<16xf32> to vector<1x16xf32>
        tpu.vector_store %arg9[%swap3A_1055, %swap3A_1056], %swap3A_1059 {strides = array<i32>} : memref<256x64xf32, #tpu.memory_space<vmem>>, vector<1x16xf32>,
        %add3A_1060 = arith.constant 7 : i32
        %add3A_1061 = arith.addi %mul3A_613, %add3A_1060 : i32
        %get3A_1062 = arith.index_cast %add3A_1061 : i32 to index
        %get3A_1063 = arith.constant 0 : index
        %get3A_1064 = tpu.vector_load %arg7[%get3A_1062, %get3A_1063] {strides = array<i32>} : memref<256x128xf32, #tpu.memory_space<vmem>>, vector<1x16xf32>,
        %get3A_1065 = vector.shape_cast %get3A_1064 : vector<1x16xf32> to vector<16xf32>
        %mul3A_1066 = arith.constant 8.000000e+00 : f32
        %mul3A_1067 = vector.broadcast %mul3A_1066 : f32 to vector<16xf32>
        %mul3A_1068 = arith.mulf %get3A_1065, %mul3A_1067 : vector<16xf32>
        %add3A_1069 = arith.constant 7 : i32
        %add3A_1070 = arith.addi %mul3A_613, %add3A_1069 : i32
        %swap3A_1071 = arith.index_cast %add3A_1070 : i32 to index
        %swap3A_1072 = arith.constant 0 : index
        %swap3A_1073 = tpu.vector_load %arg9[%swap3A_1071, %swap3A_1072] {strides = array<i32>} : memref<256x64xf32, #tpu.memory_space<vmem>>, vector<1x16xf32>,
        %swap3A_1074 = vector.shape_cast %swap3A_1073 : vector<1x16xf32> to vector<16xf32>
        %swap3A_1075 = vector.shape_cast %mul3A_1068 : vector<16xf32> to vector<1x16xf32>
        tpu.vector_store %arg9[%swap3A_1071, %swap3A_1072], %swap3A_1075 {strides = array<i32>} : memref<256x64xf32, #tpu.memory_space<vmem>>, vector<1x16xf32>,
        %add3A_1076 = arith.constant 7 : i32
        %add3A_1077 = arith.addi %mul3A_613, %add3A_1076 : i32
        %get3A_1078 = arith.index_cast %add3A_1077 : i32 to index
        %get3A_1079 = arith.constant 16 : index
        %get3A_1080 = tpu.vector_load %arg7[%get3A_1078, %get3A_1079] {strides = array<i32>} : memref<256x128xf32, #tpu.memory_space<vmem>>, vector<1x16xf32>,
        %get3A_1081 = vector.shape_cast %get3A_1080 : vector<1x16xf32> to vector<16xf32>
        %mul3A_1082 = arith.constant 8.000000e+00 : f32
        %mul3A_1083 = vector.broadcast %mul3A_1082 : f32 to vector<16xf32>
        %mul3A_1084 = arith.mulf %get3A_1081, %mul3A_1083 : vector<16xf32>
        %add3A_1085 = arith.constant 7 : i32
        %add3A_1086 = arith.addi %mul3A_613, %add3A_1085 : i32
        %swap3A_1087 = arith.index_cast %add3A_1086 : i32 to index
        %swap3A_1088 = arith.constant 16 : index
        %swap3A_1089 = tpu.vector_load %arg9[%swap3A_1087, %swap3A_1088] {strides = array<i32>} : memref<256x64xf32, #tpu.memory_space<vmem>>, vector<1x16xf32>,
        %swap3A_1090 = vector.shape_cast %swap3A_1089 : vector<1x16xf32> to vector<16xf32>
        %swap3A_1091 = vector.shape_cast %mul3A_1084 : vector<16xf32> to vector<1x16xf32>
        tpu.vector_store %arg9[%swap3A_1087, %swap3A_1088], %swap3A_1091 {strides = array<i32>} : memref<256x64xf32, #tpu.memory_space<vmem>>, vector<1x16xf32>,
        %add3A_1092 = arith.constant 7 : i32
        %add3A_1093 = arith.addi %mul3A_613, %add3A_1092 : i32
        %get3A_1094 = arith.index_cast %add3A_1093 : i32 to index
        %get3A_1095 = arith.constant 32 : index
        %get3A_1096 = tpu.vector_load %arg7[%get3A_1094, %get3A_1095] {strides = array<i32>} : memref<256x128xf32, #tpu.memory_space<vmem>>, vector<1x16xf32>,
        %get3A_1097 = vector.shape_cast %get3A_1096 : vector<1x16xf32> to vector<16xf32>
        %mul3A_1098 = arith.constant 8.000000e+00 : f32
        %mul3A_1099 = vector.broadcast %mul3A_1098 : f32 to vector<16xf32>
        %mul3A_1100 = arith.mulf %get3A_1097, %mul3A_1099 : vector<16xf32>
        %add3A_1101 = arith.constant 7 : i32
        %add3A_1102 = arith.addi %mul3A_613, %add3A_1101 : i32
        %swap3A_1103 = arith.index_cast %add3A_1102 : i32 to index
        %swap3A_1104 = arith.constant 32 : index
        %swap3A_1105 = tpu.vector_load %arg9[%swap3A_1103, %swap3A_1104] {strides = array<i32>} : memref<256x64xf32, #tpu.memory_space<vmem>>, vector<1x16xf32>,
        %swap3A_1106 = vector.shape_cast %swap3A_1105 : vector<1x16xf32> to vector<16xf32>
        %swap3A_1107 = vector.shape_cast %mul3A_1100 : vector<16xf32> to vector<1x16xf32>
        tpu.vector_store %arg9[%swap3A_1103, %swap3A_1104], %swap3A_1107 {strides = array<i32>} : memref<256x64xf32, #tpu.memory_space<vmem>>, vector<1x16xf32>,
        %add3A_1108 = arith.constant 7 : i32
        %add3A_1109 = arith.addi %mul3A_613, %add3A_1108 : i32
        %get3A_1110 = arith.index_cast %add3A_1109 : i32 to index
        %get3A_1111 = arith.constant 48 : index
        %get3A_1112 = tpu.vector_load %arg7[%get3A_1110, %get3A_1111] {strides = array<i32>} : memref<256x128xf32, #tpu.memory_space<vmem>>, vector<1x16xf32>,
        %get3A_1113 = vector.shape_cast %get3A_1112 : vector<1x16xf32> to vector<16xf32>
        %mul3A_1114 = arith.constant 8.000000e+00 : f32
        %mul3A_1115 = vector.broadcast %mul3A_1114 : f32 to vector<16xf32>
        %mul3A_1116 = arith.mulf %get3A_1113, %mul3A_1115 : vector<16xf32>
        %add3A_1117 = arith.constant 7 : i32
        %add3A_1118 = arith.addi %mul3A_613, %add3A_1117 : i32
        %swap3A_1119 = arith.index_cast %add3A_1118 : i32 to index
        %swap3A_1120 = arith.constant 48 : index
        %swap3A_1121 = tpu.vector_load %arg9[%swap3A_1119, %swap3A_1120] {strides = array<i32>} : memref<256x64xf32, #tpu.memory_space<vmem>>, vector<1x16xf32>,
        %swap3A_1122 = vector.shape_cast %swap3A_1121 : vector<1x16xf32> to vector<16xf32>
        %swap3A_1123 = vector.shape_cast %mul3A_1116 : vector<16xf32> to vector<1x16xf32>
        tpu.vector_store %arg9[%swap3A_1119, %swap3A_1120], %swap3A_1123 {strides = array<i32>} : memref<256x64xf32, #tpu.memory_space<vmem>>, vector<1x16xf32>,
      }
      %scan3A_397 = arith.constant 32 : i32
      %mul3A_398 = arith.constant 256 : i32
      %mul3A_399 = arith.muli %add3A_208, %mul3A_398 : i32
      %dma_start3A_400 = arith.constant 0 : i32
      %dma_start3A_401 = tpu.memref_slice %arg4[%mul3A_399, %dma_start3A_400] : memref<819200x64xf32, #tpu.memory_space<hbm>> -> memref<256x64xf32, #tpu.memory_space<hbm>>
      %dma_start3A_402 = arith.constant 0 : i32
      %dma_start3A_403 = tpu.memref_slice %arg4[%mul3A_399, %dma_start3A_402] : memref<819200x64xf32, #tpu.memory_space<hbm>> -> memref<256x64xf32, #tpu.memory_space<hbm>>
      tpu.enqueue_dma source(%arg9 : memref<256x64xf32, #tpu.memory_space<vmem>>) target(%dma_start3A_403 : memref<256x64xf32, #tpu.memory_space<hbm>>) target_semaphore(%arg14 : memref<!tpu.dma_semaphore, #tpu.memory_space<semaphore_mem>>)
      %mul3A_404 = arith.constant 2 : i32
      %mul3A_405 = arith.muli %scan3A_203, %mul3A_404 : i32
      %add3A_406 = arith.constant 1 : i32
      %add3A_407 = arith.addi %mul3A_405, %add3A_406 : i32
      %add3A_408 = arith.addi %mul3A_2, %add3A_407 : i32
      %add3A_409 = arith.constant 1 : i32
      %add3A_410 = arith.addi %add3A_407, %add3A_409 : i32
      %rem3A_411 = arith.constant 100 : i32
      %rem3A_412 = arith.remsi %add3A_410, %rem3A_411 : i32
      %add3A_413 = arith.addi %mul3A_2, %rem3A_412 : i32
      %mul3A_414 = arith.constant 8 : i32
      %mul3A_415 = arith.muli %add3A_413, %mul3A_414 : i32
      %dma_wait3A_416 = arith.constant 0 : i32
      %dma_wait3A_417 = tpu.memref_slice %arg3[%mul3A_415, %dma_wait3A_416] : memref<25600x32xi32, #tpu.memory_space<hbm>> -> memref<8x32xi32, #tpu.memory_space<hbm>>
      %dma_wait3A_418 = arith.constant 0 : i32
      %dma_wait3A_419 = tpu.memref_slice %arg3[%mul3A_415, %dma_wait3A_418] : memref<25600x32xi32, #tpu.memory_space<hbm>> -> memref<8x32xi32, #tpu.memory_space<hbm>>
      tpu.wait_dma2 semaphore(%arg10 : memref<!tpu.dma_semaphore, #tpu.memory_space<semaphore_mem>>) src(%dma_wait3A_419 : memref<8x32xi32, #tpu.memory_space<hbm>>) dst(%arg5 : memref<8x32xi32, #tpu.memory_space<vmem>>)
      %dma_start3A_420 = arith.constant 0 : i32
      %dma_start3A_421 = arith.constant 0 : i32
      %dma_start3A_422 = arith.constant 0 : i32
      %dma_start3A_423 = tpu.memref_slice %arg7[%dma_start3A_421, %dma_start3A_422] : memref<256x128xf32, #tpu.memory_space<vmem>> -> memref<32x128xf32, #tpu.memory_space<vmem>>
      %dma_start3A_424 = arith.constant 0 : i32
      %dma_start3A_425 = tpu.memref_slice %arg5[%dma_start3A_420, %dma_start3A_424] : memref<8x32xi32, #tpu.memory_space<vmem>> -> memref<1x32xi32, #tpu.memory_space<vmem>>
      %dma_start3A_426 = tpu.memref_squeeze %dma_start3A_425 : memref<1x32xi32, #tpu.memory_space<vmem>> -> memref<32xi32, #tpu.memory_space<vmem>>
      %dma_start3A_427 = arith.constant 0 : i32
      %dma_start3A_428 = arith.constant 0 : i32
      %dma_start3A_429 = tpu.memref_slice %arg2[%dma_start3A_427, %dma_start3A_428] : memref<1000000x128xf32, #tpu.memory_space<hbm>> -> memref<1000000x128xf32, #tpu.memory_space<hbm>>
      tpu.enqueue_indirect_dma source(%dma_start3A_429 : memref<1000000x128xf32, #tpu.memory_space<hbm>>) target(%dma_start3A_423 : memref<32x128xf32, #tpu.memory_space<vmem>>) offsets(%dma_start3A_426 : memref<32xi32, #tpu.memory_space<vmem>>) semaphore(%arg12 : memref<!tpu.dma_semaphore, #tpu.memory_space<semaphore_mem>>)
      %dma_start3A_430 = arith.constant 1 : i32
      %dma_start3A_431 = arith.constant 32 : i32
      %dma_start3A_432 = arith.constant 0 : i32
      %dma_start3A_433 = tpu.memref_slice %arg7[%dma_start3A_431, %dma_start3A_432] : memref<256x128xf32, #tpu.memory_space<vmem>> -> memref<32x128xf32, #tpu.memory_space<vmem>>
      %dma_start3A_434 = arith.constant 0 : i32
      %dma_start3A_435 = tpu.memref_slice %arg5[%dma_start3A_430, %dma_start3A_434] : memref<8x32xi32, #tpu.memory_space<vmem>> -> memref<1x32xi32, #tpu.memory_space<vmem>>
      %dma_start3A_436 = tpu.memref_squeeze %dma_start3A_435 : memref<1x32xi32, #tpu.memory_space<vmem>> -> memref<32xi32, #tpu.memory_space<vmem>>
      %dma_start3A_437 = arith.constant 0 : i32
      %dma_start3A_438 = arith.constant 0 : i32
      %dma_start3A_439 = tpu.memref_slice %arg2[%dma_start3A_437, %dma_start3A_438] : memref<1000000x128xf32, #tpu.memory_space<hbm>> -> memref<1000000x128xf32, #tpu.memory_space<hbm>>
      tpu.enqueue_indirect_dma source(%dma_start3A_439 : memref<1000000x128xf32, #tpu.memory_space<hbm>>) target(%dma_start3A_433 : memref<32x128xf32, #tpu.memory_space<vmem>>) offsets(%dma_start3A_436 : memref<32xi32, #tpu.memory_space<vmem>>) semaphore(%arg12 : memref<!tpu.dma_semaphore, #tpu.memory_space<semaphore_mem>>)
      %dma_start3A_440 = arith.constant 2 : i32
      %dma_start3A_441 = arith.constant 64 : i32
      %dma_start3A_442 = arith.constant 0 : i32
      %dma_start3A_443 = tpu.memref_slice %arg7[%dma_start3A_441, %dma_start3A_442] : memref<256x128xf32, #tpu.memory_space<vmem>> -> memref<32x128xf32, #tpu.memory_space<vmem>>
      %dma_start3A_444 = arith.constant 0 : i32
      %dma_start3A_445 = tpu.memref_slice %arg5[%dma_start3A_440, %dma_start3A_444] : memref<8x32xi32, #tpu.memory_space<vmem>> -> memref<1x32xi32, #tpu.memory_space<vmem>>
      %dma_start3A_446 = tpu.memref_squeeze %dma_start3A_445 : memref<1x32xi32, #tpu.memory_space<vmem>> -> memref<32xi32, #tpu.memory_space<vmem>>
      %dma_start3A_447 = arith.constant 0 : i32
      %dma_start3A_448 = arith.constant 0 : i32
      %dma_start3A_449 = tpu.memref_slice %arg2[%dma_start3A_447, %dma_start3A_448] : memref<1000000x128xf32, #tpu.memory_space<hbm>> -> memref<1000000x128xf32, #tpu.memory_space<hbm>>
      tpu.enqueue_indirect_dma source(%dma_start3A_449 : memref<1000000x128xf32, #tpu.memory_space<hbm>>) target(%dma_start3A_443 : memref<32x128xf32, #tpu.memory_space<vmem>>) offsets(%dma_start3A_446 : memref<32xi32, #tpu.memory_space<vmem>>) semaphore(%arg12 : memref<!tpu.dma_semaphore, #tpu.memory_space<semaphore_mem>>)
      %dma_start3A_450 = arith.constant 3 : i32
      %dma_start3A_451 = arith.constant 96 : i32
      %dma_start3A_452 = arith.constant 0 : i32
      %dma_start3A_453 = tpu.memref_slice %arg7[%dma_start3A_451, %dma_start3A_452] : memref<256x128xf32, #tpu.memory_space<vmem>> -> memref<32x128xf32, #tpu.memory_space<vmem>>
      %dma_start3A_454 = arith.constant 0 : i32
      %dma_start3A_455 = tpu.memref_slice %arg5[%dma_start3A_450, %dma_start3A_454] : memref<8x32xi32, #tpu.memory_space<vmem>> -> memref<1x32xi32, #tpu.memory_space<vmem>>
      %dma_start3A_456 = tpu.memref_squeeze %dma_start3A_455 : memref<1x32xi32, #tpu.memory_space<vmem>> -> memref<32xi32, #tpu.memory_space<vmem>>
      %dma_start3A_457 = arith.constant 0 : i32
      %dma_start3A_458 = arith.constant 0 : i32
      %dma_start3A_459 = tpu.memref_slice %arg2[%dma_start3A_457, %dma_start3A_458] : memref<1000000x128xf32, #tpu.memory_space<hbm>> -> memref<1000000x128xf32, #tpu.memory_space<hbm>>
      tpu.enqueue_indirect_dma source(%dma_start3A_459 : memref<1000000x128xf32, #tpu.memory_space<hbm>>) target(%dma_start3A_453 : memref<32x128xf32, #tpu.memory_space<vmem>>) offsets(%dma_start3A_456 : memref<32xi32, #tpu.memory_space<vmem>>) semaphore(%arg12 : memref<!tpu.dma_semaphore, #tpu.memory_space<semaphore_mem>>)
      %dma_start3A_460 = arith.constant 4 : i32
      %dma_start3A_461 = arith.constant 128 : i32
      %dma_start3A_462 = arith.constant 0 : i32
      %dma_start3A_463 = tpu.memref_slice %arg7[%dma_start3A_461, %dma_start3A_462] : memref<256x128xf32, #tpu.memory_space<vmem>> -> memref<32x128xf32, #tpu.memory_space<vmem>>
      %dma_start3A_464 = arith.constant 0 : i32
      %dma_start3A_465 = tpu.memref_slice %arg5[%dma_start3A_460, %dma_start3A_464] : memref<8x32xi32, #tpu.memory_space<vmem>> -> memref<1x32xi32, #tpu.memory_space<vmem>>
      %dma_start3A_466 = tpu.memref_squeeze %dma_start3A_465 : memref<1x32xi32, #tpu.memory_space<vmem>> -> memref<32xi32, #tpu.memory_space<vmem>>
      %dma_start3A_467 = arith.constant 0 : i32
      %dma_start3A_468 = arith.constant 0 : i32
      %dma_start3A_469 = tpu.memref_slice %arg2[%dma_start3A_467, %dma_start3A_468] : memref<1000000x128xf32, #tpu.memory_space<hbm>> -> memref<1000000x128xf32, #tpu.memory_space<hbm>>
      tpu.enqueue_indirect_dma source(%dma_start3A_469 : memref<1000000x128xf32, #tpu.memory_space<hbm>>) target(%dma_start3A_463 : memref<32x128xf32, #tpu.memory_space<vmem>>) offsets(%dma_start3A_466 : memref<32xi32, #tpu.memory_space<vmem>>) semaphore(%arg12 : memref<!tpu.dma_semaphore, #tpu.memory_space<semaphore_mem>>)
      %dma_start3A_470 = arith.constant 5 : i32
      %dma_start3A_471 = arith.constant 160 : i32
      %dma_start3A_472 = arith.constant 0 : i32
      %dma_start3A_473 = tpu.memref_slice %arg7[%dma_start3A_471, %dma_start3A_472] : memref<256x128xf32, #tpu.memory_space<vmem>> -> memref<32x128xf32, #tpu.memory_space<vmem>>
      %dma_start3A_474 = arith.constant 0 : i32
      %dma_start3A_475 = tpu.memref_slice %arg5[%dma_start3A_470, %dma_start3A_474] : memref<8x32xi32, #tpu.memory_space<vmem>> -> memref<1x32xi32, #tpu.memory_space<vmem>>
      %dma_start3A_476 = tpu.memref_squeeze %dma_start3A_475 : memref<1x32xi32, #tpu.memory_space<vmem>> -> memref<32xi32, #tpu.memory_space<vmem>>
      %dma_start3A_477 = arith.constant 0 : i32
      %dma_start3A_478 = arith.constant 0 : i32
      %dma_start3A_479 = tpu.memref_slice %arg2[%dma_start3A_477, %dma_start3A_478] : memref<1000000x128xf32, #tpu.memory_space<hbm>> -> memref<1000000x128xf32, #tpu.memory_space<hbm>>
      tpu.enqueue_indirect_dma source(%dma_start3A_479 : memref<1000000x128xf32, #tpu.memory_space<hbm>>) target(%dma_start3A_473 : memref<32x128xf32, #tpu.memory_space<vmem>>) offsets(%dma_start3A_476 : memref<32xi32, #tpu.memory_space<vmem>>) semaphore(%arg12 : memref<!tpu.dma_semaphore, #tpu.memory_space<semaphore_mem>>)
      %dma_start3A_480 = arith.constant 6 : i32
      %dma_start3A_481 = arith.constant 192 : i32
      %dma_start3A_482 = arith.constant 0 : i32
      %dma_start3A_483 = tpu.memref_slice %arg7[%dma_start3A_481, %dma_start3A_482] : memref<256x128xf32, #tpu.memory_space<vmem>> -> memref<32x128xf32, #tpu.memory_space<vmem>>
      %dma_start3A_484 = arith.constant 0 : i32
      %dma_start3A_485 = tpu.memref_slice %arg5[%dma_start3A_480, %dma_start3A_484] : memref<8x32xi32, #tpu.memory_space<vmem>> -> memref<1x32xi32, #tpu.memory_space<vmem>>
      %dma_start3A_486 = tpu.memref_squeeze %dma_start3A_485 : memref<1x32xi32, #tpu.memory_space<vmem>> -> memref<32xi32, #tpu.memory_space<vmem>>
      %dma_start3A_487 = arith.constant 0 : i32
      %dma_start3A_488 = arith.constant 0 : i32
      %dma_start3A_489 = tpu.memref_slice %arg2[%dma_start3A_487, %dma_start3A_488] : memref<1000000x128xf32, #tpu.memory_space<hbm>> -> memref<1000000x128xf32, #tpu.memory_space<hbm>>
      tpu.enqueue_indirect_dma source(%dma_start3A_489 : memref<1000000x128xf32, #tpu.memory_space<hbm>>) target(%dma_start3A_483 : memref<32x128xf32, #tpu.memory_space<vmem>>) offsets(%dma_start3A_486 : memref<32xi32, #tpu.memory_space<vmem>>) semaphore(%arg12 : memref<!tpu.dma_semaphore, #tpu.memory_space<semaphore_mem>>)
      %dma_start3A_490 = arith.constant 7 : i32
      %dma_start3A_491 = arith.constant 224 : i32
      %dma_start3A_492 = arith.constant 0 : i32
      %dma_start3A_493 = tpu.memref_slice %arg7[%dma_start3A_491, %dma_start3A_492] : memref<256x128xf32, #tpu.memory_space<vmem>> -> memref<32x128xf32, #tpu.memory_space<vmem>>
      %dma_start3A_494 = arith.constant 0 : i32
      %dma_start3A_495 = tpu.memref_slice %arg5[%dma_start3A_490, %dma_start3A_494] : memref<8x32xi32, #tpu.memory_space<vmem>> -> memref<1x32xi32, #tpu.memory_space<vmem>>
      %dma_start3A_496 = tpu.memref_squeeze %dma_start3A_495 : memref<1x32xi32, #tpu.memory_space<vmem>> -> memref<32xi32, #tpu.memory_space<vmem>>
      %dma_start3A_497 = arith.constant 0 : i32
      %dma_start3A_498 = arith.constant 0 : i32
      %dma_start3A_499 = tpu.memref_slice %arg2[%dma_start3A_497, %dma_start3A_498] : memref<1000000x128xf32, #tpu.memory_space<hbm>> -> memref<1000000x128xf32, #tpu.memory_space<hbm>>
      tpu.enqueue_indirect_dma source(%dma_start3A_499 : memref<1000000x128xf32, #tpu.memory_space<hbm>>) target(%dma_start3A_493 : memref<32x128xf32, #tpu.memory_space<vmem>>) offsets(%dma_start3A_496 : memref<32xi32, #tpu.memory_space<vmem>>) semaphore(%arg12 : memref<!tpu.dma_semaphore, #tpu.memory_space<semaphore_mem>>)
      %dma_wait3A_500 = arith.constant 0 : i32
      %dma_wait3A_501 = arith.constant 0 : i32
      %dma_wait3A_502 = arith.constant 0 : i32
      %dma_wait3A_503 = tpu.memref_slice %arg8[%dma_wait3A_501, %dma_wait3A_502] : memref<256x128xf32, #tpu.memory_space<vmem>> -> memref<32x128xf32, #tpu.memory_space<vmem>>
      %dma_wait3A_504 = arith.constant 0 : i32
      %dma_wait3A_505 = tpu.memref_slice %arg6[%dma_wait3A_500, %dma_wait3A_504] : memref<8x32xi32, #tpu.memory_space<vmem>> -> memref<1x32xi32, #tpu.memory_space<vmem>>
      %dma_wait3A_506 = tpu.memref_squeeze %dma_wait3A_505 : memref<1x32xi32, #tpu.memory_space<vmem>> -> memref<32xi32, #tpu.memory_space<vmem>>
      %dma_wait3A_507 = arith.constant 0 : i32
      %dma_wait3A_508 = arith.constant 0 : i32
      %dma_wait3A_509 = tpu.memref_slice %arg2[%dma_wait3A_507, %dma_wait3A_508] : memref<1000000x128xf32, #tpu.memory_space<hbm>> -> memref<1000000x128xf32, #tpu.memory_space<hbm>>
      tpu.wait_indirect_dma semaphore(%arg13 : memref<!tpu.dma_semaphore, #tpu.memory_space<semaphore_mem>>) src(%dma_wait3A_509 : memref<1000000x128xf32, #tpu.memory_space<hbm>>) dst(%dma_wait3A_503 : memref<32x128xf32, #tpu.memory_space<vmem>>)
      %dma_wait3A_510 = arith.constant 1 : i32
      %dma_wait3A_511 = arith.constant 32 : i32
      %dma_wait3A_512 = arith.constant 0 : i32
      %dma_wait3A_513 = tpu.memref_slice %arg8[%dma_wait3A_511, %dma_wait3A_512] : memref<256x128xf32, #tpu.memory_space<vmem>> -> memref<32x128xf32, #tpu.memory_space<vmem>>
      %dma_wait3A_514 = arith.constant 0 : i32
      %dma_wait3A_515 = tpu.memref_slice %arg6[%dma_wait3A_510, %dma_wait3A_514] : memref<8x32xi32, #tpu.memory_space<vmem>> -> memref<1x32xi32, #tpu.memory_space<vmem>>
      %dma_wait3A_516 = tpu.memref_squeeze %dma_wait3A_515 : memref<1x32xi32, #tpu.memory_space<vmem>> -> memref<32xi32, #tpu.memory_space<vmem>>
      %dma_wait3A_517 = arith.constant 0 : i32
      %dma_wait3A_518 = arith.constant 0 : i32
      %dma_wait3A_519 = tpu.memref_slice %arg2[%dma_wait3A_517, %dma_wait3A_518] : memref<1000000x128xf32, #tpu.memory_space<hbm>> -> memref<1000000x128xf32, #tpu.memory_space<hbm>>
      tpu.wait_indirect_dma semaphore(%arg13 : memref<!tpu.dma_semaphore, #tpu.memory_space<semaphore_mem>>) src(%dma_wait3A_519 : memref<1000000x128xf32, #tpu.memory_space<hbm>>) dst(%dma_wait3A_513 : memref<32x128xf32, #tpu.memory_space<vmem>>)
      %dma_wait3A_520 = arith.constant 2 : i32
      %dma_wait3A_521 = arith.constant 64 : i32
      %dma_wait3A_522 = arith.constant 0 : i32
      %dma_wait3A_523 = tpu.memref_slice %arg8[%dma_wait3A_521, %dma_wait3A_522] : memref<256x128xf32, #tpu.memory_space<vmem>> -> memref<32x128xf32, #tpu.memory_space<vmem>>
      %dma_wait3A_524 = arith.constant 0 : i32
      %dma_wait3A_525 = tpu.memref_slice %arg6[%dma_wait3A_520, %dma_wait3A_524] : memref<8x32xi32, #tpu.memory_space<vmem>> -> memref<1x32xi32, #tpu.memory_space<vmem>>
      %dma_wait3A_526 = tpu.memref_squeeze %dma_wait3A_525 : memref<1x32xi32, #tpu.memory_space<vmem>> -> memref<32xi32, #tpu.memory_space<vmem>>
      %dma_wait3A_527 = arith.constant 0 : i32
      %dma_wait3A_528 = arith.constant 0 : i32
      %dma_wait3A_529 = tpu.memref_slice %arg2[%dma_wait3A_527, %dma_wait3A_528] : memref<1000000x128xf32, #tpu.memory_space<hbm>> -> memref<1000000x128xf32, #tpu.memory_space<hbm>>
      tpu.wait_indirect_dma semaphore(%arg13 : memref<!tpu.dma_semaphore, #tpu.memory_space<semaphore_mem>>) src(%dma_wait3A_529 : memref<1000000x128xf32, #tpu.memory_space<hbm>>) dst(%dma_wait3A_523 : memref<32x128xf32, #tpu.memory_space<vmem>>)
      %dma_wait3A_530 = arith.constant 3 : i32
      %dma_wait3A_531 = arith.constant 96 : i32
      %dma_wait3A_532 = arith.constant 0 : i32
      %dma_wait3A_533 = tpu.memref_slice %arg8[%dma_wait3A_531, %dma_wait3A_532] : memref<256x128xf32, #tpu.memory_space<vmem>> -> memref<32x128xf32, #tpu.memory_space<vmem>>
      %dma_wait3A_534 = arith.constant 0 : i32
      %dma_wait3A_535 = tpu.memref_slice %arg6[%dma_wait3A_530, %dma_wait3A_534] : memref<8x32xi32, #tpu.memory_space<vmem>> -> memref<1x32xi32, #tpu.memory_space<vmem>>
      %dma_wait3A_536 = tpu.memref_squeeze %dma_wait3A_535 : memref<1x32xi32, #tpu.memory_space<vmem>> -> memref<32xi32, #tpu.memory_space<vmem>>
      %dma_wait3A_537 = arith.constant 0 : i32
      %dma_wait3A_538 = arith.constant 0 : i32
      %dma_wait3A_539 = tpu.memref_slice %arg2[%dma_wait3A_537, %dma_wait3A_538] : memref<1000000x128xf32, #tpu.memory_space<hbm>> -> memref<1000000x128xf32, #tpu.memory_space<hbm>>
      tpu.wait_indirect_dma semaphore(%arg13 : memref<!tpu.dma_semaphore, #tpu.memory_space<semaphore_mem>>) src(%dma_wait3A_539 : memref<1000000x128xf32, #tpu.memory_space<hbm>>) dst(%dma_wait3A_533 : memref<32x128xf32, #tpu.memory_space<vmem>>)
      %dma_wait3A_540 = arith.constant 4 : i32
      %dma_wait3A_541 = arith.constant 128 : i32
      %dma_wait3A_542 = arith.constant 0 : i32
      %dma_wait3A_543 = tpu.memref_slice %arg8[%dma_wait3A_541, %dma_wait3A_542] : memref<256x128xf32, #tpu.memory_space<vmem>> -> memref<32x128xf32, #tpu.memory_space<vmem>>
      %dma_wait3A_544 = arith.constant 0 : i32
      %dma_wait3A_545 = tpu.memref_slice %arg6[%dma_wait3A_540, %dma_wait3A_544] : memref<8x32xi32, #tpu.memory_space<vmem>> -> memref<1x32xi32, #tpu.memory_space<vmem>>
      %dma_wait3A_546 = tpu.memref_squeeze %dma_wait3A_545 : memref<1x32xi32, #tpu.memory_space<vmem>> -> memref<32xi32, #tpu.memory_space<vmem>>
      %dma_wait3A_547 = arith.constant 0 : i32
      %dma_wait3A_548 = arith.constant 0 : i32
      %dma_wait3A_549 = tpu.memref_slice %arg2[%dma_wait3A_547, %dma_wait3A_548] : memref<1000000x128xf32, #tpu.memory_space<hbm>> -> memref<1000000x128xf32, #tpu.memory_space<hbm>>
      tpu.wait_indirect_dma semaphore(%arg13 : memref<!tpu.dma_semaphore, #tpu.memory_space<semaphore_mem>>) src(%dma_wait3A_549 : memref<1000000x128xf32, #tpu.memory_space<hbm>>) dst(%dma_wait3A_543 : memref<32x128xf32, #tpu.memory_space<vmem>>)
      %dma_wait3A_550 = arith.constant 5 : i32
      %dma_wait3A_551 = arith.constant 160 : i32
      %dma_wait3A_552 = arith.constant 0 : i32
      %dma_wait3A_553 = tpu.memref_slice %arg8[%dma_wait3A_551, %dma_wait3A_552] : memref<256x128xf32, #tpu.memory_space<vmem>> -> memref<32x128xf32, #tpu.memory_space<vmem>>
      %dma_wait3A_554 = arith.constant 0 : i32
      %dma_wait3A_555 = tpu.memref_slice %arg6[%dma_wait3A_550, %dma_wait3A_554] : memref<8x32xi32, #tpu.memory_space<vmem>> -> memref<1x32xi32, #tpu.memory_space<vmem>>
      %dma_wait3A_556 = tpu.memref_squeeze %dma_wait3A_555 : memref<1x32xi32, #tpu.memory_space<vmem>> -> memref<32xi32, #tpu.memory_space<vmem>>
      %dma_wait3A_557 = arith.constant 0 : i32
      %dma_wait3A_558 = arith.constant 0 : i32
      %dma_wait3A_559 = tpu.memref_slice %arg2[%dma_wait3A_557, %dma_wait3A_558] : memref<1000000x128xf32, #tpu.memory_space<hbm>> -> memref<1000000x128xf32, #tpu.memory_space<hbm>>
      tpu.wait_indirect_dma semaphore(%arg13 : memref<!tpu.dma_semaphore, #tpu.memory_space<semaphore_mem>>) src(%dma_wait3A_559 : memref<1000000x128xf32, #tpu.memory_space<hbm>>) dst(%dma_wait3A_553 : memref<32x128xf32, #tpu.memory_space<vmem>>)
      %dma_wait3A_560 = arith.constant 6 : i32
      %dma_wait3A_561 = arith.constant 192 : i32
      %dma_wait3A_562 = arith.constant 0 : i32
      %dma_wait3A_563 = tpu.memref_slice %arg8[%dma_wait3A_561, %dma_wait3A_562] : memref<256x128xf32, #tpu.memory_space<vmem>> -> memref<32x128xf32, #tpu.memory_space<vmem>>
      %dma_wait3A_564 = arith.constant 0 : i32
      %dma_wait3A_565 = tpu.memref_slice %arg6[%dma_wait3A_560, %dma_wait3A_564] : memref<8x32xi32, #tpu.memory_space<vmem>> -> memref<1x32xi32, #tpu.memory_space<vmem>>
      %dma_wait3A_566 = tpu.memref_squeeze %dma_wait3A_565 : memref<1x32xi32, #tpu.memory_space<vmem>> -> memref<32xi32, #tpu.memory_space<vmem>>
      %dma_wait3A_567 = arith.constant 0 : i32
      %dma_wait3A_568 = arith.constant 0 : i32
      %dma_wait3A_569 = tpu.memref_slice %arg2[%dma_wait3A_567, %dma_wait3A_568] : memref<1000000x128xf32, #tpu.memory_space<hbm>> -> memref<1000000x128xf32, #tpu.memory_space<hbm>>
      tpu.wait_indirect_dma semaphore(%arg13 : memref<!tpu.dma_semaphore, #tpu.memory_space<semaphore_mem>>) src(%dma_wait3A_569 : memref<1000000x128xf32, #tpu.memory_space<hbm>>) dst(%dma_wait3A_563 : memref<32x128xf32, #tpu.memory_space<vmem>>)
      %dma_wait3A_570 = arith.constant 7 : i32
      %dma_wait3A_571 = arith.constant 224 : i32
      %dma_wait3A_572 = arith.constant 0 : i32
      %dma_wait3A_573 = tpu.memref_slice %arg8[%dma_wait3A_571, %dma_wait3A_572] : memref<256x128xf32, #tpu.memory_space<vmem>> -> memref<32x128xf32, #tpu.memory_space<vmem>>
      %dma_wait3A_574 = arith.constant 0 : i32
      %dma_wait3A_575 = tpu.memref_slice %arg6[%dma_wait3A_570, %dma_wait3A_574] : memref<8x32xi32, #tpu.memory_space<vmem>> -> memref<1x32xi32, #tpu.memory_space<vmem>>
      %dma_wait3A_576 = tpu.memref_squeeze %dma_wait3A_575 : memref<1x32xi32, #tpu.memory_space<vmem>> -> memref<32xi32, #tpu.memory_space<vmem>>
      %dma_wait3A_577 = arith.constant 0 : i32
      %dma_wait3A_578 = arith.constant 0 : i32
      %dma_wait3A_579 = tpu.memref_slice %arg2[%dma_wait3A_577, %dma_wait3A_578] : memref<1000000x128xf32, #tpu.memory_space<hbm>> -> memref<1000000x128xf32, #tpu.memory_space<hbm>>
      tpu.wait_indirect_dma semaphore(%arg13 : memref<!tpu.dma_semaphore, #tpu.memory_space<semaphore_mem>>) src(%dma_wait3A_579 : memref<1000000x128xf32, #tpu.memory_space<hbm>>) dst(%dma_wait3A_573 : memref<32x128xf32, #tpu.memory_space<vmem>>)
      %add3A_580 = arith.constant 2 : i32
      %add3A_581 = arith.addi %add3A_407, %add3A_580 : i32
      %rem3A_582 = arith.constant 100 : i32
      %rem3A_583 = arith.remsi %add3A_581, %rem3A_582 : i32
      %add3A_584 = arith.addi %mul3A_2, %rem3A_583 : i32
      %mul3A_585 = arith.constant 8 : i32
      %mul3A_586 = arith.muli %add3A_584, %mul3A_585 : i32
      %dma_start3A_587 = arith.constant 0 : i32
      %dma_start3A_588 = tpu.memref_slice %arg3[%mul3A_586, %dma_start3A_587] : memref<25600x32xi32, #tpu.memory_space<hbm>> -> memref<8x32xi32, #tpu.memory_space<hbm>>
      %dma_start3A_589 = arith.constant 0 : i32
      %dma_start3A_590 = tpu.memref_slice %arg3[%mul3A_586, %dma_start3A_589] : memref<25600x32xi32, #tpu.memory_space<hbm>> -> memref<8x32xi32, #tpu.memory_space<hbm>>
      tpu.enqueue_dma source(%dma_start3A_590 : memref<8x32xi32, #tpu.memory_space<hbm>>) target(%arg6 : memref<8x32xi32, #tpu.memory_space<vmem>>) target_semaphore(%arg11 : memref<!tpu.dma_semaphore, #tpu.memory_space<semaphore_mem>>)
      %sub3A_591 = arith.constant 1 : i32
      %sub3A_592 = arith.subi %add3A_408, %sub3A_591 : i32
      %mul3A_593 = arith.constant 256 : i32
      %mul3A_594 = arith.muli %sub3A_592, %mul3A_593 : i32
      %dma_wait3A_595 = arith.constant 0 : i32
      %dma_wait3A_596 = tpu.memref_slice %arg4[%mul3A_594, %dma_wait3A_595] : memref<819200x64xf32, #tpu.memory_space<hbm>> -> memref<256x64xf32, #tpu.memory_space<hbm>>
      %dma_wait3A_597 = arith.constant 0 : i32
      %dma_wait3A_598 = tpu.memref_slice %arg4[%mul3A_594, %dma_wait3A_597] : memref<819200x64xf32, #tpu.memory_space<hbm>> -> memref<256x64xf32, #tpu.memory_space<hbm>>
      tpu.wait_dma2 semaphore(%arg14 : memref<!tpu.dma_semaphore, #tpu.memory_space<semaphore_mem>>) src(%arg9 : memref<256x64xf32, #tpu.memory_space<vmem>>) dst(%dma_wait3A_598 : memref<256x64xf32, #tpu.memory_space<hbm>>)
      %scan3A_599 = arith.constant 0 : i32
      %scan3A_600 = arith.constant 0 : i32
      %scan3A_601 = arith.constant 32 : i32
      %scan3A_602 = arith.addi %scan3A_600, %scan3A_601 : i32
      %scan3A_603 = arith.constant 1 : i32
      scf.for %scan3A_611 = %scan3A_600 to %scan3A_602 step %scan3A_603  : i32 {
        %mul3A_612 = arith.constant 8 : i32
        %mul3A_613 = arith.muli %scan3A_611, %mul3A_612 : i32
        %add3A_614 = arith.constant 0 : i32
        %add3A_615 = arith.addi %mul3A_613, %add3A_614 : i32
        %get3A = arith.index_cast %add3A_615 : i32 to index
        %get3A_616 = arith.constant 0 : index
        %get3A_617 = tpu.vector_load %arg8[%get3A, %get3A_616] {strides = array<i32>} : memref<256x128xf32, #tpu.memory_space<vmem>>, vector<1x16xf32>,
        %get3A_618 = vector.shape_cast %get3A_617 : vector<1x16xf32> to vector<16xf32>
        %mul3A_619 = arith.constant 8.000000e+00 : f32
        %mul3A_620 = vector.broadcast %mul3A_619 : f32 to vector<16xf32>
        %mul3A_621 = arith.mulf %get3A_618, %mul3A_620 : vector<16xf32>
        %add3A_622 = arith.constant 0 : i32
        %add3A_623 = arith.addi %mul3A_613, %add3A_622 : i32
        %swap3A = arith.index_cast %add3A_623 : i32 to index
        %swap3A_624 = arith.constant 0 : index
        %swap3A_625 = tpu.vector_load %arg9[%swap3A, %swap3A_624] {strides = array<i32>} : memref<256x64xf32, #tpu.memory_space<vmem>>, vector<1x16xf32>,
        %swap3A_626 = vector.shape_cast %swap3A_625 : vector<1x16xf32> to vector<16xf32>
        %swap3A_627 = vector.shape_cast %mul3A_621 : vector<16xf32> to vector<1x16xf32>
        tpu.vector_store %arg9[%swap3A, %swap3A_624], %swap3A_627 {strides = array<i32>} : memref<256x64xf32, #tpu.memory_space<vmem>>, vector<1x16xf32>,
        %add3A_628 = arith.constant 0 : i32
        %add3A_629 = arith.addi %mul3A_613, %add3A_628 : i32
        %get3A_630 = arith.index_cast %add3A_629 : i32 to index
        %get3A_631 = arith.constant 16 : index
        %get3A_632 = tpu.vector_load %arg8[%get3A_630, %get3A_631] {strides = array<i32>} : memref<256x128xf32, #tpu.memory_space<vmem>>, vector<1x16xf32>,
        %get3A_633 = vector.shape_cast %get3A_632 : vector<1x16xf32> to vector<16xf32>
        %mul3A_634 = arith.constant 8.000000e+00 : f32
        %mul3A_635 = vector.broadcast %mul3A_634 : f32 to vector<16xf32>
        %mul3A_636 = arith.mulf %get3A_633, %mul3A_635 : vector<16xf32>
        %add3A_637 = arith.constant 0 : i32
        %add3A_638 = arith.addi %mul3A_613, %add3A_637 : i32
        %swap3A_639 = arith.index_cast %add3A_638 : i32 to index
        %swap3A_640 = arith.constant 16 : index
        %swap3A_641 = tpu.vector_load %arg9[%swap3A_639, %swap3A_640] {strides = array<i32>} : memref<256x64xf32, #tpu.memory_space<vmem>>, vector<1x16xf32>,
        %swap3A_642 = vector.shape_cast %swap3A_641 : vector<1x16xf32> to vector<16xf32>
        %swap3A_643 = vector.shape_cast %mul3A_636 : vector<16xf32> to vector<1x16xf32>
        tpu.vector_store %arg9[%swap3A_639, %swap3A_640], %swap3A_643 {strides = array<i32>} : memref<256x64xf32, #tpu.memory_space<vmem>>, vector<1x16xf32>,
        %add3A_644 = arith.constant 0 : i32
        %add3A_645 = arith.addi %mul3A_613, %add3A_644 : i32
        %get3A_646 = arith.index_cast %add3A_645 : i32 to index
        %get3A_647 = arith.constant 32 : index
        %get3A_648 = tpu.vector_load %arg8[%get3A_646, %get3A_647] {strides = array<i32>} : memref<256x128xf32, #tpu.memory_space<vmem>>, vector<1x16xf32>,
        %get3A_649 = vector.shape_cast %get3A_648 : vector<1x16xf32> to vector<16xf32>
        %mul3A_650 = arith.constant 8.000000e+00 : f32
        %mul3A_651 = vector.broadcast %mul3A_650 : f32 to vector<16xf32>
        %mul3A_652 = arith.mulf %get3A_649, %mul3A_651 : vector<16xf32>
        %add3A_653 = arith.constant 0 : i32
        %add3A_654 = arith.addi %mul3A_613, %add3A_653 : i32
        %swap3A_655 = arith.index_cast %add3A_654 : i32 to index
        %swap3A_656 = arith.constant 32 : index
        %swap3A_657 = tpu.vector_load %arg9[%swap3A_655, %swap3A_656] {strides = array<i32>} : memref<256x64xf32, #tpu.memory_space<vmem>>, vector<1x16xf32>,
        %swap3A_658 = vector.shape_cast %swap3A_657 : vector<1x16xf32> to vector<16xf32>
        %swap3A_659 = vector.shape_cast %mul3A_652 : vector<16xf32> to vector<1x16xf32>
        tpu.vector_store %arg9[%swap3A_655, %swap3A_656], %swap3A_659 {strides = array<i32>} : memref<256x64xf32, #tpu.memory_space<vmem>>, vector<1x16xf32>,
        %add3A_660 = arith.constant 0 : i32
        %add3A_661 = arith.addi %mul3A_613, %add3A_660 : i32
        %get3A_662 = arith.index_cast %add3A_661 : i32 to index
        %get3A_663 = arith.constant 48 : index
        %get3A_664 = tpu.vector_load %arg8[%get3A_662, %get3A_663] {strides = array<i32>} : memref<256x128xf32, #tpu.memory_space<vmem>>, vector<1x16xf32>,
        %get3A_665 = vector.shape_cast %get3A_664 : vector<1x16xf32> to vector<16xf32>
        %mul3A_666 = arith.constant 8.000000e+00 : f32
        %mul3A_667 = vector.broadcast %mul3A_666 : f32 to vector<16xf32>
        %mul3A_668 = arith.mulf %get3A_665, %mul3A_667 : vector<16xf32>
        %add3A_669 = arith.constant 0 : i32
        %add3A_670 = arith.addi %mul3A_613, %add3A_669 : i32
        %swap3A_671 = arith.index_cast %add3A_670 : i32 to index
        %swap3A_672 = arith.constant 48 : index
        %swap3A_673 = tpu.vector_load %arg9[%swap3A_671, %swap3A_672] {strides = array<i32>} : memref<256x64xf32, #tpu.memory_space<vmem>>, vector<1x16xf32>,
        %swap3A_674 = vector.shape_cast %swap3A_673 : vector<1x16xf32> to vector<16xf32>
        %swap3A_675 = vector.shape_cast %mul3A_668 : vector<16xf32> to vector<1x16xf32>
        tpu.vector_store %arg9[%swap3A_671, %swap3A_672], %swap3A_675 {strides = array<i32>} : memref<256x64xf32, #tpu.memory_space<vmem>>, vector<1x16xf32>,
        %add3A_676 = arith.constant 1 : i32
        %add3A_677 = arith.addi %mul3A_613, %add3A_676 : i32
        %get3A_678 = arith.index_cast %add3A_677 : i32 to index
        %get3A_679 = arith.constant 0 : index
        %get3A_680 = tpu.vector_load %arg8[%get3A_678, %get3A_679] {strides = array<i32>} : memref<256x128xf32, #tpu.memory_space<vmem>>, vector<1x16xf32>,
        %get3A_681 = vector.shape_cast %get3A_680 : vector<1x16xf32> to vector<16xf32>
        %mul3A_682 = arith.constant 8.000000e+00 : f32
        %mul3A_683 = vector.broadcast %mul3A_682 : f32 to vector<16xf32>
        %mul3A_684 = arith.mulf %get3A_681, %mul3A_683 : vector<16xf32>
        %add3A_685 = arith.constant 1 : i32
        %add3A_686 = arith.addi %mul3A_613, %add3A_685 : i32
        %swap3A_687 = arith.index_cast %add3A_686 : i32 to index
        %swap3A_688 = arith.constant 0 : index
        %swap3A_689 = tpu.vector_load %arg9[%swap3A_687, %swap3A_688] {strides = array<i32>} : memref<256x64xf32, #tpu.memory_space<vmem>>, vector<1x16xf32>,
        %swap3A_690 = vector.shape_cast %swap3A_689 : vector<1x16xf32> to vector<16xf32>
        %swap3A_691 = vector.shape_cast %mul3A_684 : vector<16xf32> to vector<1x16xf32>
        tpu.vector_store %arg9[%swap3A_687, %swap3A_688], %swap3A_691 {strides = array<i32>} : memref<256x64xf32, #tpu.memory_space<vmem>>, vector<1x16xf32>,
        %add3A_692 = arith.constant 1 : i32
        %add3A_693 = arith.addi %mul3A_613, %add3A_692 : i32
        %get3A_694 = arith.index_cast %add3A_693 : i32 to index
        %get3A_695 = arith.constant 16 : index
        %get3A_696 = tpu.vector_load %arg8[%get3A_694, %get3A_695] {strides = array<i32>} : memref<256x128xf32, #tpu.memory_space<vmem>>, vector<1x16xf32>,
        %get3A_697 = vector.shape_cast %get3A_696 : vector<1x16xf32> to vector<16xf32>
        %mul3A_698 = arith.constant 8.000000e+00 : f32
        %mul3A_699 = vector.broadcast %mul3A_698 : f32 to vector<16xf32>
        %mul3A_700 = arith.mulf %get3A_697, %mul3A_699 : vector<16xf32>
        %add3A_701 = arith.constant 1 : i32
        %add3A_702 = arith.addi %mul3A_613, %add3A_701 : i32
        %swap3A_703 = arith.index_cast %add3A_702 : i32 to index
        %swap3A_704 = arith.constant 16 : index
        %swap3A_705 = tpu.vector_load %arg9[%swap3A_703, %swap3A_704] {strides = array<i32>} : memref<256x64xf32, #tpu.memory_space<vmem>>, vector<1x16xf32>,
        %swap3A_706 = vector.shape_cast %swap3A_705 : vector<1x16xf32> to vector<16xf32>
        %swap3A_707 = vector.shape_cast %mul3A_700 : vector<16xf32> to vector<1x16xf32>
        tpu.vector_store %arg9[%swap3A_703, %swap3A_704], %swap3A_707 {strides = array<i32>} : memref<256x64xf32, #tpu.memory_space<vmem>>, vector<1x16xf32>,
        %add3A_708 = arith.constant 1 : i32
        %add3A_709 = arith.addi %mul3A_613, %add3A_708 : i32
        %get3A_710 = arith.index_cast %add3A_709 : i32 to index
        %get3A_711 = arith.constant 32 : index
        %get3A_712 = tpu.vector_load %arg8[%get3A_710, %get3A_711] {strides = array<i32>} : memref<256x128xf32, #tpu.memory_space<vmem>>, vector<1x16xf32>,
        %get3A_713 = vector.shape_cast %get3A_712 : vector<1x16xf32> to vector<16xf32>
        %mul3A_714 = arith.constant 8.000000e+00 : f32
        %mul3A_715 = vector.broadcast %mul3A_714 : f32 to vector<16xf32>
        %mul3A_716 = arith.mulf %get3A_713, %mul3A_715 : vector<16xf32>
        %add3A_717 = arith.constant 1 : i32
        %add3A_718 = arith.addi %mul3A_613, %add3A_717 : i32
        %swap3A_719 = arith.index_cast %add3A_718 : i32 to index
        %swap3A_720 = arith.constant 32 : index
        %swap3A_721 = tpu.vector_load %arg9[%swap3A_719, %swap3A_720] {strides = array<i32>} : memref<256x64xf32, #tpu.memory_space<vmem>>, vector<1x16xf32>,
        %swap3A_722 = vector.shape_cast %swap3A_721 : vector<1x16xf32> to vector<16xf32>
        %swap3A_723 = vector.shape_cast %mul3A_716 : vector<16xf32> to vector<1x16xf32>
        tpu.vector_store %arg9[%swap3A_719, %swap3A_720], %swap3A_723 {strides = array<i32>} : memref<256x64xf32, #tpu.memory_space<vmem>>, vector<1x16xf32>,
        %add3A_724 = arith.constant 1 : i32
        %add3A_725 = arith.addi %mul3A_613, %add3A_724 : i32
        %get3A_726 = arith.index_cast %add3A_725 : i32 to index
        %get3A_727 = arith.constant 48 : index
        %get3A_728 = tpu.vector_load %arg8[%get3A_726, %get3A_727] {strides = array<i32>} : memref<256x128xf32, #tpu.memory_space<vmem>>, vector<1x16xf32>,
        %get3A_729 = vector.shape_cast %get3A_728 : vector<1x16xf32> to vector<16xf32>
        %mul3A_730 = arith.constant 8.000000e+00 : f32
        %mul3A_731 = vector.broadcast %mul3A_730 : f32 to vector<16xf32>
        %mul3A_732 = arith.mulf %get3A_729, %mul3A_731 : vector<16xf32>
        %add3A_733 = arith.constant 1 : i32
        %add3A_734 = arith.addi %mul3A_613, %add3A_733 : i32
        %swap3A_735 = arith.index_cast %add3A_734 : i32 to index
        %swap3A_736 = arith.constant 48 : index
        %swap3A_737 = tpu.vector_load %arg9[%swap3A_735, %swap3A_736] {strides = array<i32>} : memref<256x64xf32, #tpu.memory_space<vmem>>, vector<1x16xf32>,
        %swap3A_738 = vector.shape_cast %swap3A_737 : vector<1x16xf32> to vector<16xf32>
        %swap3A_739 = vector.shape_cast %mul3A_732 : vector<16xf32> to vector<1x16xf32>
        tpu.vector_store %arg9[%swap3A_735, %swap3A_736], %swap3A_739 {strides = array<i32>} : memref<256x64xf32, #tpu.memory_space<vmem>>, vector<1x16xf32>,
        %add3A_740 = arith.constant 2 : i32
        %add3A_741 = arith.addi %mul3A_613, %add3A_740 : i32
        %get3A_742 = arith.index_cast %add3A_741 : i32 to index
        %get3A_743 = arith.constant 0 : index
        %get3A_744 = tpu.vector_load %arg8[%get3A_742, %get3A_743] {strides = array<i32>} : memref<256x128xf32, #tpu.memory_space<vmem>>, vector<1x16xf32>,
        %get3A_745 = vector.shape_cast %get3A_744 : vector<1x16xf32> to vector<16xf32>
        %mul3A_746 = arith.constant 8.000000e+00 : f32
        %mul3A_747 = vector.broadcast %mul3A_746 : f32 to vector<16xf32>
        %mul3A_748 = arith.mulf %get3A_745, %mul3A_747 : vector<16xf32>
        %add3A_749 = arith.constant 2 : i32
        %add3A_750 = arith.addi %mul3A_613, %add3A_749 : i32
        %swap3A_751 = arith.index_cast %add3A_750 : i32 to index
        %swap3A_752 = arith.constant 0 : index
        %swap3A_753 = tpu.vector_load %arg9[%swap3A_751, %swap3A_752] {strides = array<i32>} : memref<256x64xf32, #tpu.memory_space<vmem>>, vector<1x16xf32>,
        %swap3A_754 = vector.shape_cast %swap3A_753 : vector<1x16xf32> to vector<16xf32>
        %swap3A_755 = vector.shape_cast %mul3A_748 : vector<16xf32> to vector<1x16xf32>
        tpu.vector_store %arg9[%swap3A_751, %swap3A_752], %swap3A_755 {strides = array<i32>} : memref<256x64xf32, #tpu.memory_space<vmem>>, vector<1x16xf32>,
        %add3A_756 = arith.constant 2 : i32
        %add3A_757 = arith.addi %mul3A_613, %add3A_756 : i32
        %get3A_758 = arith.index_cast %add3A_757 : i32 to index
        %get3A_759 = arith.constant 16 : index
        %get3A_760 = tpu.vector_load %arg8[%get3A_758, %get3A_759] {strides = array<i32>} : memref<256x128xf32, #tpu.memory_space<vmem>>, vector<1x16xf32>,
        %get3A_761 = vector.shape_cast %get3A_760 : vector<1x16xf32> to vector<16xf32>
        %mul3A_762 = arith.constant 8.000000e+00 : f32
        %mul3A_763 = vector.broadcast %mul3A_762 : f32 to vector<16xf32>
        %mul3A_764 = arith.mulf %get3A_761, %mul3A_763 : vector<16xf32>
        %add3A_765 = arith.constant 2 : i32
        %add3A_766 = arith.addi %mul3A_613, %add3A_765 : i32
        %swap3A_767 = arith.index_cast %add3A_766 : i32 to index
        %swap3A_768 = arith.constant 16 : index
        %swap3A_769 = tpu.vector_load %arg9[%swap3A_767, %swap3A_768] {strides = array<i32>} : memref<256x64xf32, #tpu.memory_space<vmem>>, vector<1x16xf32>,
        %swap3A_770 = vector.shape_cast %swap3A_769 : vector<1x16xf32> to vector<16xf32>
        %swap3A_771 = vector.shape_cast %mul3A_764 : vector<16xf32> to vector<1x16xf32>
        tpu.vector_store %arg9[%swap3A_767, %swap3A_768], %swap3A_771 {strides = array<i32>} : memref<256x64xf32, #tpu.memory_space<vmem>>, vector<1x16xf32>,
        %add3A_772 = arith.constant 2 : i32
        %add3A_773 = arith.addi %mul3A_613, %add3A_772 : i32
        %get3A_774 = arith.index_cast %add3A_773 : i32 to index
        %get3A_775 = arith.constant 32 : index
        %get3A_776 = tpu.vector_load %arg8[%get3A_774, %get3A_775] {strides = array<i32>} : memref<256x128xf32, #tpu.memory_space<vmem>>, vector<1x16xf32>,
        %get3A_777 = vector.shape_cast %get3A_776 : vector<1x16xf32> to vector<16xf32>
        %mul3A_778 = arith.constant 8.000000e+00 : f32
        %mul3A_779 = vector.broadcast %mul3A_778 : f32 to vector<16xf32>
        %mul3A_780 = arith.mulf %get3A_777, %mul3A_779 : vector<16xf32>
        %add3A_781 = arith.constant 2 : i32
        %add3A_782 = arith.addi %mul3A_613, %add3A_781 : i32
        %swap3A_783 = arith.index_cast %add3A_782 : i32 to index
        %swap3A_784 = arith.constant 32 : index
        %swap3A_785 = tpu.vector_load %arg9[%swap3A_783, %swap3A_784] {strides = array<i32>} : memref<256x64xf32, #tpu.memory_space<vmem>>, vector<1x16xf32>,
        %swap3A_786 = vector.shape_cast %swap3A_785 : vector<1x16xf32> to vector<16xf32>
        %swap3A_787 = vector.shape_cast %mul3A_780 : vector<16xf32> to vector<1x16xf32>
        tpu.vector_store %arg9[%swap3A_783, %swap3A_784], %swap3A_787 {strides = array<i32>} : memref<256x64xf32, #tpu.memory_space<vmem>>, vector<1x16xf32>,
        %add3A_788 = arith.constant 2 : i32
        %add3A_789 = arith.addi %mul3A_613, %add3A_788 : i32
        %get3A_790 = arith.index_cast %add3A_789 : i32 to index
        %get3A_791 = arith.constant 48 : index
        %get3A_792 = tpu.vector_load %arg8[%get3A_790, %get3A_791] {strides = array<i32>} : memref<256x128xf32, #tpu.memory_space<vmem>>, vector<1x16xf32>,
        %get3A_793 = vector.shape_cast %get3A_792 : vector<1x16xf32> to vector<16xf32>
        %mul3A_794 = arith.constant 8.000000e+00 : f32
        %mul3A_795 = vector.broadcast %mul3A_794 : f32 to vector<16xf32>
        %mul3A_796 = arith.mulf %get3A_793, %mul3A_795 : vector<16xf32>
        %add3A_797 = arith.constant 2 : i32
        %add3A_798 = arith.addi %mul3A_613, %add3A_797 : i32
        %swap3A_799 = arith.index_cast %add3A_798 : i32 to index
        %swap3A_800 = arith.constant 48 : index
        %swap3A_801 = tpu.vector_load %arg9[%swap3A_799, %swap3A_800] {strides = array<i32>} : memref<256x64xf32, #tpu.memory_space<vmem>>, vector<1x16xf32>,
        %swap3A_802 = vector.shape_cast %swap3A_801 : vector<1x16xf32> to vector<16xf32>
        %swap3A_803 = vector.shape_cast %mul3A_796 : vector<16xf32> to vector<1x16xf32>
        tpu.vector_store %arg9[%swap3A_799, %swap3A_800], %swap3A_803 {strides = array<i32>} : memref<256x64xf32, #tpu.memory_space<vmem>>, vector<1x16xf32>,
        %add3A_804 = arith.constant 3 : i32
        %add3A_805 = arith.addi %mul3A_613, %add3A_804 : i32
        %get3A_806 = arith.index_cast %add3A_805 : i32 to index
        %get3A_807 = arith.constant 0 : index
        %get3A_808 = tpu.vector_load %arg8[%get3A_806, %get3A_807] {strides = array<i32>} : memref<256x128xf32, #tpu.memory_space<vmem>>, vector<1x16xf32>,
        %get3A_809 = vector.shape_cast %get3A_808 : vector<1x16xf32> to vector<16xf32>
        %mul3A_810 = arith.constant 8.000000e+00 : f32
        %mul3A_811 = vector.broadcast %mul3A_810 : f32 to vector<16xf32>
        %mul3A_812 = arith.mulf %get3A_809, %mul3A_811 : vector<16xf32>
        %add3A_813 = arith.constant 3 : i32
        %add3A_814 = arith.addi %mul3A_613, %add3A_813 : i32
        %swap3A_815 = arith.index_cast %add3A_814 : i32 to index
        %swap3A_816 = arith.constant 0 : index
        %swap3A_817 = tpu.vector_load %arg9[%swap3A_815, %swap3A_816] {strides = array<i32>} : memref<256x64xf32, #tpu.memory_space<vmem>>, vector<1x16xf32>,
        %swap3A_818 = vector.shape_cast %swap3A_817 : vector<1x16xf32> to vector<16xf32>
        %swap3A_819 = vector.shape_cast %mul3A_812 : vector<16xf32> to vector<1x16xf32>
        tpu.vector_store %arg9[%swap3A_815, %swap3A_816], %swap3A_819 {strides = array<i32>} : memref<256x64xf32, #tpu.memory_space<vmem>>, vector<1x16xf32>,
        %add3A_820 = arith.constant 3 : i32
        %add3A_821 = arith.addi %mul3A_613, %add3A_820 : i32
        %get3A_822 = arith.index_cast %add3A_821 : i32 to index
        %get3A_823 = arith.constant 16 : index
        %get3A_824 = tpu.vector_load %arg8[%get3A_822, %get3A_823] {strides = array<i32>} : memref<256x128xf32, #tpu.memory_space<vmem>>, vector<1x16xf32>,
        %get3A_825 = vector.shape_cast %get3A_824 : vector<1x16xf32> to vector<16xf32>
        %mul3A_826 = arith.constant 8.000000e+00 : f32
        %mul3A_827 = vector.broadcast %mul3A_826 : f32 to vector<16xf32>
        %mul3A_828 = arith.mulf %get3A_825, %mul3A_827 : vector<16xf32>
        %add3A_829 = arith.constant 3 : i32
        %add3A_830 = arith.addi %mul3A_613, %add3A_829 : i32
        %swap3A_831 = arith.index_cast %add3A_830 : i32 to index
        %swap3A_832 = arith.constant 16 : index
        %swap3A_833 = tpu.vector_load %arg9[%swap3A_831, %swap3A_832] {strides = array<i32>} : memref<256x64xf32, #tpu.memory_space<vmem>>, vector<1x16xf32>,
        %swap3A_834 = vector.shape_cast %swap3A_833 : vector<1x16xf32> to vector<16xf32>
        %swap3A_835 = vector.shape_cast %mul3A_828 : vector<16xf32> to vector<1x16xf32>
        tpu.vector_store %arg9[%swap3A_831, %swap3A_832], %swap3A_835 {strides = array<i32>} : memref<256x64xf32, #tpu.memory_space<vmem>>, vector<1x16xf32>,
        %add3A_836 = arith.constant 3 : i32
        %add3A_837 = arith.addi %mul3A_613, %add3A_836 : i32
        %get3A_838 = arith.index_cast %add3A_837 : i32 to index
        %get3A_839 = arith.constant 32 : index
        %get3A_840 = tpu.vector_load %arg8[%get3A_838, %get3A_839] {strides = array<i32>} : memref<256x128xf32, #tpu.memory_space<vmem>>, vector<1x16xf32>,
        %get3A_841 = vector.shape_cast %get3A_840 : vector<1x16xf32> to vector<16xf32>
        %mul3A_842 = arith.constant 8.000000e+00 : f32
        %mul3A_843 = vector.broadcast %mul3A_842 : f32 to vector<16xf32>
        %mul3A_844 = arith.mulf %get3A_841, %mul3A_843 : vector<16xf32>
        %add3A_845 = arith.constant 3 : i32
        %add3A_846 = arith.addi %mul3A_613, %add3A_845 : i32
        %swap3A_847 = arith.index_cast %add3A_846 : i32 to index
        %swap3A_848 = arith.constant 32 : index
        %swap3A_849 = tpu.vector_load %arg9[%swap3A_847, %swap3A_848] {strides = array<i32>} : memref<256x64xf32, #tpu.memory_space<vmem>>, vector<1x16xf32>,
        %swap3A_850 = vector.shape_cast %swap3A_849 : vector<1x16xf32> to vector<16xf32>
        %swap3A_851 = vector.shape_cast %mul3A_844 : vector<16xf32> to vector<1x16xf32>
        tpu.vector_store %arg9[%swap3A_847, %swap3A_848], %swap3A_851 {strides = array<i32>} : memref<256x64xf32, #tpu.memory_space<vmem>>, vector<1x16xf32>,
        %add3A_852 = arith.constant 3 : i32
        %add3A_853 = arith.addi %mul3A_613, %add3A_852 : i32
        %get3A_854 = arith.index_cast %add3A_853 : i32 to index
        %get3A_855 = arith.constant 48 : index
        %get3A_856 = tpu.vector_load %arg8[%get3A_854, %get3A_855] {strides = array<i32>} : memref<256x128xf32, #tpu.memory_space<vmem>>, vector<1x16xf32>,
        %get3A_857 = vector.shape_cast %get3A_856 : vector<1x16xf32> to vector<16xf32>
        %mul3A_858 = arith.constant 8.000000e+00 : f32
        %mul3A_859 = vector.broadcast %mul3A_858 : f32 to vector<16xf32>
        %mul3A_860 = arith.mulf %get3A_857, %mul3A_859 : vector<16xf32>
        %add3A_861 = arith.constant 3 : i32
        %add3A_862 = arith.addi %mul3A_613, %add3A_861 : i32
        %swap3A_863 = arith.index_cast %add3A_862 : i32 to index
        %swap3A_864 = arith.constant 48 : index
        %swap3A_865 = tpu.vector_load %arg9[%swap3A_863, %swap3A_864] {strides = array<i32>} : memref<256x64xf32, #tpu.memory_space<vmem>>, vector<1x16xf32>,
        %swap3A_866 = vector.shape_cast %swap3A_865 : vector<1x16xf32> to vector<16xf32>
        %swap3A_867 = vector.shape_cast %mul3A_860 : vector<16xf32> to vector<1x16xf32>
        tpu.vector_store %arg9[%swap3A_863, %swap3A_864], %swap3A_867 {strides = array<i32>} : memref<256x64xf32, #tpu.memory_space<vmem>>, vector<1x16xf32>,
        %add3A_868 = arith.constant 4 : i32
        %add3A_869 = arith.addi %mul3A_613, %add3A_868 : i32
        %get3A_870 = arith.index_cast %add3A_869 : i32 to index
        %get3A_871 = arith.constant 0 : index
        %get3A_872 = tpu.vector_load %arg8[%get3A_870, %get3A_871] {strides = array<i32>} : memref<256x128xf32, #tpu.memory_space<vmem>>, vector<1x16xf32>,
        %get3A_873 = vector.shape_cast %get3A_872 : vector<1x16xf32> to vector<16xf32>
        %mul3A_874 = arith.constant 8.000000e+00 : f32
        %mul3A_875 = vector.broadcast %mul3A_874 : f32 to vector<16xf32>
        %mul3A_876 = arith.mulf %get3A_873, %mul3A_875 : vector<16xf32>
        %add3A_877 = arith.constant 4 : i32
        %add3A_878 = arith.addi %mul3A_613, %add3A_877 : i32
        %swap3A_879 = arith.index_cast %add3A_878 : i32 to index
        %swap3A_880 = arith.constant 0 : index
        %swap3A_881 = tpu.vector_load %arg9[%swap3A_879, %swap3A_880] {strides = array<i32>} : memref<256x64xf32, #tpu.memory_space<vmem>>, vector<1x16xf32>,
        %swap3A_882 = vector.shape_cast %swap3A_881 : vector<1x16xf32> to vector<16xf32>
        %swap3A_883 = vector.shape_cast %mul3A_876 : vector<16xf32> to vector<1x16xf32>
        tpu.vector_store %arg9[%swap3A_879, %swap3A_880], %swap3A_883 {strides = array<i32>} : memref<256x64xf32, #tpu.memory_space<vmem>>, vector<1x16xf32>,
        %add3A_884 = arith.constant 4 : i32
        %add3A_885 = arith.addi %mul3A_613, %add3A_884 : i32
        %get3A_886 = arith.index_cast %add3A_885 : i32 to index
        %get3A_887 = arith.constant 16 : index
        %get3A_888 = tpu.vector_load %arg8[%get3A_886, %get3A_887] {strides = array<i32>} : memref<256x128xf32, #tpu.memory_space<vmem>>, vector<1x16xf32>,
        %get3A_889 = vector.shape_cast %get3A_888 : vector<1x16xf32> to vector<16xf32>
        %mul3A_890 = arith.constant 8.000000e+00 : f32
        %mul3A_891 = vector.broadcast %mul3A_890 : f32 to vector<16xf32>
        %mul3A_892 = arith.mulf %get3A_889, %mul3A_891 : vector<16xf32>
        %add3A_893 = arith.constant 4 : i32
        %add3A_894 = arith.addi %mul3A_613, %add3A_893 : i32
        %swap3A_895 = arith.index_cast %add3A_894 : i32 to index
        %swap3A_896 = arith.constant 16 : index
        %swap3A_897 = tpu.vector_load %arg9[%swap3A_895, %swap3A_896] {strides = array<i32>} : memref<256x64xf32, #tpu.memory_space<vmem>>, vector<1x16xf32>,
        %swap3A_898 = vector.shape_cast %swap3A_897 : vector<1x16xf32> to vector<16xf32>
        %swap3A_899 = vector.shape_cast %mul3A_892 : vector<16xf32> to vector<1x16xf32>
        tpu.vector_store %arg9[%swap3A_895, %swap3A_896], %swap3A_899 {strides = array<i32>} : memref<256x64xf32, #tpu.memory_space<vmem>>, vector<1x16xf32>,
        %add3A_900 = arith.constant 4 : i32
        %add3A_901 = arith.addi %mul3A_613, %add3A_900 : i32
        %get3A_902 = arith.index_cast %add3A_901 : i32 to index
        %get3A_903 = arith.constant 32 : index
        %get3A_904 = tpu.vector_load %arg8[%get3A_902, %get3A_903] {strides = array<i32>} : memref<256x128xf32, #tpu.memory_space<vmem>>, vector<1x16xf32>,
        %get3A_905 = vector.shape_cast %get3A_904 : vector<1x16xf32> to vector<16xf32>
        %mul3A_906 = arith.constant 8.000000e+00 : f32
        %mul3A_907 = vector.broadcast %mul3A_906 : f32 to vector<16xf32>
        %mul3A_908 = arith.mulf %get3A_905, %mul3A_907 : vector<16xf32>
        %add3A_909 = arith.constant 4 : i32
        %add3A_910 = arith.addi %mul3A_613, %add3A_909 : i32
        %swap3A_911 = arith.index_cast %add3A_910 : i32 to index
        %swap3A_912 = arith.constant 32 : index
        %swap3A_913 = tpu.vector_load %arg9[%swap3A_911, %swap3A_912] {strides = array<i32>} : memref<256x64xf32, #tpu.memory_space<vmem>>, vector<1x16xf32>,
        %swap3A_914 = vector.shape_cast %swap3A_913 : vector<1x16xf32> to vector<16xf32>
        %swap3A_915 = vector.shape_cast %mul3A_908 : vector<16xf32> to vector<1x16xf32>
        tpu.vector_store %arg9[%swap3A_911, %swap3A_912], %swap3A_915 {strides = array<i32>} : memref<256x64xf32, #tpu.memory_space<vmem>>, vector<1x16xf32>,
        %add3A_916 = arith.constant 4 : i32
        %add3A_917 = arith.addi %mul3A_613, %add3A_916 : i32
        %get3A_918 = arith.index_cast %add3A_917 : i32 to index
        %get3A_919 = arith.constant 48 : index
        %get3A_920 = tpu.vector_load %arg8[%get3A_918, %get3A_919] {strides = array<i32>} : memref<256x128xf32, #tpu.memory_space<vmem>>, vector<1x16xf32>,
        %get3A_921 = vector.shape_cast %get3A_920 : vector<1x16xf32> to vector<16xf32>
        %mul3A_922 = arith.constant 8.000000e+00 : f32
        %mul3A_923 = vector.broadcast %mul3A_922 : f32 to vector<16xf32>
        %mul3A_924 = arith.mulf %get3A_921, %mul3A_923 : vector<16xf32>
        %add3A_925 = arith.constant 4 : i32
        %add3A_926 = arith.addi %mul3A_613, %add3A_925 : i32
        %swap3A_927 = arith.index_cast %add3A_926 : i32 to index
        %swap3A_928 = arith.constant 48 : index
        %swap3A_929 = tpu.vector_load %arg9[%swap3A_927, %swap3A_928] {strides = array<i32>} : memref<256x64xf32, #tpu.memory_space<vmem>>, vector<1x16xf32>,
        %swap3A_930 = vector.shape_cast %swap3A_929 : vector<1x16xf32> to vector<16xf32>
        %swap3A_931 = vector.shape_cast %mul3A_924 : vector<16xf32> to vector<1x16xf32>
        tpu.vector_store %arg9[%swap3A_927, %swap3A_928], %swap3A_931 {strides = array<i32>} : memref<256x64xf32, #tpu.memory_space<vmem>>, vector<1x16xf32>,
        %add3A_932 = arith.constant 5 : i32
        %add3A_933 = arith.addi %mul3A_613, %add3A_932 : i32
        %get3A_934 = arith.index_cast %add3A_933 : i32 to index
        %get3A_935 = arith.constant 0 : index
        %get3A_936 = tpu.vector_load %arg8[%get3A_934, %get3A_935] {strides = array<i32>} : memref<256x128xf32, #tpu.memory_space<vmem>>, vector<1x16xf32>,
        %get3A_937 = vector.shape_cast %get3A_936 : vector<1x16xf32> to vector<16xf32>
        %mul3A_938 = arith.constant 8.000000e+00 : f32
        %mul3A_939 = vector.broadcast %mul3A_938 : f32 to vector<16xf32>
        %mul3A_940 = arith.mulf %get3A_937, %mul3A_939 : vector<16xf32>
        %add3A_941 = arith.constant 5 : i32
        %add3A_942 = arith.addi %mul3A_613, %add3A_941 : i32
        %swap3A_943 = arith.index_cast %add3A_942 : i32 to index
        %swap3A_944 = arith.constant 0 : index
        %swap3A_945 = tpu.vector_load %arg9[%swap3A_943, %swap3A_944] {strides = array<i32>} : memref<256x64xf32, #tpu.memory_space<vmem>>, vector<1x16xf32>,
        %swap3A_946 = vector.shape_cast %swap3A_945 : vector<1x16xf32> to vector<16xf32>
        %swap3A_947 = vector.shape_cast %mul3A_940 : vector<16xf32> to vector<1x16xf32>
        tpu.vector_store %arg9[%swap3A_943, %swap3A_944], %swap3A_947 {strides = array<i32>} : memref<256x64xf32, #tpu.memory_space<vmem>>, vector<1x16xf32>,
        %add3A_948 = arith.constant 5 : i32
        %add3A_949 = arith.addi %mul3A_613, %add3A_948 : i32
        %get3A_950 = arith.index_cast %add3A_949 : i32 to index
        %get3A_951 = arith.constant 16 : index
        %get3A_952 = tpu.vector_load %arg8[%get3A_950, %get3A_951] {strides = array<i32>} : memref<256x128xf32, #tpu.memory_space<vmem>>, vector<1x16xf32>,
        %get3A_953 = vector.shape_cast %get3A_952 : vector<1x16xf32> to vector<16xf32>
        %mul3A_954 = arith.constant 8.000000e+00 : f32
        %mul3A_955 = vector.broadcast %mul3A_954 : f32 to vector<16xf32>
        %mul3A_956 = arith.mulf %get3A_953, %mul3A_955 : vector<16xf32>
        %add3A_957 = arith.constant 5 : i32
        %add3A_958 = arith.addi %mul3A_613, %add3A_957 : i32
        %swap3A_959 = arith.index_cast %add3A_958 : i32 to index
        %swap3A_960 = arith.constant 16 : index
        %swap3A_961 = tpu.vector_load %arg9[%swap3A_959, %swap3A_960] {strides = array<i32>} : memref<256x64xf32, #tpu.memory_space<vmem>>, vector<1x16xf32>,
        %swap3A_962 = vector.shape_cast %swap3A_961 : vector<1x16xf32> to vector<16xf32>
        %swap3A_963 = vector.shape_cast %mul3A_956 : vector<16xf32> to vector<1x16xf32>
        tpu.vector_store %arg9[%swap3A_959, %swap3A_960], %swap3A_963 {strides = array<i32>} : memref<256x64xf32, #tpu.memory_space<vmem>>, vector<1x16xf32>,
        %add3A_964 = arith.constant 5 : i32
        %add3A_965 = arith.addi %mul3A_613, %add3A_964 : i32
        %get3A_966 = arith.index_cast %add3A_965 : i32 to index
        %get3A_967 = arith.constant 32 : index
        %get3A_968 = tpu.vector_load %arg8[%get3A_966, %get3A_967] {strides = array<i32>} : memref<256x128xf32, #tpu.memory_space<vmem>>, vector<1x16xf32>,
        %get3A_969 = vector.shape_cast %get3A_968 : vector<1x16xf32> to vector<16xf32>
        %mul3A_970 = arith.constant 8.000000e+00 : f32
        %mul3A_971 = vector.broadcast %mul3A_970 : f32 to vector<16xf32>
        %mul3A_972 = arith.mulf %get3A_969, %mul3A_971 : vector<16xf32>
        %add3A_973 = arith.constant 5 : i32
        %add3A_974 = arith.addi %mul3A_613, %add3A_973 : i32
        %swap3A_975 = arith.index_cast %add3A_974 : i32 to index
        %swap3A_976 = arith.constant 32 : index
        %swap3A_977 = tpu.vector_load %arg9[%swap3A_975, %swap3A_976] {strides = array<i32>} : memref<256x64xf32, #tpu.memory_space<vmem>>, vector<1x16xf32>,
        %swap3A_978 = vector.shape_cast %swap3A_977 : vector<1x16xf32> to vector<16xf32>
        %swap3A_979 = vector.shape_cast %mul3A_972 : vector<16xf32> to vector<1x16xf32>
        tpu.vector_store %arg9[%swap3A_975, %swap3A_976], %swap3A_979 {strides = array<i32>} : memref<256x64xf32, #tpu.memory_space<vmem>>, vector<1x16xf32>,
        %add3A_980 = arith.constant 5 : i32
        %add3A_981 = arith.addi %mul3A_613, %add3A_980 : i32
        %get3A_982 = arith.index_cast %add3A_981 : i32 to index
        %get3A_983 = arith.constant 48 : index
        %get3A_984 = tpu.vector_load %arg8[%get3A_982, %get3A_983] {strides = array<i32>} : memref<256x128xf32, #tpu.memory_space<vmem>>, vector<1x16xf32>,
        %get3A_985 = vector.shape_cast %get3A_984 : vector<1x16xf32> to vector<16xf32>
        %mul3A_986 = arith.constant 8.000000e+00 : f32
        %mul3A_987 = vector.broadcast %mul3A_986 : f32 to vector<16xf32>
        %mul3A_988 = arith.mulf %get3A_985, %mul3A_987 : vector<16xf32>
        %add3A_989 = arith.constant 5 : i32
        %add3A_990 = arith.addi %mul3A_613, %add3A_989 : i32
        %swap3A_991 = arith.index_cast %add3A_990 : i32 to index
        %swap3A_992 = arith.constant 48 : index
        %swap3A_993 = tpu.vector_load %arg9[%swap3A_991, %swap3A_992] {strides = array<i32>} : memref<256x64xf32, #tpu.memory_space<vmem>>, vector<1x16xf32>,
        %swap3A_994 = vector.shape_cast %swap3A_993 : vector<1x16xf32> to vector<16xf32>
        %swap3A_995 = vector.shape_cast %mul3A_988 : vector<16xf32> to vector<1x16xf32>
        tpu.vector_store %arg9[%swap3A_991, %swap3A_992], %swap3A_995 {strides = array<i32>} : memref<256x64xf32, #tpu.memory_space<vmem>>, vector<1x16xf32>,
        %add3A_996 = arith.constant 6 : i32
        %add3A_997 = arith.addi %mul3A_613, %add3A_996 : i32
        %get3A_998 = arith.index_cast %add3A_997 : i32 to index
        %get3A_999 = arith.constant 0 : index
        %get3A_1000 = tpu.vector_load %arg8[%get3A_998, %get3A_999] {strides = array<i32>} : memref<256x128xf32, #tpu.memory_space<vmem>>, vector<1x16xf32>,
        %get3A_1001 = vector.shape_cast %get3A_1000 : vector<1x16xf32> to vector<16xf32>
        %mul3A_1002 = arith.constant 8.000000e+00 : f32
        %mul3A_1003 = vector.broadcast %mul3A_1002 : f32 to vector<16xf32>
        %mul3A_1004 = arith.mulf %get3A_1001, %mul3A_1003 : vector<16xf32>
        %add3A_1005 = arith.constant 6 : i32
        %add3A_1006 = arith.addi %mul3A_613, %add3A_1005 : i32
        %swap3A_1007 = arith.index_cast %add3A_1006 : i32 to index
        %swap3A_1008 = arith.constant 0 : index
        %swap3A_1009 = tpu.vector_load %arg9[%swap3A_1007, %swap3A_1008] {strides = array<i32>} : memref<256x64xf32, #tpu.memory_space<vmem>>, vector<1x16xf32>,
        %swap3A_1010 = vector.shape_cast %swap3A_1009 : vector<1x16xf32> to vector<16xf32>
        %swap3A_1011 = vector.shape_cast %mul3A_1004 : vector<16xf32> to vector<1x16xf32>
        tpu.vector_store %arg9[%swap3A_1007, %swap3A_1008], %swap3A_1011 {strides = array<i32>} : memref<256x64xf32, #tpu.memory_space<vmem>>, vector<1x16xf32>,
        %add3A_1012 = arith.constant 6 : i32
        %add3A_1013 = arith.addi %mul3A_613, %add3A_1012 : i32
        %get3A_1014 = arith.index_cast %add3A_1013 : i32 to index
        %get3A_1015 = arith.constant 16 : index
        %get3A_1016 = tpu.vector_load %arg8[%get3A_1014, %get3A_1015] {strides = array<i32>} : memref<256x128xf32, #tpu.memory_space<vmem>>, vector<1x16xf32>,
        %get3A_1017 = vector.shape_cast %get3A_1016 : vector<1x16xf32> to vector<16xf32>
        %mul3A_1018 = arith.constant 8.000000e+00 : f32
        %mul3A_1019 = vector.broadcast %mul3A_1018 : f32 to vector<16xf32>
        %mul3A_1020 = arith.mulf %get3A_1017, %mul3A_1019 : vector<16xf32>
        %add3A_1021 = arith.constant 6 : i32
        %add3A_1022 = arith.addi %mul3A_613, %add3A_1021 : i32
        %swap3A_1023 = arith.index_cast %add3A_1022 : i32 to index
        %swap3A_1024 = arith.constant 16 : index
        %swap3A_1025 = tpu.vector_load %arg9[%swap3A_1023, %swap3A_1024] {strides = array<i32>} : memref<256x64xf32, #tpu.memory_space<vmem>>, vector<1x16xf32>,
        %swap3A_1026 = vector.shape_cast %swap3A_1025 : vector<1x16xf32> to vector<16xf32>
        %swap3A_1027 = vector.shape_cast %mul3A_1020 : vector<16xf32> to vector<1x16xf32>
        tpu.vector_store %arg9[%swap3A_1023, %swap3A_1024], %swap3A_1027 {strides = array<i32>} : memref<256x64xf32, #tpu.memory_space<vmem>>, vector<1x16xf32>,
        %add3A_1028 = arith.constant 6 : i32
        %add3A_1029 = arith.addi %mul3A_613, %add3A_1028 : i32
        %get3A_1030 = arith.index_cast %add3A_1029 : i32 to index
        %get3A_1031 = arith.constant 32 : index
        %get3A_1032 = tpu.vector_load %arg8[%get3A_1030, %get3A_1031] {strides = array<i32>} : memref<256x128xf32, #tpu.memory_space<vmem>>, vector<1x16xf32>,
        %get3A_1033 = vector.shape_cast %get3A_1032 : vector<1x16xf32> to vector<16xf32>
        %mul3A_1034 = arith.constant 8.000000e+00 : f32
        %mul3A_1035 = vector.broadcast %mul3A_1034 : f32 to vector<16xf32>
        %mul3A_1036 = arith.mulf %get3A_1033, %mul3A_1035 : vector<16xf32>
        %add3A_1037 = arith.constant 6 : i32
        %add3A_1038 = arith.addi %mul3A_613, %add3A_1037 : i32
        %swap3A_1039 = arith.index_cast %add3A_1038 : i32 to index
        %swap3A_1040 = arith.constant 32 : index
        %swap3A_1041 = tpu.vector_load %arg9[%swap3A_1039, %swap3A_1040] {strides = array<i32>} : memref<256x64xf32, #tpu.memory_space<vmem>>, vector<1x16xf32>,
        %swap3A_1042 = vector.shape_cast %swap3A_1041 : vector<1x16xf32> to vector<16xf32>
        %swap3A_1043 = vector.shape_cast %mul3A_1036 : vector<16xf32> to vector<1x16xf32>
        tpu.vector_store %arg9[%swap3A_1039, %swap3A_1040], %swap3A_1043 {strides = array<i32>} : memref<256x64xf32, #tpu.memory_space<vmem>>, vector<1x16xf32>,
        %add3A_1044 = arith.constant 6 : i32
        %add3A_1045 = arith.addi %mul3A_613, %add3A_1044 : i32
        %get3A_1046 = arith.index_cast %add3A_1045 : i32 to index
        %get3A_1047 = arith.constant 48 : index
        %get3A_1048 = tpu.vector_load %arg8[%get3A_1046, %get3A_1047] {strides = array<i32>} : memref<256x128xf32, #tpu.memory_space<vmem>>, vector<1x16xf32>,
        %get3A_1049 = vector.shape_cast %get3A_1048 : vector<1x16xf32> to vector<16xf32>
        %mul3A_1050 = arith.constant 8.000000e+00 : f32
        %mul3A_1051 = vector.broadcast %mul3A_1050 : f32 to vector<16xf32>
        %mul3A_1052 = arith.mulf %get3A_1049, %mul3A_1051 : vector<16xf32>
        %add3A_1053 = arith.constant 6 : i32
        %add3A_1054 = arith.addi %mul3A_613, %add3A_1053 : i32
        %swap3A_1055 = arith.index_cast %add3A_1054 : i32 to index
        %swap3A_1056 = arith.constant 48 : index
        %swap3A_1057 = tpu.vector_load %arg9[%swap3A_1055, %swap3A_1056] {strides = array<i32>} : memref<256x64xf32, #tpu.memory_space<vmem>>, vector<1x16xf32>,
        %swap3A_1058 = vector.shape_cast %swap3A_1057 : vector<1x16xf32> to vector<16xf32>
        %swap3A_1059 = vector.shape_cast %mul3A_1052 : vector<16xf32> to vector<1x16xf32>
        tpu.vector_store %arg9[%swap3A_1055, %swap3A_1056], %swap3A_1059 {strides = array<i32>} : memref<256x64xf32, #tpu.memory_space<vmem>>, vector<1x16xf32>,
        %add3A_1060 = arith.constant 7 : i32
        %add3A_1061 = arith.addi %mul3A_613, %add3A_1060 : i32
        %get3A_1062 = arith.index_cast %add3A_1061 : i32 to index
        %get3A_1063 = arith.constant 0 : index
        %get3A_1064 = tpu.vector_load %arg8[%get3A_1062, %get3A_1063] {strides = array<i32>} : memref<256x128xf32, #tpu.memory_space<vmem>>, vector<1x16xf32>,
        %get3A_1065 = vector.shape_cast %get3A_1064 : vector<1x16xf32> to vector<16xf32>
        %mul3A_1066 = arith.constant 8.000000e+00 : f32
        %mul3A_1067 = vector.broadcast %mul3A_1066 : f32 to vector<16xf32>
        %mul3A_1068 = arith.mulf %get3A_1065, %mul3A_1067 : vector<16xf32>
        %add3A_1069 = arith.constant 7 : i32
        %add3A_1070 = arith.addi %mul3A_613, %add3A_1069 : i32
        %swap3A_1071 = arith.index_cast %add3A_1070 : i32 to index
        %swap3A_1072 = arith.constant 0 : index
        %swap3A_1073 = tpu.vector_load %arg9[%swap3A_1071, %swap3A_1072] {strides = array<i32>} : memref<256x64xf32, #tpu.memory_space<vmem>>, vector<1x16xf32>,
        %swap3A_1074 = vector.shape_cast %swap3A_1073 : vector<1x16xf32> to vector<16xf32>
        %swap3A_1075 = vector.shape_cast %mul3A_1068 : vector<16xf32> to vector<1x16xf32>
        tpu.vector_store %arg9[%swap3A_1071, %swap3A_1072], %swap3A_1075 {strides = array<i32>} : memref<256x64xf32, #tpu.memory_space<vmem>>, vector<1x16xf32>,
        %add3A_1076 = arith.constant 7 : i32
        %add3A_1077 = arith.addi %mul3A_613, %add3A_1076 : i32
        %get3A_1078 = arith.index_cast %add3A_1077 : i32 to index
        %get3A_1079 = arith.constant 16 : index
        %get3A_1080 = tpu.vector_load %arg8[%get3A_1078, %get3A_1079] {strides = array<i32>} : memref<256x128xf32, #tpu.memory_space<vmem>>, vector<1x16xf32>,
        %get3A_1081 = vector.shape_cast %get3A_1080 : vector<1x16xf32> to vector<16xf32>
        %mul3A_1082 = arith.constant 8.000000e+00 : f32
        %mul3A_1083 = vector.broadcast %mul3A_1082 : f32 to vector<16xf32>
        %mul3A_1084 = arith.mulf %get3A_1081, %mul3A_1083 : vector<16xf32>
        %add3A_1085 = arith.constant 7 : i32
        %add3A_1086 = arith.addi %mul3A_613, %add3A_1085 : i32
        %swap3A_1087 = arith.index_cast %add3A_1086 : i32 to index
        %swap3A_1088 = arith.constant 16 : index
        %swap3A_1089 = tpu.vector_load %arg9[%swap3A_1087, %swap3A_1088] {strides = array<i32>} : memref<256x64xf32, #tpu.memory_space<vmem>>, vector<1x16xf32>,
        %swap3A_1090 = vector.shape_cast %swap3A_1089 : vector<1x16xf32> to vector<16xf32>
        %swap3A_1091 = vector.shape_cast %mul3A_1084 : vector<16xf32> to vector<1x16xf32>
        tpu.vector_store %arg9[%swap3A_1087, %swap3A_1088], %swap3A_1091 {strides = array<i32>} : memref<256x64xf32, #tpu.memory_space<vmem>>, vector<1x16xf32>,
        %add3A_1092 = arith.constant 7 : i32
        %add3A_1093 = arith.addi %mul3A_613, %add3A_1092 : i32
        %get3A_1094 = arith.index_cast %add3A_1093 : i32 to index
        %get3A_1095 = arith.constant 32 : index
        %get3A_1096 = tpu.vector_load %arg8[%get3A_1094, %get3A_1095] {strides = array<i32>} : memref<256x128xf32, #tpu.memory_space<vmem>>, vector<1x16xf32>,
        %get3A_1097 = vector.shape_cast %get3A_1096 : vector<1x16xf32> to vector<16xf32>
        %mul3A_1098 = arith.constant 8.000000e+00 : f32
        %mul3A_1099 = vector.broadcast %mul3A_1098 : f32 to vector<16xf32>
        %mul3A_1100 = arith.mulf %get3A_1097, %mul3A_1099 : vector<16xf32>
        %add3A_1101 = arith.constant 7 : i32
        %add3A_1102 = arith.addi %mul3A_613, %add3A_1101 : i32
        %swap3A_1103 = arith.index_cast %add3A_1102 : i32 to index
        %swap3A_1104 = arith.constant 32 : index
        %swap3A_1105 = tpu.vector_load %arg9[%swap3A_1103, %swap3A_1104] {strides = array<i32>} : memref<256x64xf32, #tpu.memory_space<vmem>>, vector<1x16xf32>,
        %swap3A_1106 = vector.shape_cast %swap3A_1105 : vector<1x16xf32> to vector<16xf32>
        %swap3A_1107 = vector.shape_cast %mul3A_1100 : vector<16xf32> to vector<1x16xf32>
        tpu.vector_store %arg9[%swap3A_1103, %swap3A_1104], %swap3A_1107 {strides = array<i32>} : memref<256x64xf32, #tpu.memory_space<vmem>>, vector<1x16xf32>,
        %add3A_1108 = arith.constant 7 : i32
        %add3A_1109 = arith.addi %mul3A_613, %add3A_1108 : i32
        %get3A_1110 = arith.index_cast %add3A_1109 : i32 to index
        %get3A_1111 = arith.constant 48 : index
        %get3A_1112 = tpu.vector_load %arg8[%get3A_1110, %get3A_1111] {strides = array<i32>} : memref<256x128xf32, #tpu.memory_space<vmem>>, vector<1x16xf32>,
        %get3A_1113 = vector.shape_cast %get3A_1112 : vector<1x16xf32> to vector<16xf32>
        %mul3A_1114 = arith.constant 8.000000e+00 : f32
        %mul3A_1115 = vector.broadcast %mul3A_1114 : f32 to vector<16xf32>
        %mul3A_1116 = arith.mulf %get3A_1113, %mul3A_1115 : vector<16xf32>
        %add3A_1117 = arith.constant 7 : i32
        %add3A_1118 = arith.addi %mul3A_613, %add3A_1117 : i32
        %swap3A_1119 = arith.index_cast %add3A_1118 : i32 to index
        %swap3A_1120 = arith.constant 48 : index
        %swap3A_1121 = tpu.vector_load %arg9[%swap3A_1119, %swap3A_1120] {strides = array<i32>} : memref<256x64xf32, #tpu.memory_space<vmem>>, vector<1x16xf32>,
        %swap3A_1122 = vector.shape_cast %swap3A_1121 : vector<1x16xf32> to vector<16xf32>
        %swap3A_1123 = vector.shape_cast %mul3A_1116 : vector<16xf32> to vector<1x16xf32>
        tpu.vector_store %arg9[%swap3A_1119, %swap3A_1120], %swap3A_1123 {strides = array<i32>} : memref<256x64xf32, #tpu.memory_space<vmem>>, vector<1x16xf32>,
      }
      %scan3A_604 = arith.constant 32 : i32
      %mul3A_605 = arith.constant 256 : i32
      %mul3A_606 = arith.muli %add3A_408, %mul3A_605 : i32
      %dma_start3A_607 = arith.constant 0 : i32
      %dma_start3A_608 = tpu.memref_slice %arg4[%mul3A_606, %dma_start3A_607] : memref<819200x64xf32, #tpu.memory_space<hbm>> -> memref<256x64xf32, #tpu.memory_space<hbm>>
      %dma_start3A_609 = arith.constant 0 : i32
      %dma_start3A_610 = tpu.memref_slice %arg4[%mul3A_606, %dma_start3A_609] : memref<819200x64xf32, #tpu.memory_space<hbm>> -> memref<256x64xf32, #tpu.memory_space<hbm>>
      tpu.enqueue_dma source(%arg9 : memref<256x64xf32, #tpu.memory_space<vmem>>) target(%dma_start3A_610 : memref<256x64xf32, #tpu.memory_space<hbm>>) target_semaphore(%arg14 : memref<!tpu.dma_semaphore, #tpu.memory_space<semaphore_mem>>)
    }
    %scan3A_105 = arith.constant 50 : i32
    %add3A_106 = arith.constant 1 : i32
    %add3A_107 = arith.addi %mul3A_2, %add3A_106 : i32
    %mul3A_108 = arith.constant 8 : i32
    %mul3A_109 = arith.muli %add3A_107, %mul3A_108 : i32
    %dma_wait3A_110 = arith.constant 0 : i32
    %dma_wait3A_111 = tpu.memref_slice %arg3[%mul3A_109, %dma_wait3A_110] : memref<25600x32xi32, #tpu.memory_space<hbm>> -> memref<8x32xi32, #tpu.memory_space<hbm>>
    %dma_wait3A_112 = arith.constant 0 : i32
    %dma_wait3A_113 = tpu.memref_slice %arg3[%mul3A_109, %dma_wait3A_112] : memref<25600x32xi32, #tpu.memory_space<hbm>> -> memref<8x32xi32, #tpu.memory_space<hbm>>
    tpu.wait_dma2 semaphore(%arg11 : memref<!tpu.dma_semaphore, #tpu.memory_space<semaphore_mem>>) src(%dma_wait3A_113 : memref<8x32xi32, #tpu.memory_space<hbm>>) dst(%arg6 : memref<8x32xi32, #tpu.memory_space<vmem>>)
    %dma_wait3A_114 = arith.constant 0 : i32
    %dma_wait3A_115 = arith.constant 0 : i32
    %dma_wait3A_116 = arith.constant 0 : i32
    %dma_wait3A_117 = tpu.memref_slice %arg7[%dma_wait3A_115, %dma_wait3A_116] : memref<256x128xf32, #tpu.memory_space<vmem>> -> memref<32x128xf32, #tpu.memory_space<vmem>>
    %dma_wait3A_118 = arith.constant 0 : i32
    %dma_wait3A_119 = tpu.memref_slice %arg5[%dma_wait3A_114, %dma_wait3A_118] : memref<8x32xi32, #tpu.memory_space<vmem>> -> memref<1x32xi32, #tpu.memory_space<vmem>>
    %dma_wait3A_120 = tpu.memref_squeeze %dma_wait3A_119 : memref<1x32xi32, #tpu.memory_space<vmem>> -> memref<32xi32, #tpu.memory_space<vmem>>
    %dma_wait3A_121 = arith.constant 0 : i32
    %dma_wait3A_122 = arith.constant 0 : i32
    %dma_wait3A_123 = tpu.memref_slice %arg2[%dma_wait3A_121, %dma_wait3A_122] : memref<1000000x128xf32, #tpu.memory_space<hbm>> -> memref<1000000x128xf32, #tpu.memory_space<hbm>>
    tpu.wait_indirect_dma semaphore(%arg12 : memref<!tpu.dma_semaphore, #tpu.memory_space<semaphore_mem>>) src(%dma_wait3A_123 : memref<1000000x128xf32, #tpu.memory_space<hbm>>) dst(%dma_wait3A_117 : memref<32x128xf32, #tpu.memory_space<vmem>>)
    %dma_wait3A_124 = arith.constant 1 : i32
    %dma_wait3A_125 = arith.constant 32 : i32
    %dma_wait3A_126 = arith.constant 0 : i32
    %dma_wait3A_127 = tpu.memref_slice %arg7[%dma_wait3A_125, %dma_wait3A_126] : memref<256x128xf32, #tpu.memory_space<vmem>> -> memref<32x128xf32, #tpu.memory_space<vmem>>
    %dma_wait3A_128 = arith.constant 0 : i32
    %dma_wait3A_129 = tpu.memref_slice %arg5[%dma_wait3A_124, %dma_wait3A_128] : memref<8x32xi32, #tpu.memory_space<vmem>> -> memref<1x32xi32, #tpu.memory_space<vmem>>
    %dma_wait3A_130 = tpu.memref_squeeze %dma_wait3A_129 : memref<1x32xi32, #tpu.memory_space<vmem>> -> memref<32xi32, #tpu.memory_space<vmem>>
    %dma_wait3A_131 = arith.constant 0 : i32
    %dma_wait3A_132 = arith.constant 0 : i32
    %dma_wait3A_133 = tpu.memref_slice %arg2[%dma_wait3A_131, %dma_wait3A_132] : memref<1000000x128xf32, #tpu.memory_space<hbm>> -> memref<1000000x128xf32, #tpu.memory_space<hbm>>
    tpu.wait_indirect_dma semaphore(%arg12 : memref<!tpu.dma_semaphore, #tpu.memory_space<semaphore_mem>>) src(%dma_wait3A_133 : memref<1000000x128xf32, #tpu.memory_space<hbm>>) dst(%dma_wait3A_127 : memref<32x128xf32, #tpu.memory_space<vmem>>)
    %dma_wait3A_134 = arith.constant 2 : i32
    %dma_wait3A_135 = arith.constant 64 : i32
    %dma_wait3A_136 = arith.constant 0 : i32
    %dma_wait3A_137 = tpu.memref_slice %arg7[%dma_wait3A_135, %dma_wait3A_136] : memref<256x128xf32, #tpu.memory_space<vmem>> -> memref<32x128xf32, #tpu.memory_space<vmem>>
    %dma_wait3A_138 = arith.constant 0 : i32
    %dma_wait3A_139 = tpu.memref_slice %arg5[%dma_wait3A_134, %dma_wait3A_138] : memref<8x32xi32, #tpu.memory_space<vmem>> -> memref<1x32xi32, #tpu.memory_space<vmem>>
    %dma_wait3A_140 = tpu.memref_squeeze %dma_wait3A_139 : memref<1x32xi32, #tpu.memory_space<vmem>> -> memref<32xi32, #tpu.memory_space<vmem>>
    %dma_wait3A_141 = arith.constant 0 : i32
    %dma_wait3A_142 = arith.constant 0 : i32
    %dma_wait3A_143 = tpu.memref_slice %arg2[%dma_wait3A_141, %dma_wait3A_142] : memref<1000000x128xf32, #tpu.memory_space<hbm>> -> memref<1000000x128xf32, #tpu.memory_space<hbm>>
    tpu.wait_indirect_dma semaphore(%arg12 : memref<!tpu.dma_semaphore, #tpu.memory_space<semaphore_mem>>) src(%dma_wait3A_143 : memref<1000000x128xf32, #tpu.memory_space<hbm>>) dst(%dma_wait3A_137 : memref<32x128xf32, #tpu.memory_space<vmem>>)
    %dma_wait3A_144 = arith.constant 3 : i32
    %dma_wait3A_145 = arith.constant 96 : i32
    %dma_wait3A_146 = arith.constant 0 : i32
    %dma_wait3A_147 = tpu.memref_slice %arg7[%dma_wait3A_145, %dma_wait3A_146] : memref<256x128xf32, #tpu.memory_space<vmem>> -> memref<32x128xf32, #tpu.memory_space<vmem>>
    %dma_wait3A_148 = arith.constant 0 : i32
    %dma_wait3A_149 = tpu.memref_slice %arg5[%dma_wait3A_144, %dma_wait3A_148] : memref<8x32xi32, #tpu.memory_space<vmem>> -> memref<1x32xi32, #tpu.memory_space<vmem>>
    %dma_wait3A_150 = tpu.memref_squeeze %dma_wait3A_149 : memref<1x32xi32, #tpu.memory_space<vmem>> -> memref<32xi32, #tpu.memory_space<vmem>>
    %dma_wait3A_151 = arith.constant 0 : i32
    %dma_wait3A_152 = arith.constant 0 : i32
    %dma_wait3A_153 = tpu.memref_slice %arg2[%dma_wait3A_151, %dma_wait3A_152] : memref<1000000x128xf32, #tpu.memory_space<hbm>> -> memref<1000000x128xf32, #tpu.memory_space<hbm>>
    tpu.wait_indirect_dma semaphore(%arg12 : memref<!tpu.dma_semaphore, #tpu.memory_space<semaphore_mem>>) src(%dma_wait3A_153 : memref<1000000x128xf32, #tpu.memory_space<hbm>>) dst(%dma_wait3A_147 : memref<32x128xf32, #tpu.memory_space<vmem>>)
    %dma_wait3A_154 = arith.constant 4 : i32
    %dma_wait3A_155 = arith.constant 128 : i32
    %dma_wait3A_156 = arith.constant 0 : i32
    %dma_wait3A_157 = tpu.memref_slice %arg7[%dma_wait3A_155, %dma_wait3A_156] : memref<256x128xf32, #tpu.memory_space<vmem>> -> memref<32x128xf32, #tpu.memory_space<vmem>>
    %dma_wait3A_158 = arith.constant 0 : i32
    %dma_wait3A_159 = tpu.memref_slice %arg5[%dma_wait3A_154, %dma_wait3A_158] : memref<8x32xi32, #tpu.memory_space<vmem>> -> memref<1x32xi32, #tpu.memory_space<vmem>>
    %dma_wait3A_160 = tpu.memref_squeeze %dma_wait3A_159 : memref<1x32xi32, #tpu.memory_space<vmem>> -> memref<32xi32, #tpu.memory_space<vmem>>
    %dma_wait3A_161 = arith.constant 0 : i32
    %dma_wait3A_162 = arith.constant 0 : i32
    %dma_wait3A_163 = tpu.memref_slice %arg2[%dma_wait3A_161, %dma_wait3A_162] : memref<1000000x128xf32, #tpu.memory_space<hbm>> -> memref<1000000x128xf32, #tpu.memory_space<hbm>>
    tpu.wait_indirect_dma semaphore(%arg12 : memref<!tpu.dma_semaphore, #tpu.memory_space<semaphore_mem>>) src(%dma_wait3A_163 : memref<1000000x128xf32, #tpu.memory_space<hbm>>) dst(%dma_wait3A_157 : memref<32x128xf32, #tpu.memory_space<vmem>>)
    %dma_wait3A_164 = arith.constant 5 : i32
    %dma_wait3A_165 = arith.constant 160 : i32
    %dma_wait3A_166 = arith.constant 0 : i32
    %dma_wait3A_167 = tpu.memref_slice %arg7[%dma_wait3A_165, %dma_wait3A_166] : memref<256x128xf32, #tpu.memory_space<vmem>> -> memref<32x128xf32, #tpu.memory_space<vmem>>
    %dma_wait3A_168 = arith.constant 0 : i32
    %dma_wait3A_169 = tpu.memref_slice %arg5[%dma_wait3A_164, %dma_wait3A_168] : memref<8x32xi32, #tpu.memory_space<vmem>> -> memref<1x32xi32, #tpu.memory_space<vmem>>
    %dma_wait3A_170 = tpu.memref_squeeze %dma_wait3A_169 : memref<1x32xi32, #tpu.memory_space<vmem>> -> memref<32xi32, #tpu.memory_space<vmem>>
    %dma_wait3A_171 = arith.constant 0 : i32
    %dma_wait3A_172 = arith.constant 0 : i32
    %dma_wait3A_173 = tpu.memref_slice %arg2[%dma_wait3A_171, %dma_wait3A_172] : memref<1000000x128xf32, #tpu.memory_space<hbm>> -> memref<1000000x128xf32, #tpu.memory_space<hbm>>
    tpu.wait_indirect_dma semaphore(%arg12 : memref<!tpu.dma_semaphore, #tpu.memory_space<semaphore_mem>>) src(%dma_wait3A_173 : memref<1000000x128xf32, #tpu.memory_space<hbm>>) dst(%dma_wait3A_167 : memref<32x128xf32, #tpu.memory_space<vmem>>)
    %dma_wait3A_174 = arith.constant 6 : i32
    %dma_wait3A_175 = arith.constant 192 : i32
    %dma_wait3A_176 = arith.constant 0 : i32
    %dma_wait3A_177 = tpu.memref_slice %arg7[%dma_wait3A_175, %dma_wait3A_176] : memref<256x128xf32, #tpu.memory_space<vmem>> -> memref<32x128xf32, #tpu.memory_space<vmem>>
    %dma_wait3A_178 = arith.constant 0 : i32
    %dma_wait3A_179 = tpu.memref_slice %arg5[%dma_wait3A_174, %dma_wait3A_178] : memref<8x32xi32, #tpu.memory_space<vmem>> -> memref<1x32xi32, #tpu.memory_space<vmem>>
    %dma_wait3A_180 = tpu.memref_squeeze %dma_wait3A_179 : memref<1x32xi32, #tpu.memory_space<vmem>> -> memref<32xi32, #tpu.memory_space<vmem>>
    %dma_wait3A_181 = arith.constant 0 : i32
    %dma_wait3A_182 = arith.constant 0 : i32
    %dma_wait3A_183 = tpu.memref_slice %arg2[%dma_wait3A_181, %dma_wait3A_182] : memref<1000000x128xf32, #tpu.memory_space<hbm>> -> memref<1000000x128xf32, #tpu.memory_space<hbm>>
    tpu.wait_indirect_dma semaphore(%arg12 : memref<!tpu.dma_semaphore, #tpu.memory_space<semaphore_mem>>) src(%dma_wait3A_183 : memref<1000000x128xf32, #tpu.memory_space<hbm>>) dst(%dma_wait3A_177 : memref<32x128xf32, #tpu.memory_space<vmem>>)
    %dma_wait3A_184 = arith.constant 7 : i32
    %dma_wait3A_185 = arith.constant 224 : i32
    %dma_wait3A_186 = arith.constant 0 : i32
    %dma_wait3A_187 = tpu.memref_slice %arg7[%dma_wait3A_185, %dma_wait3A_186] : memref<256x128xf32, #tpu.memory_space<vmem>> -> memref<32x128xf32, #tpu.memory_space<vmem>>
    %dma_wait3A_188 = arith.constant 0 : i32
    %dma_wait3A_189 = tpu.memref_slice %arg5[%dma_wait3A_184, %dma_wait3A_188] : memref<8x32xi32, #tpu.memory_space<vmem>> -> memref<1x32xi32, #tpu.memory_space<vmem>>
    %dma_wait3A_190 = tpu.memref_squeeze %dma_wait3A_189 : memref<1x32xi32, #tpu.memory_space<vmem>> -> memref<32xi32, #tpu.memory_space<vmem>>
    %dma_wait3A_191 = arith.constant 0 : i32
    %dma_wait3A_192 = arith.constant 0 : i32
    %dma_wait3A_193 = tpu.memref_slice %arg2[%dma_wait3A_191, %dma_wait3A_192] : memref<1000000x128xf32, #tpu.memory_space<hbm>> -> memref<1000000x128xf32, #tpu.memory_space<hbm>>
    tpu.wait_indirect_dma semaphore(%arg12 : memref<!tpu.dma_semaphore, #tpu.memory_space<semaphore_mem>>) src(%dma_wait3A_193 : memref<1000000x128xf32, #tpu.memory_space<hbm>>) dst(%dma_wait3A_187 : memref<32x128xf32, #tpu.memory_space<vmem>>)
    %add3A_194 = arith.constant 100 : i32
    %add3A_195 = arith.addi %mul3A_2, %add3A_194 : i32
    %sub3A = arith.constant 1 : i32
    %sub3A_196 = arith.subi %add3A_195, %sub3A : i32
    %mul3A_197 = arith.constant 256 : i32
    %mul3A_198 = arith.muli %sub3A_196, %mul3A_197 : i32
    %dma_wait3A_199 = arith.constant 0 : i32
    %dma_wait3A_200 = tpu.memref_slice %arg4[%mul3A_198, %dma_wait3A_199] : memref<819200x64xf32, #tpu.memory_space<hbm>> -> memref<256x64xf32, #tpu.memory_space<hbm>>
    %dma_wait3A_201 = arith.constant 0 : i32
    %dma_wait3A_202 = tpu.memref_slice %arg4[%mul3A_198, %dma_wait3A_201] : memref<819200x64xf32, #tpu.memory_space<hbm>> -> memref<256x64xf32, #tpu.memory_space<hbm>>
    tpu.wait_dma2 semaphore(%arg14 : memref<!tpu.dma_semaphore, #tpu.memory_space<semaphore_mem>>) src(%arg9 : memref<256x64xf32, #tpu.memory_space<vmem>>) dst(%dma_wait3A_202 : memref<256x64xf32, #tpu.memory_space<hbm>>)
    return
  }
}

</mosaic_0001>

<sc_bundles>
// kernel: kernel.3.cloned.1.call-start
scs
__scs_entry_jumppad:
0x0: {  	(pc) =	sbr.rel $0x88, $3  }
0x1: {  	(tag) =	ssettag $0x0;
	lr =	simm.s32 $0x1  }
0x2: {  	[smem:$0x3F9F] =	sst lr;
	_ =	strace $0xD0000000  }
0x3: {  	_ = 	snop  }
0x4: {  	_ = 	snop  }
0x5: {  	_ = 	snop  }
0x6: {  	_ = 	snop  }
0x7: {  	_ = 	snop  }
__scs_overlays_trampoline_lowered:
0x8: {  	[smem:$0x3FAE] =	sst s0  }
0x9: {  	[smem:$0x3FAF] =	sst s1  }
0xa: {  	[smem:$0x3FB0] =	sst s2  }
0xb: {  	[smem:$0x3FB1] =	sst s3  }
0xc: {  	[smem:$0x3FB2] =	sst s4  }
0xd: {  	[smem:$0x3FB3] =	sst s5  }
0xe: {  	[smem:$0x3FB4] =	sst s6  }
0xf: {  	[smem:$0x3FB5] =	sst s7  }
0x10: {  	[smem:$0x3FB6] =	sst s8  }
0x11: {  	[smem:$0x3FB7] =	sst s9;
	s0 =	simm.s32 @!p0 $0x0  }
0x12: {  	s1 =	sld [smem:$0x3F9D];
	s0 =	simm.s32 @p0 $0x1  }
0x13: {  	[smem:$0x3FB8] =	sst s0;
	s0 =	simm.s32 @!p1 $0x0  }
0x14: {  	s2 =	sld [smem:$0x3F9C];
	s0 =	simm.s32 @p1 $0x1  }
0x15: {  	[smem:$0x3FB9] =	sst s0;
	s0 =	simm.s32 @!p2 $0x0  }
0x16: {  	s3 =	sld [smem:$0x3FDB];
	s0 =	simm.s32 @p2 $0x1  }
0x17: {  	s4 =	simm.s32 $0x1BF5;
	[smem:$0x3FBB] =	sst s0  }
0x18: {  	s0 =	sld [smem:$0x3F9E];
	_ =	swait.ge [sflag:s4], $0x0  }
0x19: {  	s7 =	sld [smem:$0x3F9F]  }
0x1a: {  	s8 =	sadd.s32 $0xFFFFE003, lr  }
0x1b: {  	s9 =	sadd.s32 $0xFFFFFEF7, lr;
	s5 =	simm.s32 $0xFFFFFFFF;
	p2 =	slt.u32 s8, $0xFFFFF086  }
0x1c: {  	p1 =	slt.u32 s9, $0xF7A;
	s5 =	simm.s32 @!p2 $0x0  }
0x1d: {  	s5 =	simm.s32 @p1 $0x1;
	p0 =	seq.s32 s7, s2  }
0x1e: {  	s7 =	smul.u32 @!p0 $0xF7A, s2;
	p2 =	seq.s32 @!p0 s5, $0x0  }
0x1f: {  	s9 =	smul.u32 $0xF7A, s1;
	s8 =	simm.s32 @!p0 $0x1BF5;
	p2 =	por !p2, p0  }
0x20: {  	[sflag:s8] =	ssyncset.s32 @!p0 $0xFFFFF086;
	s6 =	sadd.s32 @!p0 s3, s7;
	s7 =	simm.s32 @!p0 $0x108  }
0x21: {  	s3 =	sadd.s32 s3, s9;
	s6 =	sadd.s32 @!p0 $0x88, s6;
	s7 =	simm.s32 @p2 $0x1082  }
0x22: {  	[simem:s7], [sflag:s8] =	dma.local @!p0 [hbm:s6], $0xF7A  }
0x23: {  	s9 =	sor.u32 $0xD0000000, s2;
	s6 =	simm.s32 $0x108;
	_ =	swait.ge @!p0 [sflag:s8], $0x0  }
0x24: {  	s3 =	sadd.s32 $0x88, s3;
	s6 =	simm.s32 @!p1 $0x1082;
	[sflag:s4] =	ssyncset.s32 $0xFFFFF086  }
0x25: {  	[simem:s6], [sflag:s4] =	dma.local [hbm:s3], $0xF7A  }
0x26: {  	[smem:$0x3F9F] =	sst s1;
	(tag) =	ssettag s2;
	_ =	strace s9  }
0x27: {  	s1 =	sld [smem:$0x3FAF]  }
0x28: {  	s2 =	sld [smem:$0x3FB0]  }
0x29: {  	s4 =	sld [smem:$0x3FB2]  }
0x2a: {  	p0 =	seq.s32 s5, $0x0;
	s5 =	sld [smem:$0x3FB3]  }
0x2b: {  	s6 =	sld [smem:$0x3FB4]  }
0x2c: {  	s7 =	sld [smem:$0x3FB5]  }
0x2d: {  	s3 =	simm.s32 $0x108;
	s8 =	sld [smem:$0x3FB6]  }
0x2e: {  	s3 =	simm.s32 @!p0 $0x1082;
	s9 =	sld [smem:$0x3FB7]  }
0x2f: {  	lr =	sadd.s32 s0, s3;
	s0 =	sld [smem:$0x3FAE]  }
0x30: {  	s3 =	sld [smem:$0x3FB1]  }
0x31: {  	[smem:$0x3FBA] =	sst s10  }
0x32: {  	s10 =	sld [smem:$0x3FB8];
	_ =	sdelay $0x3  }
0x33: {  	p0 =	seq.s32 s10, $0x1;
	s10 =	sld [smem:$0x3FBA];
	_ =	sdelay $0x3  }
0x34: {  	[smem:$0x3FBA] =	sst s10  }
0x35: {  	s10 =	sld [smem:$0x3FB9];
	_ =	sdelay $0x3  }
0x36: {  	p1 =	seq.s32 s10, $0x1;
	s10 =	sld [smem:$0x3FBA];
	_ =	sdelay $0x3  }
0x37: {  	[smem:$0x3FBA] =	sst s10  }
0x38: {  	s10 =	sld [smem:$0x3FBB]  }
0x39: {  	_ = 	snop;
	(pc) =	sbr.ind lr, $3  }
0x3a: {  	_ = 	snop  }
0x3b: {  	_ = 	snop  }
0x3c: {  	p2 =	seq.s32 s10, $0x1;
	s10 =	sld [smem:$0x3FBA]  }
0x3d: {  	_ =	shalt  }
0x3e: {  	_ =	shalt  }
0x3f: {  	_ =	shalt  }
0x40: {  	_ =	shalt  }
0x41: {  	_ =	shalt  }
0x42: {  	_ =	shalt  }
0x43: {  	_ =	shalt  }
0x44: {  	_ =	shalt  }
0x45: {  	_ =	shalt  }
0x46: {  	_ =	shalt  }
0x47: {  	_ =	shalt  }
0x48: {  	_ =	shalt  }
0x49: {  	_ =	shalt  }
0x4a: {  	_ =	shalt  }
0x4b: {  	_ =	shalt  }
0x4c: {  	_ =	shalt  }
0x4d: {  	_ =	shalt  }
0x4e: {  	_ =	shalt  }
0x4f: {  	_ =	shalt  }
0x50: {  	_ =	shalt  }
0x51: {  	_ =	shalt  }
0x52: {  	_ =	shalt  }
0x53: {  	_ =	shalt  }
0x54: {  	_ =	shalt  }
0x55: {  	_ =	shalt  }
0x56: {  	_ =	shalt  }
0x57: {  	_ =	shalt  }
0x58: {  	_ =	shalt  }
0x59: {  	_ =	shalt  }
0x5a: {  	_ =	shalt  }
0x5b: {  	_ =	shalt  }
0x5c: {  	_ =	shalt  }
0x5d: {  	_ =	shalt  }
0x5e: {  	_ =	shalt  }
0x5f: {  	_ =	shalt  }
0x60: {  	_ =	shalt  }
0x61: {  	_ =	shalt  }
0x62: {  	_ =	shalt  }
0x63: {  	_ =	shalt  }
0x64: {  	_ =	shalt  }
0x65: {  	_ =	shalt  }
0x66: {  	_ =	shalt  }
0x67: {  	_ =	shalt  }
0x68: {  	_ =	shalt  }
0x69: {  	_ =	shalt  }
0x6a: {  	_ =	shalt  }
0x6b: {  	_ =	shalt  }
0x6c: {  	_ =	shalt  }
0x6d: {  	_ =	shalt  }
0x6e: {  	_ =	shalt  }
0x6f: {  	_ =	shalt  }
0x70: {  	_ =	shalt  }
0x71: {  	_ =	shalt  }
0x72: {  	_ =	shalt  }
0x73: {  	_ =	shalt  }
0x74: {  	_ =	shalt  }
0x75: {  	_ =	shalt  }
0x76: {  	_ =	shalt  }
0x77: {  	_ =	shalt  }
0x78: {  	_ =	shalt  }
0x79: {  	_ =	shalt  }
0x7a: {  	_ =	shalt  }
0x7b: {  	_ =	shalt  }
0x7c: {  	_ =	shalt  }
0x7d: {  	_ =	shalt  }
0x7e: {  	_ =	shalt  }
0x7f: {  	_ =	shalt  }
0x80: {  	_ =	shalt  }
0x81: {  	_ =	shalt  }
0x82: {  	_ =	shalt  }
0x83: {  	_ =	shalt  }
0x84: {  	_ =	shalt  }
0x85: {  	_ =	shalt  }
0x86: {  	_ =	shalt  }
0x87: {  	_ =	shalt  }
.Lfunc_end0:
.L_simem_size_0:
called_computation.1_lowered:
.L_overlay_start_0:
0x88: {  	s2 =	sld [smem:$0x3FD9]  }
0x89: {  	s3 =	sld [smem:$0x3FFE];
	_ =	sdelay $0x1  }
0x8a: {  	s1 =	srdreg.scid  }
0x8b: {  	s0 =	sand.u32 $0x1, s1  }
0x8c: {  	s17 =	sshll.u32 s0, $0xA;
	s2 =	sadd.s32 s3, s2  }
0x8d: {  	s2 =	sadd.s32 s2, s17  }
0x8e: {  	[smem:$0x3FC6] =	sst s2  }
0x8f: {  	_ = 	snop  }
0x90: {  	s2 =	sld [smem:$0x3FD0];
	(tm) =	ssettm $0x1  }
0x91: {  	s18 =	sld [smem:$0x3FFB];
	_ =	sdelay $0x3  }
0x92: {  	_ =	strace s18  }
0x93: {  	s3 =	sld [smem:$0x3FFC];
	_ =	sdelay $0x3  }
0x94: {  	_ =	strace s3  }
0x95: {  	s3 =	sld [smem:$0x3FFD];
	_ =	sdelay $0x3  }
0x96: {  	_ =	strace s3  }
0x97: {  	_ =	strace $0x8FFFFFFF  }
0x98: {  	s19 =	sld [smem:$0x3FDB];
	_ =	sdelay $0x1  }
0x99: {  	s4 =	simm.s32 $_scs_section_size  }
0x9a: {  	s5 =	simm.s32 $_size__tile_overlayer_lowered;
	s6 =	simm.s32 $_tile_overlayer_lowered  }
0x9b: {  	s22 =	simm.s32 $0x1BFF;
	s21 =	sshll.u32 s6, $0x1;
	s3 =	sadd.s32 s4, s19  }
0x9c: {  	s7 =	simm.s32 $0x0;
	s20 =	sshll.u32 s5, $0x1;
	s5 =	sadd.s32 s21, s3  }
0x9d: {  	[timem:s7], [sflag:s22] =	dma.local [hbm:s5], s20  }
0x9e: {  	_ =	swait.ge [sflag:s22], s20  }
0x9f: {  	s4 =	ssub.s32 $0x0, s20;
	[sflag:s22] =	ssyncset.done $0x0  }
0xa0: {  	[sflag:s22] =	ssyncadd.s32 s4;
	_ =	sdelay $0x1  }
0xa1: {  	s23 =	simm.s32 $0x1B8B  }
0xa2: {  	_ =	swait.ge [sflag:s23], $0x1  }
0xa3: {  	[sflag:s23] =	ssyncset.done $0x0  }
0xa4: {  	s25 =	simm.s32 $0x1B8E;
	s24 =	sld [smem:$0x3FFE];
	[sflag:s23] =	ssyncadd.s32 $0xFFFFFFFF  }
0xa5: {  	s26 =	simm.s32 $execute0_lowered;
	[smem:$0x3FD2] =	sst s25  }
0xa6: {  	s5 =	sshll.u32 s26, $0x1;
	_ =	strace $0x80000046;
	[dreg:$0x1] =	wrdreg $0xFFFFFFFF  }
0xa7: {  	s28 =	simm.s32 $_size_execute0_lowered;
	s3 =	sadd.s32 s3, s5;
	[dreg:$0x0] =	wrdreg $0x0  }
0xa8: {  	s5 =	sshll.u32 s28, $0x1;
	[dreg:$0x2] =	wrdreg s3  }
0xa9: {  	[dreg:$0x3] =	wrdreg s5  }
0xaa: {  	[dreg:$0x4] =	wrdreg $0xC0  }
0xab: {  	_ =	task [dreg:s7], $0x5FFFF  }
0xac: {  	[dreg:$0x1] =	wrdreg $0xFFFFFFFF  }
0xad: {  	[dreg:$0x0] =	wrdreg $0x60  }
0xae: {  	[dreg:$0x2] =	wrdreg s24  }
0xaf: {  	[dreg:$0x3] =	wrdreg s2  }
0xb0: {  	[dreg:$0x4] =	wrdreg $0x9  }
0xb1: {  	_ =	task.clear_ibuf [dreg:s7], $0x5FFFF;
	_ =	strace $0x90000046  }
0xb2: {  	s29 =	simm.s32 $0x9;
	_ =	strace $0x80000048  }
0xb3: {  	_ =	swait.ge [sflag:s29], $0x1  }
0xb4: {  	[sflag:s29] =	ssyncadd.s32 $0xFFFFFFFF  }
0xb5: {  	_ =	strace $0x90000048  }
0xb6: {  	_ =	sfence  }
0xb7: {  	s30 =	sld [smem:$0x0];
	_ =	sdelay $0x2  }
0xb8: {  	s31 =	sshll.u32 s1, $0xD;
	s1 =	sshrl.u32 s1, $0x2  }
0xb9: {  	s3 =	sand.u32 $0x4000, s31;
	s1 =	sadd.s32 s1, s30  }
0xba: {  	s0 =	sor.u32 s3, s0;
	s1 =	sshll.u32 s1, $0x11  }
0xbb: {  	s0 =	sor.u32 s1, s0  }
0xbc: {  	s0 =	sadd.s32 $0x8F2B, s0  }
0xbd: {  	[sflag:s0] =	ssyncadd.remote.s32 $0x1  }
0xbe: {  	_ =	sfence.sel $0xFFFF  }
0xbf: {  	[dreg:$0x0] =	wrdreg $0xFFFFFFFF;
	(pc) =	sbr.abs _section_cstart, $3  }
0xc0: {  	[dreg:$0x1] =	wrdreg $0xFFFFFFFF  }
0xc1: {  	_ =	task.clear_ibuf [dreg:s7], $0x2FFFF;
	_ =	strace $0x9FFFFFFF  }
0xc2: {  	(tm) =	ssettm $0x7FFFFFFF  }
0xc3: {  	_ =	shalt  }
tec
execute0_lowered:
.L_overlay_start_1:
0x0: {  	(tag) =	ssettag $0x1  }
0x1: {  	s0 =	rddreg [dreg:$0x0]  }
0x2: {  	s2 =	rddreg [dreg:$0x1]  }
0x3: {  	s1 =	srdreg.scid;
	s4 =	stileid.u32;
	s3 =	simm.s32 $0x0  }
0x4: {  	s11 =	simm.s32 $0x400;
	s12 =	simm.s32 $0x1;
	s13 =	simm.s32 $0x20  }
0x5: {  	s18 =	simm.s32 $0x2800;
	s19 =	simm.s32 $0x180;
	s20 =	simm.s32 $0x3800  }
0x6: {  	s21 =	simm.s32 $0x200;
	s22 =	simm.s32 $0x4800;
	s23 =	simm.s32 $0x280  }
0x7: {  	s24 =	simm.s32 $0x5800;
	s25 =	simm.s32 $0x300;
	s28 =	simm.s32 $0x380  }
0x8: {  	s29 =	simm.s32 $0x7800;
	s30 =	simm.s32 $0x2;
	s10 =	simm.s32 $0x10800  }
0x9: {  	s14 =	simm.s32 $0x4;
	s1 =	sand.u32 $0x1, s1;
	s4 =	sshll.u32 s4, $0x1  }
0xa: {  	[smem:$0x7FF] =	sst s3;
	s6 =	sadd.s32 $0xA00, s0;
	s5 =	sor.u32 s1, s4  }
0xb: {  	_ =	strace $0x80000047;
	s1 =	ssub.s32 $0x2, s1;
	s7 =	smul.u32 $0x3200, s5  }
0xc: {  	s4 =	sadd.s32 $0xF42E00, s0;
	s8 =	sshrl.u32 s1, $0x1;
	s5 =	smul.u32 $0x64, s5  }
0xd: {  	s26 =	ssub.s32 s1, s8;
	s8 =	simm.s32 $0x3;
	s31 =	sadd.s32 s2, s7  }
0xe: {  	s9 =	sor.u32 $0x1, s5;
	s0 =	smax.u32 s26, $0x1;
	[dreg:$0x3] =	wrdreg s31  }
0xf: {  	s26 =	simm.s32 $0x6800;
	s1 =	sadd.s32 $0x80, s31;
	[dreg:$0x5] =	wrdreg s0  }
0x10: {  	s7 =	simm.s32 $0x5;
	[dreg:$0x4] =	wrdreg s1;
	s1 =	simm.s32 $0x0  }
.LBB2_1:
0x11: {  	[dreg:$0x6] =	wrdreg s1  }
0x12: {  	s0 =	rddreg [dreg:$0x3]  }
0x13: {  	[tilespmem:s3], [sflag:$0x1] =	stream.linear.gather [hbm4b:s0+s3], $0x400, $0x38;
	[tilespmem:$0x18800] =	vst v63  }
0x14: {  	s1 =	rddreg [dreg:$0x4]  }
0x15: {  	[tilespmem:s11], [sflag:$0x2] =	stream.linear.gather [hbm4b:s1+s3], $0x400, $0x38;
	[tilespmem:$0x18800] =	vst v63  }
0x16: {  	_ =	swait.ge [sflag:s12], $0x400  }
0x17: {  	[sflag:s12] =	ssyncset.done $0x0  }
0x18: {  	s15 =	simm.s32 $0x800;
	[sflag:s12] =	ssyncadd.s32 $0xFFFFFC00  }
0x19: {  	[tilespmem:s15], [sflag:$0x3] =	stream.indirect.gather [hbm4b:s4+s13], $0x80, s3, s13, $0xb8;
	[tilespmem:$0x18800] =	vst v63  }
0x1a: {  	s16 =	simm.s32 $0x80;
	s17 =	simm.s32 $0x1800  }
0x1b: {  	[tilespmem:s17], [sflag:$0x3] =	stream.indirect.gather [hbm4b:s4+s13], $0x80, s16, s13, $0xb8;
	[tilespmem:$0x18800] =	vst v63  }
0x1c: {  	s31 =	simm.s32 $0x100  }
0x1d: {  	[tilespmem:s18], [sflag:$0x3] =	stream.indirect.gather [hbm4b:s4+s13], $0x80, s31, s13, $0xb8;
	[tilespmem:$0x18800] =	vst v63  }
0x1e: {  	_ = 	snop  }
0x1f: {  	[tilespmem:s20], [sflag:$0x3] =	stream.indirect.gather [hbm4b:s4+s13], $0x80, s19, s13, $0xb8;
	[tilespmem:$0x18800] =	vst v63  }
0x20: {  	_ = 	snop  }
0x21: {  	[tilespmem:s22], [sflag:$0x3] =	stream.indirect.gather [hbm4b:s4+s13], $0x80, s21, s13, $0xb8;
	[tilespmem:$0x18800] =	vst v63  }
0x22: {  	_ = 	snop  }
0x23: {  	[tilespmem:s24], [sflag:$0x3] =	stream.indirect.gather [hbm4b:s4+s13], $0x80, s23, s13, $0xb8;
	[tilespmem:$0x18800] =	vst v63  }
0x24: {  	_ = 	snop  }
0x25: {  	[tilespmem:s26], [sflag:$0x3] =	stream.indirect.gather [hbm4b:s4+s13], $0x80, s25, s13, $0xb8;
	[tilespmem:$0x18800] =	vst v63  }
0x26: {  	s15 =	simm.s32 $0x0  }
0x27: {  	[tilespmem:s29], [sflag:$0x3] =	stream.indirect.gather [hbm4b:s4+s13], $0x80, s28, s13, $0xb8;
	[tilespmem:$0x18800] =	vst v63  }
.LBB2_2:
0x28: {  	_ =	swait.ge [sflag:s30], $0x400  }
0x29: {  	[sflag:s30] =	ssyncset.done $0x0  }
0x2a: {  	s0 =	simm.s32 $0x8800;
	[sflag:s30] =	ssyncadd.s32 $0xFFFFFC00  }
0x2b: {  	[tilespmem:s0], [sflag:$0x4] =	stream.indirect.gather [hbm4b:s4+s13], $0x80, s11, s13, $0xb8;
	[tilespmem:$0x18800] =	vst v63  }
0x2c: {  	s17 =	simm.s32 $0x480;
	s1 =	simm.s32 $0x9800  }
0x2d: {  	[tilespmem:s1], [sflag:$0x4] =	stream.indirect.gather [hbm4b:s4+s13], $0x80, s17, s13, $0xb8;
	[tilespmem:$0x18800] =	vst v63  }
0x2e: {  	s16 =	simm.s32 $0x500;
	s17 =	simm.s32 $0xA800  }
0x2f: {  	[tilespmem:s17], [sflag:$0x4] =	stream.indirect.gather [hbm4b:s4+s13], $0x80, s16, s13, $0xb8;
	[tilespmem:$0x18800] =	vst v63  }
0x30: {  	s16 =	simm.s32 $0x580;
	s17 =	simm.s32 $0xB800  }
0x31: {  	[tilespmem:s17], [sflag:$0x4] =	stream.indirect.gather [hbm4b:s4+s13], $0x80, s16, s13, $0xb8;
	[tilespmem:$0x18800] =	vst v63  }
0x32: {  	s16 =	simm.s32 $0x600;
	s17 =	simm.s32 $0xC800  }
0x33: {  	[tilespmem:s17], [sflag:$0x4] =	stream.indirect.gather [hbm4b:s4+s13], $0x80, s16, s13, $0xb8;
	[tilespmem:$0x18800] =	vst v63  }
0x34: {  	s16 =	simm.s32 $0x680;
	s17 =	simm.s32 $0xD800  }
0x35: {  	[tilespmem:s17], [sflag:$0x4] =	stream.indirect.gather [hbm4b:s4+s13], $0x80, s16, s13, $0xb8;
	[tilespmem:$0x18800] =	vst v63  }
0x36: {  	s16 =	simm.s32 $0x700;
	s17 =	simm.s32 $0xE800  }
0x37: {  	[tilespmem:s17], [sflag:$0x4] =	stream.indirect.gather [hbm4b:s4+s13], $0x80, s16, s13, $0xb8;
	[tilespmem:$0x18800] =	vst v63  }
0x38: {  	s16 =	simm.s32 $0x780;
	s17 =	simm.s32 $0xF800  }
0x39: {  	[tilespmem:s17], [sflag:$0x4] =	stream.indirect.gather [hbm4b:s4+s13], $0x80, s16, s13, $0xb8;
	[tilespmem:$0x18800] =	vst v63  }
0x3a: {  	_ =	swait.ge [sflag:s8], $0x1000  }
0x3b: {  	[sflag:s8] =	ssyncset.done $0x0  }
0x3c: {  	[sflag:s8] =	ssyncadd.s32 $0xFFFFF000  }
0x3d: {  	_ =	swait.ge [sflag:s8], $0x1000  }
0x3e: {  	[sflag:s8] =	ssyncset.done $0x0  }
0x3f: {  	[sflag:s8] =	ssyncadd.s32 $0xFFFFF000  }
0x40: {  	_ =	swait.ge [sflag:s8], $0x1000  }
0x41: {  	[sflag:s8] =	ssyncset.done $0x0  }
0x42: {  	[sflag:s8] =	ssyncadd.s32 $0xFFFFF000  }
0x43: {  	_ =	swait.ge [sflag:s8], $0x1000  }
0x44: {  	[sflag:s8] =	ssyncset.done $0x0  }
0x45: {  	[sflag:s8] =	ssyncadd.s32 $0xFFFFF000  }
0x46: {  	_ =	swait.ge [sflag:s8], $0x1000  }
0x47: {  	[sflag:s8] =	ssyncset.done $0x0  }
0x48: {  	[sflag:s8] =	ssyncadd.s32 $0xFFFFF000  }
0x49: {  	_ =	swait.ge [sflag:s8], $0x1000  }
0x4a: {  	[sflag:s8] =	ssyncset.done $0x0  }
0x4b: {  	s31 =	sshll.u32 s15, $0x1;
	[sflag:s8] =	ssyncadd.s32 $0xFFFFF000  }
0x4c: {  	p0 =	seq.s32 s15, $0x31;
	s0 =	sadd.s32 $0x2, s31;
	_ =	swait.ge [sflag:s8], $0x1000  }
0x4d: {  	s0 =	simm.s32 @p0 $0x0;
	[sflag:s8] =	ssyncset.done $0x0  }
0x4e: {  	s0 =	sadd.s32 s5, s0;
	[sflag:s8] =	ssyncadd.s32 $0xFFFFF000  }
0x4f: {  	s0 =	sshll.u32 s0, $0x7;
	_ =	swait.ge [sflag:s8], $0x1000  }
0x50: {  	s0 =	sand.u32 $0x1FFFFF00, s0;
	[sflag:s8] =	ssyncset.done $0x0  }
0x51: {  	p0 =	seq.s32 s15, $0x0;
	s0 =	sadd.s32 s2, s0;
	[sflag:s8] =	ssyncadd.s32 $0xFFFFF000  }
0x52: {  	[tilespmem:s3], [sflag:$0x1] =	stream.linear.gather [hbm4b:s0+s3], $0x400, $0x38;
	[tilespmem:$0x18800] =	vst v63  }
0x53: {  	s0 =	simm.s32 @!p0 $0x5  }
0x54: {  	_ =	swait.ge @!p0 [sflag:s0], $0x8000  }
0x55: {  	[sflag:s0] =	ssyncset.done @!p0 $0x0  }
0x56: {  	[sflag:s0] =	ssyncadd.s32 @!p0 $0xFFFF8000;
	s0 =	simm.s32 $0x0  }
0x57: {  	v0 =	vld [tilespmem:s0+$0xBB0]  }
0x58: {  	v1 =	vld [tilespmem:s0+$0x800];
	_ =	sdelay $0x1  }
0x59: {  	v2 =	vld [tilespmem:s0+$0x810]  }
0x5a: {  	v3 =	vld [tilespmem:s0+$0x820]  }
0x5b: {  	v4 =	vld [tilespmem:s0+$0x830];
	v0 =	vmul.f32 $8.000000000e+00, v0  }
0x5c: {  	v5 =	vld [tilespmem:s0+$0x880];
	v1 =	vmul.f32 $8.000000000e+00, v1  }
0x5d: {  	v6 =	vld [tilespmem:s0+$0x890];
	[tilespmem:s0+$0x10BB0] =	vst v0  }
0x5e: {  	v0 =	vmul.f32 $8.000000000e+00, v2;
	[tilespmem:s0+$0x10800] =	vst v1;
	v1 =	vld [tilespmem:s0+$0x8B0]  }
0x5f: {  	v7 =	vld [tilespmem:s0+$0x8A0];
	v2 =	vmul.f32 $8.000000000e+00, v3  }
0x60: {  	v3 =	vmul.f32 $8.000000000e+00, v4;
	[tilespmem:s0+$0x10810] =	vst v0;
	v0 =	vld [tilespmem:s0+$0x900]  }
0x61: {  	v4 =	vmul.f32 $8.000000000e+00, v5;
	[tilespmem:s0+$0x10820] =	vst v2;
	v2 =	vld [tilespmem:s0+$0x910]  }
0x62: {  	v5 =	vmul.f32 $8.000000000e+00, v6;
	[tilespmem:s0+$0x10830] =	vst v3;
	v3 =	vld [tilespmem:s0+$0x920]  }
0x63: {  	[tilespmem:s0+$0x10880] =	vst v4;
	v4 =	vld [tilespmem:s0+$0x930];
	v1 =	vmul.f32 $8.000000000e+00, v1  }
0x64: {  	v6 =	vmul.f32 $8.000000000e+00, v7;
	[tilespmem:s0+$0x10890] =	vst v5;
	v5 =	vld [tilespmem:s0+$0x980]  }
0x65: {  	v0 =	vmul.f32 $8.000000000e+00, v0;
	[tilespmem:s0+$0x108B0] =	vst v1;
	v1 =	vld [tilespmem:s0+$0x9A0]  }
0x66: {  	[tilespmem:s0+$0x108A0] =	vst v6;
	v6 =	vld [tilespmem:s0+$0x990];
	v2 =	vmul.f32 $8.000000000e+00, v2  }
0x67: {  	v3 =	vmul.f32 $8.000000000e+00, v3;
	[tilespmem:s0+$0x10900] =	vst v0;
	v0 =	vld [tilespmem:s0+$0x9B0]  }
0x68: {  	v4 =	vmul.f32 $8.000000000e+00, v4;
	[tilespmem:s0+$0x10910] =	vst v2;
	v2 =	vld [tilespmem:s0+$0xA00]  }
0x69: {  	v5 =	vmul.f32 $8.000000000e+00, v5;
	[tilespmem:s0+$0x10920] =	vst v3;
	v3 =	vld [tilespmem:s0+$0xA10]  }
0x6a: {  	[tilespmem:s0+$0x10930] =	vst v4;
	v4 =	vld [tilespmem:s0+$0xA20];
	v1 =	vmul.f32 $8.000000000e+00, v1  }
0x6b: {  	v6 =	vmul.f32 $8.000000000e+00, v6;
	[tilespmem:s0+$0x10980] =	vst v5;
	v5 =	vld [tilespmem:s0+$0xA30]  }
0x6c: {  	v0 =	vmul.f32 $8.000000000e+00, v0;
	[tilespmem:s0+$0x109A0] =	vst v1;
	v1 =	vld [tilespmem:s0+$0xA90]  }
0x6d: {  	[tilespmem:s0+$0x10990] =	vst v6;
	v6 =	vld [tilespmem:s0+$0xA80];
	v2 =	vmul.f32 $8.000000000e+00, v2  }
0x6e: {  	[tilespmem:s0+$0x109B0] =	vst v0;
	v0 =	vmul.f32 $8.000000000e+00, v3;
	v3 =	vld [tilespmem:s0+$0xAB0]  }
0x6f: {  	v7 =	vld [tilespmem:s0+$0xAA0];
	[tilespmem:s0+$0x10A00] =	vst v2;
	v2 =	vmul.f32 $8.000000000e+00, v4  }
0x70: {  	v4 =	vld [tilespmem:s0+$0xB00];
	[tilespmem:s0+$0x10A10] =	vst v0;
	v0 =	vmul.f32 $8.000000000e+00, v5  }
0x71: {  	v8 =	vld [tilespmem:s0+$0xB10];
	[tilespmem:s0+$0x10A20] =	vst v2;
	v5 =	vmul.f32 $8.000000000e+00, v1  }
0x72: {  	v2 =	vmul.f32 $8.000000000e+00, v6;
	[tilespmem:s0+$0x10A30] =	vst v0;
	v0 =	vld [tilespmem:s0+$0xB20]  }
0x73: {  	v1 =	vld [tilespmem:s0+$0xB30];
	[tilespmem:s0+$0x10A90] =	vst v5;
	v5 =	vmul.f32 $8.000000000e+00, v3  }
0x74: {  	v6 =	vmul.f32 $8.000000000e+00, v7;
	[tilespmem:s0+$0x10A80] =	vst v2;
	v2 =	vld [tilespmem:s0+$0xB80]  }
0x75: {  	v3 =	vld [tilespmem:s0+$0xB90];
	[tilespmem:s0+$0x10AB0] =	vst v5;
	v5 =	vmul.f32 $8.000000000e+00, v4  }
0x76: {  	s1 =	simm.s32 $0x2000;
	s16 =	sadd.s32 s5, s31;
	s17 =	simm.s32 $0x400;
	[tilespmem:s0+$0x10AA0] =	vst v6;
	v6 =	vmul.f32 $8.000000000e+00, v8;
	v4 =	vld [tilespmem:s0+$0xBA0]  }
.LBB2_3:
0x77: {  	p0 =	sne.s32 s1, $0x1F000;
	v7 =	vld [tilespmem:s17+$0xBB0];
	[tilespmem:s0+$0x10B00] =	vst v5;
	v0 =	vmul.f32 $8.000000000e+00, v0  }
0x78: {  	v5 =	vld [tilespmem:s17+$0x800];
	[tilespmem:s0+$0x10B10] =	vst v6;
	v1 =	vmul.f32 $8.000000000e+00, v1  }
0x79: {  	v6 =	vld [tilespmem:s17+$0x810];
	[tilespmem:s0+$0x10B20] =	vst v0;
	v0 =	vmul.f32 $8.000000000e+00, v2  }
0x7a: {  	v2 =	vld [tilespmem:s17+$0x820];
	[tilespmem:s0+$0x10B30] =	vst v1;
	v1 =	vmul.f32 $8.000000000e+00, v3  }
0x7b: {  	v3 =	vld [tilespmem:s17+$0x830];
	[tilespmem:s0+$0x10B80] =	vst v0;
	v0 =	vmul.f32 $8.000000000e+00, v4  }
0x7c: {  	v4 =	vld [tilespmem:s17+$0x880];
	v7 =	vmul.f32 $8.000000000e+00, v7;
	[tilespmem:s0+$0x10B90] =	vst v1  }
0x7d: {  	v1 =	vmul.f32 $8.000000000e+00, v5;
	v5 =	vld [tilespmem:s17+$0x890];
	[tilespmem:s0+$0x10BA0] =	vst v0;
	s0 =	smov.u32 s17  }
0x7e: {  	v0 =	vmul.f32 $8.000000000e+00, v6;
	v6 =	vld [tilespmem:s0+$0x8A0];
	[tilespmem:s0+$0x10BB0] =	vst v7  }
0x7f: {  	[tilespmem:s0+$0x10800] =	vst v1;
	v1 =	vmul.f32 $8.000000000e+00, v2;
	v2 =	vld [tilespmem:s0+$0x8B0]  }
0x80: {  	[tilespmem:s0+$0x10810] =	vst v0;
	v0 =	vmul.f32 $8.000000000e+00, v3;
	v3 =	vld [tilespmem:s0+$0x900]  }
0x81: {  	[tilespmem:s0+$0x10820] =	vst v1;
	v1 =	vmul.f32 $8.000000000e+00, v4;
	v4 =	vld [tilespmem:s0+$0x910]  }
0x82: {  	[tilespmem:s0+$0x10830] =	vst v0;
	v0 =	vmul.f32 $8.000000000e+00, v5;
	v5 =	vld [tilespmem:s0+$0x920]  }
0x83: {  	[tilespmem:s0+$0x10880] =	vst v1;
	v1 =	vmul.f32 $8.000000000e+00, v6;
	v6 =	vld [tilespmem:s0+$0x930]  }
0x84: {  	[tilespmem:s0+$0x10890] =	vst v0;
	v0 =	vmul.f32 $8.000000000e+00, v2;
	v2 =	vld [tilespmem:s0+$0x980]  }
0x85: {  	[tilespmem:s0+$0x108A0] =	vst v1;
	v1 =	vmul.f32 $8.000000000e+00, v3;
	v3 =	vld [tilespmem:s0+$0x990]  }
0x86: {  	[tilespmem:s0+$0x108B0] =	vst v0;
	v0 =	vmul.f32 $8.000000000e+00, v4;
	v4 =	vld [tilespmem:s0+$0x9A0]  }
0x87: {  	[tilespmem:s0+$0x10900] =	vst v1;
	v1 =	vmul.f32 $8.000000000e+00, v5;
	v5 =	vld [tilespmem:s0+$0x9B0]  }
0x88: {  	[tilespmem:s0+$0x10910] =	vst v0;
	v0 =	vmul.f32 $8.000000000e+00, v6;
	v6 =	vld [tilespmem:s0+$0xA00]  }
0x89: {  	[tilespmem:s0+$0x10920] =	vst v1;
	v1 =	vmul.f32 $8.000000000e+00, v2;
	v2 =	vld [tilespmem:s0+$0xA10]  }
0x8a: {  	[tilespmem:s0+$0x10930] =	vst v0;
	v0 =	vmul.f32 $8.000000000e+00, v3;
	v3 =	vld [tilespmem:s0+$0xA20]  }
0x8b: {  	[tilespmem:s0+$0x10980] =	vst v1;
	v1 =	vmul.f32 $8.000000000e+00, v4;
	v4 =	vld [tilespmem:s0+$0xA30]  }
0x8c: {  	[tilespmem:s0+$0x10990] =	vst v0;
	v0 =	vmul.f32 $8.000000000e+00, v5;
	v5 =	vld [tilespmem:s0+$0xA80]  }
0x8d: {  	[tilespmem:s0+$0x109A0] =	vst v1;
	v1 =	vmul.f32 $8.000000000e+00, v6;
	v6 =	vld [tilespmem:s0+$0xA90]  }
0x8e: {  	[tilespmem:s0+$0x109B0] =	vst v0;
	v0 =	vmul.f32 $8.000000000e+00, v2;
	v2 =	vld [tilespmem:s0+$0xAA0]  }
0x8f: {  	[tilespmem:s0+$0x10A00] =	vst v1;
	v1 =	vmul.f32 $8.000000000e+00, v3;
	v3 =	vld [tilespmem:s0+$0xAB0]  }
0x90: {  	[tilespmem:s0+$0x10A10] =	vst v0;
	v0 =	vmul.f32 $8.000000000e+00, v4;
	v4 =	vld [tilespmem:s0+$0xB00]  }
0x91: {  	[tilespmem:s0+$0x10A20] =	vst v1;
	v1 =	vmul.f32 $8.000000000e+00, v5;
	v7 =	vld [tilespmem:s0+$0xB10]  }
.Ltmp0:
0x92: {  	[tilespmem:s0+$0x10A30] =	vst v0;
	v5 =	vmul.f32 $8.000000000e+00, v6;
	v0 =	vld [tilespmem:s0+$0xB20];
	(pc) =	sbr.rel @p0 .LBB2_3-.Ltmp0, $4  }
0x93: {  	[tilespmem:s0+$0x10A80] =	vst v1;
	v6 =	vmul.f32 $8.000000000e+00, v2;
	v1 =	vld [tilespmem:s0+$0xB30]  }
0x94: {  	[tilespmem:s0+$0x10A90] =	vst v5;
	v8 =	vmul.f32 $8.000000000e+00, v3;
	v2 =	vld [tilespmem:s0+$0xB80]  }
0x95: {  	[tilespmem:s0+$0x10AA0] =	vst v6;
	v5 =	vmul.f32 $8.000000000e+00, v4;
	v3 =	vld [tilespmem:s0+$0xB90]  }
0x96: {  	s17 =	sshra.s32 s1, $0x2;
	s1 =	sadd.s32 $0x1000, s1;
	[tilespmem:s0+$0x10AB0] =	vst v8;
	v6 =	vmul.f32 $8.000000000e+00, v7;
	v4 =	vld [tilespmem:s0+$0xBA0]  }
0x97: {  	v7 =	vld [tilespmem:s17+$0xBB0];
	[tilespmem:s0+$0x10B00] =	vst v5;
	v0 =	vmul.f32 $8.000000000e+00, v0  }
0x98: {  	v5 =	vld [tilespmem:s17+$0x800];
	[tilespmem:s0+$0x10B10] =	vst v6;
	v1 =	vmul.f32 $8.000000000e+00, v1  }
0x99: {  	v6 =	vld [tilespmem:s17+$0x810];
	[tilespmem:s0+$0x10B20] =	vst v0;
	v2 =	vmul.f32 $8.000000000e+00, v2  }
0x9a: {  	v0 =	vld [tilespmem:s17+$0x820];
	[tilespmem:s0+$0x10B30] =	vst v1;
	v3 =	vmul.f32 $8.000000000e+00, v3  }
0x9b: {  	v1 =	vld [tilespmem:s17+$0x830];
	[tilespmem:s0+$0x10B80] =	vst v2;
	v4 =	vmul.f32 $8.000000000e+00, v4  }
0x9c: {  	v2 =	vld [tilespmem:s17+$0x880];
	[tilespmem:s0+$0x10B90] =	vst v3;
	v7 =	vmul.f32 $8.000000000e+00, v7  }
0x9d: {  	v3 =	vld [tilespmem:s17+$0x890];
	[tilespmem:s0+$0x10BA0] =	vst v4;
	v4 =	vmul.f32 $8.000000000e+00, v5  }
0x9e: {  	v5 =	vld [tilespmem:s17+$0x8A0];
	[tilespmem:s17+$0x10BB0] =	vst v7;
	v6 =	vmul.f32 $8.000000000e+00, v6  }
0x9f: {  	[tilespmem:s17+$0x10800] =	vst v4;
	v4 =	vld [tilespmem:s17+$0x8B0];
	v0 =	vmul.f32 $8.000000000e+00, v0  }
0xa0: {  	[tilespmem:s17+$0x10810] =	vst v6;
	v6 =	vld [tilespmem:s17+$0x900];
	v1 =	vmul.f32 $8.000000000e+00, v1  }
0xa1: {  	[tilespmem:s17+$0x10820] =	vst v0;
	v0 =	vld [tilespmem:s17+$0x910];
	v2 =	vmul.f32 $8.000000000e+00, v2  }
0xa2: {  	[tilespmem:s17+$0x10830] =	vst v1;
	v1 =	vld [tilespmem:s17+$0x920];
	v3 =	vmul.f32 $8.000000000e+00, v3  }
0xa3: {  	[tilespmem:s17+$0x10880] =	vst v2;
	v2 =	vld [tilespmem:s17+$0x930];
	v5 =	vmul.f32 $8.000000000e+00, v5  }
0xa4: {  	[tilespmem:s17+$0x10890] =	vst v3;
	v3 =	vld [tilespmem:s17+$0x980];
	v4 =	vmul.f32 $8.000000000e+00, v4  }
0xa5: {  	[tilespmem:s17+$0x108A0] =	vst v5;
	v5 =	vld [tilespmem:s17+$0x990];
	v6 =	vmul.f32 $8.000000000e+00, v6  }
0xa6: {  	[tilespmem:s17+$0x108B0] =	vst v4;
	v4 =	vld [tilespmem:s17+$0x9A0];
	v0 =	vmul.f32 $8.000000000e+00, v0  }
0xa7: {  	[tilespmem:s17+$0x10900] =	vst v6;
	v6 =	vld [tilespmem:s17+$0x9B0];
	v1 =	vmul.f32 $8.000000000e+00, v1  }
0xa8: {  	[tilespmem:s17+$0x10910] =	vst v0;
	v0 =	vld [tilespmem:s17+$0xA00];
	v2 =	vmul.f32 $8.000000000e+00, v2  }
0xa9: {  	[tilespmem:s17+$0x10920] =	vst v1;
	v1 =	vld [tilespmem:s17+$0xA10];
	v3 =	vmul.f32 $8.000000000e+00, v3  }
0xaa: {  	[tilespmem:s17+$0x10930] =	vst v2;
	v2 =	vld [tilespmem:s17+$0xA20];
	v5 =	vmul.f32 $8.000000000e+00, v5  }
0xab: {  	[tilespmem:s17+$0x10980] =	vst v3;
	v3 =	vld [tilespmem:s17+$0xA30];
	v4 =	vmul.f32 $8.000000000e+00, v4  }
0xac: {  	[tilespmem:s17+$0x10990] =	vst v5;
	v5 =	vld [tilespmem:s17+$0xA80];
	v6 =	vmul.f32 $8.000000000e+00, v6  }
0xad: {  	[tilespmem:s17+$0x109A0] =	vst v4;
	v4 =	vld [tilespmem:s17+$0xA90];
	v0 =	vmul.f32 $8.000000000e+00, v0  }
0xae: {  	[tilespmem:s17+$0x109B0] =	vst v6;
	v6 =	vld [tilespmem:s17+$0xAA0];
	v1 =	vmul.f32 $8.000000000e+00, v1  }
0xaf: {  	[tilespmem:s17+$0x10A00] =	vst v0;
	v0 =	vld [tilespmem:s17+$0xAB0];
	v2 =	vmul.f32 $8.000000000e+00, v2  }
0xb0: {  	[tilespmem:s17+$0x10A10] =	vst v1;
	v1 =	vld [tilespmem:s17+$0xB00];
	v3 =	vmul.f32 $8.000000000e+00, v3  }
0xb1: {  	[tilespmem:s17+$0x10A20] =	vst v2;
	v2 =	vld [tilespmem:s17+$0xB10];
	v5 =	vmul.f32 $8.000000000e+00, v5  }
0xb2: {  	[tilespmem:s17+$0x10A30] =	vst v3;
	v3 =	vld [tilespmem:s17+$0xB20];
	v4 =	vmul.f32 $8.000000000e+00, v4  }
0xb3: {  	[tilespmem:s17+$0x10A80] =	vst v5;
	v5 =	vld [tilespmem:s17+$0xB30];
	v6 =	vmul.f32 $8.000000000e+00, v6  }
0xb4: {  	[tilespmem:s17+$0x10A90] =	vst v4;
	v4 =	vld [tilespmem:s17+$0xB80];
	v0 =	vmul.f32 $8.000000000e+00, v0  }
0xb5: {  	[tilespmem:s17+$0x10AA0] =	vst v6;
	v6 =	vld [tilespmem:s17+$0xB90];
	v1 =	vmul.f32 $8.000000000e+00, v1  }
0xb6: {  	[tilespmem:s17+$0x10AB0] =	vst v0;
	v0 =	vmul.f32 $8.000000000e+00, v2;
	v2 =	vld [tilespmem:s17+$0xBA0]  }
0xb7: {  	[tilespmem:s17+$0x10B00] =	vst v1;
	v1 =	vmul.f32 $8.000000000e+00, v3  }
0xb8: {  	[tilespmem:s17+$0x10B10] =	vst v0;
	v0 =	vmul.f32 $8.000000000e+00, v5  }
0xb9: {  	[tilespmem:s17+$0x10B20] =	vst v1;
	v1 =	vmul.f32 $8.000000000e+00, v4  }
0xba: {  	[tilespmem:s17+$0x10B30] =	vst v0;
	v0 =	vmul.f32 $8.000000000e+00, v6  }
0xbb: {  	[tilespmem:s17+$0x10B80] =	vst v1;
	v1 =	vmul.f32 $8.000000000e+00, v2  }
0xbc: {  	s16 =	sshll.u32 s16, $0xC;
	[tilespmem:s17+$0x10B90] =	vst v0  }
0xbd: {  	s1 =	simm.s32 $0x0;
	s0 =	sadd.s32 s6, s16;
	[tilespmem:s17+$0x10BA0] =	vst v1  }
0xbe: {  	[hbm4b:s0+s1] =	stream.linear.scatter [tilespmem:s10], [sflag:$0x5], $0x8000, $0x38;
	[tilespmem:$0x18800] =	vst v63  }
0xbf: {  	_ =	swait.ge [sflag:s12], $0x400  }
0xc0: {  	[sflag:s12] =	ssyncset.done $0x0  }
0xc1: {  	s17 =	simm.s32 $0x800;
	[sflag:s12] =	ssyncadd.s32 $0xFFFFFC00  }
0xc2: {  	[tilespmem:s17], [sflag:$0x3] =	stream.indirect.gather [hbm4b:s4+s13], $0x80, s1, s13, $0xb8;
	[tilespmem:$0x18800] =	vst v63  }
0xc3: {  	s16 =	simm.s32 $0x80;
	s17 =	simm.s32 $0x1800  }
0xc4: {  	[tilespmem:s17], [sflag:$0x3] =	stream.indirect.gather [hbm4b:s4+s13], $0x80, s16, s13, $0xb8;
	[tilespmem:$0x18800] =	vst v63  }
0xc5: {  	s16 =	simm.s32 $0x100  }
0xc6: {  	[tilespmem:s18], [sflag:$0x3] =	stream.indirect.gather [hbm4b:s4+s13], $0x80, s16, s13, $0xb8;
	[tilespmem:$0x18800] =	vst v63  }
0xc7: {  	_ = 	snop  }
0xc8: {  	[tilespmem:s20], [sflag:$0x3] =	stream.indirect.gather [hbm4b:s4+s13], $0x80, s19, s13, $0xb8;
	[tilespmem:$0x18800] =	vst v63  }
0xc9: {  	_ = 	snop  }
0xca: {  	[tilespmem:s22], [sflag:$0x3] =	stream.indirect.gather [hbm4b:s4+s13], $0x80, s21, s13, $0xb8;
	[tilespmem:$0x18800] =	vst v63  }
0xcb: {  	_ = 	snop  }
0xcc: {  	[tilespmem:s24], [sflag:$0x3] =	stream.indirect.gather [hbm4b:s4+s13], $0x80, s23, s13, $0xb8;
	[tilespmem:$0x18800] =	vst v63  }
0xcd: {  	_ = 	snop  }
0xce: {  	[tilespmem:s26], [sflag:$0x3] =	stream.indirect.gather [hbm4b:s4+s13], $0x80, s25, s13, $0xb8;
	[tilespmem:$0x18800] =	vst v63  }
0xcf: {  	_ = 	snop  }
0xd0: {  	[tilespmem:s29], [sflag:$0x3] =	stream.indirect.gather [hbm4b:s4+s13], $0x80, s28, s13, $0xb8;
	[tilespmem:$0x18800] =	vst v63  }
0xd1: {  	_ =	swait.ge [sflag:s14], $0x1000  }
0xd2: {  	[sflag:s14] =	ssyncset.done $0x0  }
0xd3: {  	[sflag:s14] =	ssyncadd.s32 $0xFFFFF000  }
0xd4: {  	_ =	swait.ge [sflag:s14], $0x1000  }
0xd5: {  	[sflag:s14] =	ssyncset.done $0x0  }
0xd6: {  	[sflag:s14] =	ssyncadd.s32 $0xFFFFF000  }
0xd7: {  	_ =	swait.ge [sflag:s14], $0x1000  }
0xd8: {  	[sflag:s14] =	ssyncset.done $0x0  }
0xd9: {  	[sflag:s14] =	ssyncadd.s32 $0xFFFFF000  }
0xda: {  	_ =	swait.ge [sflag:s14], $0x1000  }
0xdb: {  	[sflag:s14] =	ssyncset.done $0x0  }
0xdc: {  	[sflag:s14] =	ssyncadd.s32 $0xFFFFF000  }
0xdd: {  	_ =	swait.ge [sflag:s14], $0x1000  }
0xde: {  	[sflag:s14] =	ssyncset.done $0x0  }
0xdf: {  	s0 =	sadd.s32 $0x3, s31;
	[sflag:s14] =	ssyncadd.s32 $0xFFFFF000  }
0xe0: {  	s17 =	smulhi.u32 $0x51EB851F, s0;
	_ =	swait.ge [sflag:s14], $0x1000  }
0xe1: {  	[sflag:s14] =	ssyncset.done $0x0  }
0xe2: {  	s16 =	sshrl.u32 s17, $0x5;
	[sflag:s14] =	ssyncadd.s32 $0xFFFFF000  }
0xe3: {  	s16 =	smul.u32 $0x64, s16;
	_ =	swait.ge [sflag:s14], $0x1000  }
0xe4: {  	[sflag:s14] =	ssyncset.done $0x0  }
0xe5: {  	s0 =	ssub.s32 s0, s16;
	[sflag:s14] =	ssyncadd.s32 $0xFFFFF000  }
0xe6: {  	s0 =	sadd.s32 s5, s0;
	_ =	swait.ge [sflag:s14], $0x1000  }
0xe7: {  	s0 =	sshll.u32 s0, $0x7;
	[sflag:s14] =	ssyncset.done $0x0  }
0xe8: {  	s0 =	sadd.s32 s2, s0;
	[sflag:s14] =	ssyncadd.s32 $0xFFFFF000  }
0xe9: {  	[tilespmem:s11], [sflag:$0x2] =	stream.linear.gather [hbm4b:s0+s1], $0x400, $0x38;
	[tilespmem:$0x18800] =	vst v63  }
0xea: {  	_ =	swait.ge [sflag:s7], $0x8000  }
0xeb: {  	[sflag:s7] =	ssyncset.done $0x0  }
0xec: {  	s0 =	simm.s32 $0x0;
	[sflag:s7] =	ssyncadd.s32 $0xFFFF8000  }
0xed: {  	v0 =	vld [tilespmem:s0+$0x8BB0]  }
0xee: {  	v1 =	vld [tilespmem:s0+$0x8800];
	_ =	sdelay $0x1  }
0xef: {  	v2 =	vld [tilespmem:s0+$0x8810]  }
0xf0: {  	v3 =	vld [tilespmem:s0+$0x8820]  }
0xf1: {  	v4 =	vld [tilespmem:s0+$0x8830];
	v0 =	vmul.f32 $8.000000000e+00, v0  }
0xf2: {  	v5 =	vld [tilespmem:s0+$0x8880];
	v1 =	vmul.f32 $8.000000000e+00, v1  }
0xf3: {  	v6 =	vld [tilespmem:s0+$0x8890];
	[tilespmem:s0+$0x10BB0] =	vst v0  }
0xf4: {  	v0 =	vmul.f32 $8.000000000e+00, v2;
	[tilespmem:s0+$0x10800] =	vst v1;
	v1 =	vld [tilespmem:s0+$0x88B0]  }
0xf5: {  	v7 =	vld [tilespmem:s0+$0x88A0];
	v2 =	vmul.f32 $8.000000000e+00, v3  }
0xf6: {  	v3 =	vmul.f32 $8.000000000e+00, v4;
	[tilespmem:s0+$0x10810] =	vst v0;
	v0 =	vld [tilespmem:s0+$0x8900]  }
0xf7: {  	v4 =	vmul.f32 $8.000000000e+00, v5;
	[tilespmem:s0+$0x10820] =	vst v2;
	v2 =	vld [tilespmem:s0+$0x8910]  }
0xf8: {  	v5 =	vmul.f32 $8.000000000e+00, v6;
	[tilespmem:s0+$0x10830] =	vst v3;
	v3 =	vld [tilespmem:s0+$0x8920]  }
0xf9: {  	[tilespmem:s0+$0x10880] =	vst v4;
	v4 =	vld [tilespmem:s0+$0x8930];
	v1 =	vmul.f32 $8.000000000e+00, v1  }
0xfa: {  	v6 =	vmul.f32 $8.000000000e+00, v7;
	[tilespmem:s0+$0x10890] =	vst v5;
	v5 =	vld [tilespmem:s0+$0x8980]  }
0xfb: {  	v0 =	vmul.f32 $8.000000000e+00, v0;
	[tilespmem:s0+$0x108B0] =	vst v1;
	v1 =	vld [tilespmem:s0+$0x89A0]  }
0xfc: {  	[tilespmem:s0+$0x108A0] =	vst v6;
	v6 =	vld [tilespmem:s0+$0x8990];
	v2 =	vmul.f32 $8.000000000e+00, v2  }
0xfd: {  	v3 =	vmul.f32 $8.000000000e+00, v3;
	[tilespmem:s0+$0x10900] =	vst v0;
	v0 =	vld [tilespmem:s0+$0x89B0]  }
0xfe: {  	v4 =	vmul.f32 $8.000000000e+00, v4;
	[tilespmem:s0+$0x10910] =	vst v2;
	v2 =	vld [tilespmem:s0+$0x8A00]  }
0xff: {  	v5 =	vmul.f32 $8.000000000e+00, v5;
	[tilespmem:s0+$0x10920] =	vst v3;
	v3 =	vld [tilespmem:s0+$0x8A10]  }
0x100: {  	[tilespmem:s0+$0x10930] =	vst v4;
	v4 =	vld [tilespmem:s0+$0x8A20];
	v1 =	vmul.f32 $8.000000000e+00, v1  }
0x101: {  	v6 =	vmul.f32 $8.000000000e+00, v6;
	[tilespmem:s0+$0x10980] =	vst v5;
	v5 =	vld [tilespmem:s0+$0x8A30]  }
0x102: {  	v0 =	vmul.f32 $8.000000000e+00, v0;
	[tilespmem:s0+$0x109A0] =	vst v1;
	v1 =	vld [tilespmem:s0+$0x8A90]  }
0x103: {  	[tilespmem:s0+$0x10990] =	vst v6;
	v6 =	vld [tilespmem:s0+$0x8A80];
	v2 =	vmul.f32 $8.000000000e+00, v2  }
0x104: {  	[tilespmem:s0+$0x109B0] =	vst v0;
	v0 =	vmul.f32 $8.000000000e+00, v3;
	v3 =	vld [tilespmem:s0+$0x8AB0]  }
0x105: {  	v7 =	vld [tilespmem:s0+$0x8AA0];
	[tilespmem:s0+$0x10A00] =	vst v2;
	v2 =	vmul.f32 $8.000000000e+00, v4  }
0x106: {  	v4 =	vld [tilespmem:s0+$0x8B00];
	[tilespmem:s0+$0x10A10] =	vst v0;
	v0 =	vmul.f32 $8.000000000e+00, v5  }
0x107: {  	v8 =	vld [tilespmem:s0+$0x8B10];
	[tilespmem:s0+$0x10A20] =	vst v2;
	v5 =	vmul.f32 $8.000000000e+00, v1  }
0x108: {  	v2 =	vmul.f32 $8.000000000e+00, v6;
	[tilespmem:s0+$0x10A30] =	vst v0;
	v0 =	vld [tilespmem:s0+$0x8B20]  }
0x109: {  	v1 =	vld [tilespmem:s0+$0x8B30];
	[tilespmem:s0+$0x10A90] =	vst v5;
	v5 =	vmul.f32 $8.000000000e+00, v3  }
0x10a: {  	v6 =	vmul.f32 $8.000000000e+00, v7;
	[tilespmem:s0+$0x10A80] =	vst v2;
	v2 =	vld [tilespmem:s0+$0x8B80]  }
0x10b: {  	v3 =	vld [tilespmem:s0+$0x8B90];
	[tilespmem:s0+$0x10AB0] =	vst v5;
	v5 =	vmul.f32 $8.000000000e+00, v4  }
0x10c: {  	s16 =	simm.s32 $0x400;
	s1 =	simm.s32 $0x2000;
	[tilespmem:s0+$0x10AA0] =	vst v6;
	v6 =	vmul.f32 $8.000000000e+00, v8;
	v4 =	vld [tilespmem:s0+$0x8BA0]  }
.LBB2_5:
0x10d: {  	p0 =	sne.s32 s1, $0x1F000;
	v7 =	vld [tilespmem:s16+$0x8BB0];
	[tilespmem:s0+$0x10B00] =	vst v5;
	v0 =	vmul.f32 $8.000000000e+00, v0  }
0x10e: {  	v5 =	vld [tilespmem:s16+$0x8800];
	[tilespmem:s0+$0x10B10] =	vst v6;
	v1 =	vmul.f32 $8.000000000e+00, v1  }
0x10f: {  	v6 =	vld [tilespmem:s16+$0x8810];
	[tilespmem:s0+$0x10B20] =	vst v0;
	v0 =	vmul.f32 $8.000000000e+00, v2  }
0x110: {  	v2 =	vld [tilespmem:s16+$0x8820];
	[tilespmem:s0+$0x10B30] =	vst v1;
	v1 =	vmul.f32 $8.000000000e+00, v3  }
0x111: {  	v3 =	vld [tilespmem:s16+$0x8830];
	[tilespmem:s0+$0x10B80] =	vst v0;
	v0 =	vmul.f32 $8.000000000e+00, v4  }
0x112: {  	v4 =	vld [tilespmem:s16+$0x8880];
	v7 =	vmul.f32 $8.000000000e+00, v7;
	[tilespmem:s0+$0x10B90] =	vst v1  }
0x113: {  	v1 =	vmul.f32 $8.000000000e+00, v5;
	v5 =	vld [tilespmem:s16+$0x8890];
	[tilespmem:s0+$0x10BA0] =	vst v0;
	s0 =	smov.u32 s16  }
0x114: {  	v0 =	vmul.f32 $8.000000000e+00, v6;
	v6 =	vld [tilespmem:s0+$0x88A0];
	[tilespmem:s0+$0x10BB0] =	vst v7  }
0x115: {  	[tilespmem:s0+$0x10800] =	vst v1;
	v1 =	vmul.f32 $8.000000000e+00, v2;
	v2 =	vld [tilespmem:s0+$0x88B0]  }
0x116: {  	[tilespmem:s0+$0x10810] =	vst v0;
	v0 =	vmul.f32 $8.000000000e+00, v3;
	v3 =	vld [tilespmem:s0+$0x8900]  }
0x117: {  	[tilespmem:s0+$0x10820] =	vst v1;
	v1 =	vmul.f32 $8.000000000e+00, v4;
	v4 =	vld [tilespmem:s0+$0x8910]  }
0x118: {  	[tilespmem:s0+$0x10830] =	vst v0;
	v0 =	vmul.f32 $8.000000000e+00, v5;
	v5 =	vld [tilespmem:s0+$0x8920]  }
0x119: {  	[tilespmem:s0+$0x10880] =	vst v1;
	v1 =	vmul.f32 $8.000000000e+00, v6;
	v6 =	vld [tilespmem:s0+$0x8930]  }
0x11a: {  	[tilespmem:s0+$0x10890] =	vst v0;
	v0 =	vmul.f32 $8.000000000e+00, v2;
	v2 =	vld [tilespmem:s0+$0x8980]  }
0x11b: {  	[tilespmem:s0+$0x108A0] =	vst v1;
	v1 =	vmul.f32 $8.000000000e+00, v3;
	v3 =	vld [tilespmem:s0+$0x8990]  }
0x11c: {  	[tilespmem:s0+$0x108B0] =	vst v0;
	v0 =	vmul.f32 $8.000000000e+00, v4;
	v4 =	vld [tilespmem:s0+$0x89A0]  }
0x11d: {  	[tilespmem:s0+$0x10900] =	vst v1;
	v1 =	vmul.f32 $8.000000000e+00, v5;
	v5 =	vld [tilespmem:s0+$0x89B0]  }
0x11e: {  	[tilespmem:s0+$0x10910] =	vst v0;
	v0 =	vmul.f32 $8.000000000e+00, v6;
	v6 =	vld [tilespmem:s0+$0x8A00]  }
0x11f: {  	[tilespmem:s0+$0x10920] =	vst v1;
	v1 =	vmul.f32 $8.000000000e+00, v2;
	v2 =	vld [tilespmem:s0+$0x8A10]  }
0x120: {  	[tilespmem:s0+$0x10930] =	vst v0;
	v0 =	vmul.f32 $8.000000000e+00, v3;
	v3 =	vld [tilespmem:s0+$0x8A20]  }
0x121: {  	[tilespmem:s0+$0x10980] =	vst v1;
	v1 =	vmul.f32 $8.000000000e+00, v4;
	v4 =	vld [tilespmem:s0+$0x8A30]  }
0x122: {  	[tilespmem:s0+$0x10990] =	vst v0;
	v0 =	vmul.f32 $8.000000000e+00, v5;
	v5 =	vld [tilespmem:s0+$0x8A80]  }
0x123: {  	[tilespmem:s0+$0x109A0] =	vst v1;
	v1 =	vmul.f32 $8.000000000e+00, v6;
	v6 =	vld [tilespmem:s0+$0x8A90]  }
0x124: {  	[tilespmem:s0+$0x109B0] =	vst v0;
	v0 =	vmul.f32 $8.000000000e+00, v2;
	v2 =	vld [tilespmem:s0+$0x8AA0]  }
0x125: {  	[tilespmem:s0+$0x10A00] =	vst v1;
	v1 =	vmul.f32 $8.000000000e+00, v3;
	v3 =	vld [tilespmem:s0+$0x8AB0]  }
0x126: {  	[tilespmem:s0+$0x10A10] =	vst v0;
	v0 =	vmul.f32 $8.000000000e+00, v4;
	v4 =	vld [tilespmem:s0+$0x8B00]  }
0x127: {  	[tilespmem:s0+$0x10A20] =	vst v1;
	v1 =	vmul.f32 $8.000000000e+00, v5;
	v7 =	vld [tilespmem:s0+$0x8B10]  }
.Ltmp1:
0x128: {  	[tilespmem:s0+$0x10A30] =	vst v0;
	v5 =	vmul.f32 $8.000000000e+00, v6;
	v0 =	vld [tilespmem:s0+$0x8B20];
	(pc) =	sbr.rel @p0 .LBB2_5-.Ltmp1, $4  }
0x129: {  	[tilespmem:s0+$0x10A80] =	vst v1;
	v6 =	vmul.f32 $8.000000000e+00, v2;
	v1 =	vld [tilespmem:s0+$0x8B30]  }
0x12a: {  	[tilespmem:s0+$0x10A90] =	vst v5;
	v8 =	vmul.f32 $8.000000000e+00, v3;
	v2 =	vld [tilespmem:s0+$0x8B80]  }
0x12b: {  	[tilespmem:s0+$0x10AA0] =	vst v6;
	v5 =	vmul.f32 $8.000000000e+00, v4;
	v3 =	vld [tilespmem:s0+$0x8B90]  }
0x12c: {  	s16 =	sshra.s32 s1, $0x2;
	s1 =	sadd.s32 $0x1000, s1;
	[tilespmem:s0+$0x10AB0] =	vst v8;
	v6 =	vmul.f32 $8.000000000e+00, v7;
	v4 =	vld [tilespmem:s0+$0x8BA0]  }
0x12d: {  	v7 =	vld [tilespmem:s16+$0x8BB0];
	[tilespmem:s0+$0x10B00] =	vst v5;
	v0 =	vmul.f32 $8.000000000e+00, v0  }
0x12e: {  	v5 =	vld [tilespmem:s16+$0x8800];
	[tilespmem:s0+$0x10B10] =	vst v6;
	v1 =	vmul.f32 $8.000000000e+00, v1  }
0x12f: {  	v6 =	vld [tilespmem:s16+$0x8810];
	[tilespmem:s0+$0x10B20] =	vst v0;
	v2 =	vmul.f32 $8.000000000e+00, v2  }
0x130: {  	v0 =	vld [tilespmem:s16+$0x8820];
	[tilespmem:s0+$0x10B30] =	vst v1;
	v3 =	vmul.f32 $8.000000000e+00, v3  }
0x131: {  	v1 =	vld [tilespmem:s16+$0x8830];
	[tilespmem:s0+$0x10B80] =	vst v2;
	v4 =	vmul.f32 $8.000000000e+00, v4  }
0x132: {  	v2 =	vld [tilespmem:s16+$0x8880];
	[tilespmem:s0+$0x10B90] =	vst v3;
	v7 =	vmul.f32 $8.000000000e+00, v7  }
0x133: {  	v3 =	vld [tilespmem:s16+$0x8890];
	[tilespmem:s0+$0x10BA0] =	vst v4;
	v32 =	vmul.f32 $8.000000000e+00, v5  }
0x134: {  	v33 =	vld [tilespmem:s16+$0x88A0];
	[tilespmem:s16+$0x10BB0] =	vst v7;
	v6 =	vmul.f32 $8.000000000e+00, v6  }
0x135: {  	v34 =	vld [tilespmem:s16+$0x88B0];
	[tilespmem:s16+$0x10800] =	vst v32;
	v0 =	vmul.f32 $8.000000000e+00, v0  }
0x136: {  	v35 =	vld [tilespmem:s16+$0x8900];
	[tilespmem:s16+$0x10810] =	vst v6;
	v1 =	vmul.f32 $8.000000000e+00, v1  }
0x137: {  	v36 =	vld [tilespmem:s16+$0x8910];
	[tilespmem:s16+$0x10820] =	vst v0;
	v2 =	vmul.f32 $8.000000000e+00, v2  }
0x138: {  	v37 =	vld [tilespmem:s16+$0x8920];
	[tilespmem:s16+$0x10830] =	vst v1;
	v3 =	vmul.f32 $8.000000000e+00, v3  }
0x139: {  	v38 =	vld [tilespmem:s16+$0x8930];
	[tilespmem:s16+$0x10880] =	vst v2;
	v5 =	vmul.f32 $8.000000000e+00, v33  }
0x13a: {  	v52 =	vld [tilespmem:s16+$0x8B10];
	v4 =	vmul.f32 $8.000000000e+00, v34;
	[tilespmem:s16+$0x10890] =	vst v3  }
0x13b: {  	v53 =	vld [tilespmem:s16+$0x8B20];
	v6 =	vmul.f32 $8.000000000e+00, v35;
	[tilespmem:s16+$0x108A0] =	vst v5  }
0x13c: {  	v54 =	vld [tilespmem:s16+$0x8B30];
	v0 =	vmul.f32 $8.000000000e+00, v36;
	[tilespmem:s16+$0x108B0] =	vst v4  }
0x13d: {  	v55 =	vld [tilespmem:s16+$0x8B80];
	v1 =	vmul.f32 $8.000000000e+00, v37;
	[tilespmem:s16+$0x10900] =	vst v6  }
0x13e: {  	v56 =	vld [tilespmem:s16+$0x8B90];
	v2 =	vmul.f32 $8.000000000e+00, v38;
	[tilespmem:s16+$0x10910] =	vst v0  }
0x13f: {  	v58 =	vld [tilespmem:s16+$0x8BA0];
	v57 =	vmul.f32 $8.000000000e+00, v52;
	[tilespmem:s16+$0x10920] =	vst v1  }
0x140: {  	v39 =	vld [tilespmem:s16+$0x8980];
	v59 =	vmul.f32 $8.000000000e+00, v53;
	[tilespmem:s16+$0x10930] =	vst v2  }
0x141: {  	v40 =	vld [tilespmem:s16+$0x8990];
	v60 =	vmul.f32 $8.000000000e+00, v54;
	[tilespmem:s16+$0x10B10] =	vst v57  }
0x142: {  	v41 =	vld [tilespmem:s16+$0x89A0];
	v61 =	vmul.f32 $8.000000000e+00, v55;
	[tilespmem:s16+$0x10B20] =	vst v59  }
0x143: {  	v42 =	vld [tilespmem:s16+$0x89B0];
	v62 =	vmul.f32 $8.000000000e+00, v56;
	[tilespmem:s16+$0x10B30] =	vst v60  }
0x144: {  	v43 =	vld [tilespmem:s16+$0x8A00];
	v63 =	vmul.f32 $8.000000000e+00, v58;
	[tilespmem:s16+$0x10B80] =	vst v61  }
0x145: {  	v44 =	vld [tilespmem:s16+$0x8A10];
	v3 =	vmul.f32 $8.000000000e+00, v39;
	[tilespmem:s16+$0x10B90] =	vst v62  }
0x146: {  	v45 =	vld [tilespmem:s16+$0x8A20];
	v5 =	vmul.f32 $8.000000000e+00, v40;
	[tilespmem:s16+$0x10BA0] =	vst v63  }
0x147: {  	v46 =	vld [tilespmem:s16+$0x8A30];
	v4 =	vmul.f32 $8.000000000e+00, v41;
	[tilespmem:s16+$0x10980] =	vst v3  }
0x148: {  	v47 =	vld [tilespmem:s16+$0x8A80];
	v6 =	vmul.f32 $8.000000000e+00, v42;
	[tilespmem:s16+$0x10990] =	vst v5  }
0x149: {  	v48 =	vld [tilespmem:s16+$0x8A90];
	v0 =	vmul.f32 $8.000000000e+00, v43;
	[tilespmem:s16+$0x109A0] =	vst v4  }
0x14a: {  	v49 =	vld [tilespmem:s16+$0x8AA0];
	v1 =	vmul.f32 $8.000000000e+00, v44;
	[tilespmem:s16+$0x109B0] =	vst v6  }
0x14b: {  	v50 =	vld [tilespmem:s16+$0x8AB0];
	v2 =	vmul.f32 $8.000000000e+00, v45;
	[tilespmem:s16+$0x10A00] =	vst v0  }
0x14c: {  	v51 =	vld [tilespmem:s16+$0x8B00];
	v3 =	vmul.f32 $8.000000000e+00, v46;
	[tilespmem:s16+$0x10A10] =	vst v1  }
0x14d: {  	[tilespmem:s16+$0x10A20] =	vst v2;
	v5 =	vmul.f32 $8.000000000e+00, v47  }
0x14e: {  	s15 =	sadd.s32 $0x1, s15;
	v4 =	vmul.f32 $8.000000000e+00, v48;
	[tilespmem:s16+$0x10A30] =	vst v3  }
0x14f: {  	p0 =	sne.s32 s15, $0x32;
	v6 =	vmul.f32 $8.000000000e+00, v49;
	[tilespmem:s16+$0x10A80] =	vst v5  }
.Ltmp2:
0x150: {  	s31 =	sadd.s32 s31, s9;
	v0 =	vmul.f32 $8.000000000e+00, v50;
	[tilespmem:s16+$0x10A90] =	vst v4;
	(pc) =	sbr.rel @p0 .LBB2_2-.Ltmp2, $4  }
0x151: {  	s0 =	sshll.u32 s31, $0xC;
	v1 =	vmul.f32 $8.000000000e+00, v51;
	[tilespmem:s16+$0x10AA0] =	vst v6  }
0x152: {  	s0 =	sand.u32 $0x1FFFF000, s0;
	[tilespmem:s16+$0x10AB0] =	vst v0  }
0x153: {  	s0 =	sadd.s32 s6, s0;
	[tilespmem:s16+$0x10B00] =	vst v1  }
0x154: {  	[hbm4b:s0+s3] =	stream.linear.scatter [tilespmem:s10], [sflag:$0x5], $0x8000, $0x38;
	[tilespmem:$0x18800] =	vst v63  }
0x155: {  	_ =	swait.ge [sflag:s30], $0x400  }
0x156: {  	[sflag:s30] =	ssyncset.done $0x0  }
0x157: {  	[sflag:s30] =	ssyncadd.s32 $0xFFFFFC00  }
0x158: {  	_ =	swait.ge [sflag:s8], $0x1000  }
0x159: {  	[sflag:s8] =	ssyncset.done $0x0  }
0x15a: {  	[sflag:s8] =	ssyncadd.s32 $0xFFFFF000  }
0x15b: {  	_ =	swait.ge [sflag:s8], $0x1000  }
0x15c: {  	[sflag:s8] =	ssyncset.done $0x0  }
0x15d: {  	[sflag:s8] =	ssyncadd.s32 $0xFFFFF000  }
0x15e: {  	_ =	swait.ge [sflag:s8], $0x1000  }
0x15f: {  	[sflag:s8] =	ssyncset.done $0x0  }
0x160: {  	[sflag:s8] =	ssyncadd.s32 $0xFFFFF000  }
0x161: {  	_ =	swait.ge [sflag:s8], $0x1000  }
0x162: {  	[sflag:s8] =	ssyncset.done $0x0  }
0x163: {  	[sflag:s8] =	ssyncadd.s32 $0xFFFFF000  }
0x164: {  	_ =	swait.ge [sflag:s8], $0x1000  }
0x165: {  	[sflag:s8] =	ssyncset.done $0x0  }
0x166: {  	[sflag:s8] =	ssyncadd.s32 $0xFFFFF000  }
0x167: {  	_ =	swait.ge [sflag:s8], $0x1000  }
0x168: {  	[sflag:s8] =	ssyncset.done $0x0  }
0x169: {  	[sflag:s8] =	ssyncadd.s32 $0xFFFFF000  }
0x16a: {  	_ =	swait.ge [sflag:s8], $0x1000  }
0x16b: {  	[sflag:s8] =	ssyncset.done $0x0  }
0x16c: {  	[sflag:s8] =	ssyncadd.s32 $0xFFFFF000  }
0x16d: {  	_ =	swait.ge [sflag:s8], $0x1000  }
0x16e: {  	[sflag:s8] =	ssyncset.done $0x0  }
0x16f: {  	[sflag:s8] =	ssyncadd.s32 $0xFFFFF000  }
0x170: {  	_ =	swait.ge [sflag:s7], $0x8000  }
0x171: {  	s1 =	rddreg [dreg:$0x6]  }
0x172: {  	s0 =	rddreg [dreg:$0x5];
	s1 =	sadd.s32 $0x1, s1  }
0x173: {  	p0 =	sne.s32 s1, s0  }
.Ltmp3:
0x174: {  	_ = 	snop;
	(pc) =	sbr.rel @p0 .LBB2_1-.Ltmp3, $3  }
0x175: {  	_ =	sdelay $0x1  }
0x176: {  	[sflag:s7] =	ssyncset.done $0x0  }
0x177: {  	[sflag:s7] =	ssyncadd.s32 $0xFFFF8000  }
0x178: {  	_ =	sfence.sel $0x180000  }
0x179: {  	[bflag:$0x0] =	sbarrier.arrive $0xFFFF  }
0x17a: {  	_ =	strace $0x90000047  }
0x17b: {  	s0 =	stileid.u32;
	[bflag:$0x2] =	sbarrier.arrive $0xFFFF  }
0x17c: {  	p0 =	sne.s32 s0, $0x0;
	s0 =	rddreg [dreg:$0x2]  }
0x17d: {  	s0 =	sadd.s32 @!p0 $0x100000, s0  }
0x17e: {  	[sflag:s0] =	ssyncadd.tile.s32 @!p0 $0x1;
	_ =	shalt  }
.Lfunc_end2:
_tile_overlayer_lowered:
.L_overlay_start_2:
0x17f: {  	(tag) =	ssettag $0x2  }
0x180: {  	s0 =	rddreg [dreg:$0x0];
	s2 =	stileid.u32  }
0x181: {  	s1 =	rddreg [dreg:$0x1];
	p0 =	sne.s32 s2, $0x0  }
0x182: {  	s3 =	rddreg [dreg:$0x2];
	[bflag:$0x3] =	sbarrier.arrive $0xFFFF;
	s2 =	simm.s32 @!p0 $0x1C06  }
0x183: {  	[timem:s3], [sflag:s2] =	dma.local @!p0 [hbm:s0], s1  }
0x184: {  	s0 =	simm.s32 @!p0 $0x6  }
0x185: {  	_ =	swait.ge @!p0 [sflag:s0], s1  }
0x186: {  	s1 =	ssub.s32 @!p0 $0x0, s1;
	[sflag:s0] =	ssyncset.done @!p0 $0x0  }
0x187: {  	[sflag:s0] =	ssyncadd.s32 @!p0 s1  }
0x188: {  	[bflag:$0x3] =	sbarrier.arrive $0xFFFF  }
0x189: {  	_ =	shalt  }

// kernel: sparse-core-data-format-call.cloned.1.call-start
scs
called_computation_lowered:
.L_overlay_start_0:
0x0: {  	s2 =	sld [smem:$0x3FD9]  }
0x1: {  	s3 =	sld [smem:$0x3FFE];
	_ =	sdelay $0x1  }
0x2: {  	s1 =	srdreg.scid  }
0x3: {  	s0 =	sand.u32 $0x1, s1  }
0x4: {  	s18 =	sshll.u32 s0, $0xA;
	s2 =	sadd.s32 s3, s2  }
0x5: {  	s2 =	sadd.s32 s2, s18  }
0x6: {  	[smem:$0x3FC6] =	sst s2  }
0x7: {  	_ = 	snop  }
0x8: {  	s2 =	sld [smem:$0x3FD0];
	(tm) =	ssettm $0x1  }
0x9: {  	s19 =	sld [smem:$0x3FFB];
	_ =	sdelay $0x3  }
0xa: {  	_ =	strace s19  }
0xb: {  	s3 =	sld [smem:$0x3FFC];
	_ =	sdelay $0x3  }
0xc: {  	_ =	strace s3  }
0xd: {  	s3 =	sld [smem:$0x3FFD];
	_ =	sdelay $0x3  }
0xe: {  	_ =	strace s3  }
0xf: {  	_ =	strace $0x8FFFFFFF  }
0x10: {  	s20 =	sld [smem:$0x3FDB];
	_ =	sdelay $0x1  }
0x11: {  	s4 =	simm.s32 $_scs_section_size  }
0x12: {  	s5 =	simm.s32 $_size__tile_overlayer_lowered;
	s6 =	simm.s32 $_tile_overlayer_lowered  }
0x13: {  	s23 =	simm.s32 $0x1BFF;
	s22 =	sshll.u32 s6, $0x1;
	s3 =	sadd.s32 s4, s20  }
0x14: {  	s7 =	simm.s32 $0x0;
	s21 =	sshll.u32 s5, $0x1;
	s5 =	sadd.s32 s22, s3  }
0x15: {  	[timem:s7], [sflag:s23] =	dma.local [hbm:s5], s21  }
0x16: {  	_ =	swait.ge [sflag:s23], s21  }
0x17: {  	s4 =	ssub.s32 $0x0, s21;
	[sflag:s23] =	ssyncset.done $0x0  }
0x18: {  	[sflag:s23] =	ssyncadd.s32 s4;
	_ =	sdelay $0x1  }
0x19: {  	s24 =	simm.s32 $0x1B8B  }
0x1a: {  	_ =	swait.ge [sflag:s24], $0x1  }
0x1b: {  	[sflag:s24] =	ssyncset.done $0x0  }
0x1c: {  	s26 =	simm.s32 $0x1B8E;
	s25 =	sld [smem:$0x3FFE];
	[sflag:s24] =	ssyncadd.s32 $0xFFFFFFFF  }
0x1d: {  	s27 =	simm.s32 $execute0_lowered;
	[smem:$0x3FD2] =	sst s26  }
0x1e: {  	s5 =	sshll.u32 s27, $0x1;
	_ =	strace $0x80000049;
	[dreg:$0x1] =	wrdreg $0xFFFFFFFF  }
0x1f: {  	s28 =	simm.s32 $_size_execute0_lowered;
	s3 =	sadd.s32 s3, s5;
	[dreg:$0x0] =	wrdreg $0x0  }
0x20: {  	s5 =	sshll.u32 s28, $0x1;
	[dreg:$0x2] =	wrdreg s3  }
0x21: {  	[dreg:$0x3] =	wrdreg s5  }
0x22: {  	[dreg:$0x4] =	wrdreg $0xC0  }
0x23: {  	_ =	task [dreg:s7], $0x5FFFF  }
0x24: {  	[dreg:$0x1] =	wrdreg $0xFFFFFFFF  }
0x25: {  	[dreg:$0x0] =	wrdreg $0x60  }
0x26: {  	[dreg:$0x2] =	wrdreg s25  }
0x27: {  	[dreg:$0x3] =	wrdreg s2  }
0x28: {  	[dreg:$0x4] =	wrdreg $0x9  }
0x29: {  	_ =	task.clear_ibuf [dreg:s7], $0x5FFFF;
	_ =	strace $0x90000049  }
0x2a: {  	s29 =	simm.s32 $0x9;
	_ =	strace $0x8000004B  }
0x2b: {  	_ =	swait.ge [sflag:s29], $0x1  }
0x2c: {  	[sflag:s29] =	ssyncadd.s32 $0xFFFFFFFF  }
0x2d: {  	_ =	strace $0x9000004B  }
0x2e: {  	_ =	sfence  }
0x2f: {  	s30 =	sld [smem:$0x0];
	_ =	sdelay $0x2  }
0x30: {  	s31 =	sshll.u32 s1, $0xD;
	s1 =	sshrl.u32 s1, $0x2  }
0x31: {  	s3 =	sand.u32 $0x4000, s31;
	s1 =	sadd.s32 s1, s30  }
0x32: {  	s0 =	sor.u32 s3, s0;
	s1 =	sshll.u32 s1, $0x11  }
0x33: {  	s0 =	sor.u32 s1, s0  }
0x34: {  	s0 =	sadd.s32 $0x8F2B, s0  }
0x35: {  	[sflag:s0] =	ssyncadd.remote.s32 $0x1  }
0x36: {  	_ =	sfence.sel $0xFFFF  }
0x37: {  	[dreg:$0x0] =	wrdreg $0xFFFFFFFF;
	(pc) =	sbr.abs _section_cstart, $3  }
0x38: {  	[dreg:$0x1] =	wrdreg $0xFFFFFFFF  }
0x39: {  	_ =	task.clear_ibuf [dreg:s7], $0x2FFFF;
	_ =	strace $0x9FFFFFFF  }
0x3a: {  	(tm) =	ssettm $0x7FFFFFFF  }
0x3b: {  	_ =	shalt  }
tec
execute0_lowered:
.L_overlay_start_1:
0x0: {  	(tag) =	ssettag $0x1  }
0x1: {  	s0 =	srdreg.scid  }
0x2: {  	s1 =	sshll.u32 s0, $0x4  }
0x3: {  	s0 =	stileid.u32;
	s1 =	sand.u32 $0x10, s1  }
0x4: {  	s1 =	sor.u32 s0, s1  }
0x5: {  	s6 =	rddreg [dreg:$0x0];
	s4 =	simm.s32 $0x1;
	s2 =	sshll.u32 s1, $0x7  }
0x6: {  	s7 =	simm.s32 $0x2;
	s12 =	simm.s32 $0x0;
	s1 =	ssub.s32 $0x1000, s2  }
0x7: {  	s8 =	simm.s32 $0x8000;
	s13 =	simm.s32 $0x0;
	s3 =	sand.u32 $0xF80, s1  }
0x8: {  	s9 =	simm.s32 $0x0;
	s5 =	sshrl.u32 s1, $0xC;
	p0 =	sne.s32 s3, $0x0  }
.Ltmp0:
0x9: {  	s1 =	rddreg [dreg:$0x2];
	s4 =	simm.s32 @!p0 $0x0;
	(pc) =	sbr.rel .LBB1_1-.Ltmp0, $4  }
0xa: {  	s11 =	simm.s32 $0x0;
	s3 =	rddreg [dreg:$0x1];
	s5 =	sadd.s32 s4, s5  }
0xb: {  	_ =	strace $0x8000004A;
	s4 =	simm.s32 $0x1;
	s5 =	smul.u32 $0xC8, s5  }
0xc: {  	s6 =	sadd.s32 $0xA00, s6;
	s10 =	smov.u32 s2;
	[sflag:s4] =	ssyncpa.u1 $0x0  }
0xd: {  	p0 =	por $0x0, $0x0;
	[sflag:s7] =	ssyncpa.u1 $0x0;
	s7 =	sor.u32 $0x1, s5  }
.LBB1_4:
0xe: {  	s16 =	sshll.u32 s13, $0x3;
	s17 =	sand.u32 $0x78, s13  }
0xf: {  	s30 =	sand.u32 $0x7E00, s13;
	s12 =	sshll.u32 s12, $0xF;
	s16 =	sand.u32 $0xC00, s16  }
0x10: {  	[tilespmem:s15+$0x810 ss:$0x81] =	vst.msk $0xffff, v2;
	s31 =	sand.u32 $0x7, s13;
	s16 =	sor.u32 s17, s16;
	s17 =	sadd.s32 s3, s30  }
0x11: {  	[tilespmem:s15+$0x1020 ss:$0x81] =	vst.msk $0xffff, v0;
	s13 =	sshll.u32 s31, $0x12;
	s12 =	sadd.s32 s12, s17;
	s16 =	sshrl.u32 s16, $0x3  }
0x12: {  	[tilespmem:s15+$0x0 ss:$0x81] =	vst.msk $0xffff, v1;
	s13 =	sor.u32 $0x400, s13;
	s12 =	sadd.s32 s16, s12  }
0x13: {  	[hbm4b:s12+s13] =	stream.strided.scatter [tilespmem:s14], [sflag:$0x2], $0x2000, s8, s13, $0x20;
	[tilespmem:$0x8080] =	vst v63  }
.LBB1_5:
0x14: {  	s14 =	sadd.s32 $0x1, s9  }
0x15: {  	s12 =	sadd.s32 $0x1000, s10;
	s16 =	smov.u32 s10;
	p2 =	sgt.s32 s14, $0xC7  }
0x16: {  	s16 =	smov.u32 @p2 s12  }
0x17: {  	s14 =	simm.s32 @p2 $0x0;
	p2 =	sgt.s32 s16, $0xFFF  }
0x18: {  	s16 =	smov.u32 @p2 s2;
	p2 =	sne.s32 s11, s7  }
.Ltmp1:
0x19: {  	p1 =	slt.u32 s11, $0x2;
	(pc) =	sbr.rel @!p2 .LBB1_6-.Ltmp1, $4  }
0x1a: {  	s15 =	simm.s32 @!p1 $0x2  }
0x1b: {  	s13 =	smov.u32 s10;
	p0 =	por !p0, !p0;
	_ =	swait.ge @!p1 [sflag:s15], $0x2000  }
0x1c: {  	s12 =	smov.u32 s9;
	[sflag:s15] =	ssyncset.done @!p1 $0x0;
	s9 =	smov.u32 s14  }
0x1d: {  	s11 =	sadd.s32 $0x1, s11;
	[sflag:s15] =	ssyncadd.s32 @!p1 $0xFFFFE000;
	s10 =	smov.u32 s16  }
.LBB1_1:
0x1e: {  	p1 =	sge.u32 s11, s5  }
0x1f: {  	s14 =	sand.u32 @!p1 $0x1FFFFFF, s9  }
0x20: {  	s15 =	smulhi.u32 @!p1 $0x147AE15, s14;
	_ =	sdelay $0x1  }
0x21: {  	s15 =	smul.u32 @!p1 $0xC8, s15  }
0x22: {  	s16 =	sxor.u32 @!p1 $0xFFFFFFFF, s11;
	s17 =	smul.u32 @!p1 $0xC80, s10  }
0x23: {  	s31 =	sadd.s32 $0xFFFFFFFF, s11;
	s16 =	sshll.u32 @!p1 s16, $0xD;
	s14 =	ssub.s32 @!p1 s14, s15  }
0x24: {  	s15 =	sand.u32 @!p1 $0x2000, s16;
	s16 =	sadd.s32 @!p1 s6, s17;
	s14 =	sshll.u32 @!p1 s14, $0x4  }
0x25: {  	s17 =	simm.s32 @!p1 $0x6400;
	s14 =	sadd.s32 @!p1 s14, s16;
	s16 =	simm.s32 @!p1 $0x40  }
0x26: {  	[tilespmem:s15], [sflag:$0x1] =	stream.strided.gather @!p1 [hbm4b:s14+s16], $0x2000, s17, s16, $0x38;
	[tilespmem:$0x8080] =	vst v63  }
0x27: {  	p1 =	sge.u32 s31, s5  }
.Ltmp2:
0x28: {  	_ = 	snop;
	(pc) =	sbr.rel @p1 .LBB1_5-.Ltmp2, $1  }
0x29: {  	_ =	sdelay $0x3  }
0x2a: {  	s14 =	simm.s32 $0x1  }
0x2b: {  	_ =	swait.ge [sflag:s4], $0x2000;
	s14 =	simm.s32 @!p0 $0x0  }
0x2c: {  	[sflag:s4] =	ssyncset.done $0x0;
	s15 =	sshll.u32 s14, $0xD  }
0x2d: {  	[sflag:s4] =	ssyncadd.s32 $0xFFFFE000;
	s18 =	sor.u32 $0x20, s15  }
0x2e: {  	s14 =	smul.u32 $0x8100, s14;
	v3 =	vld [tilespmem:s18+$0x10]  }
0x2f: {  	s30 =	sand.u32 $0x1, s11;
	v2 =	vld [tilespmem:s18+$0xFFFFFFF0]  }
0x30: {  	s15 =	smul.u32 $0x8100, s30;
	s14 =	sshrl.u32 s14, $0x2;
	v0 =	vld [tilespmem:s18+$0x0]  }
0x31: {  	v1 =	vld [tilespmem:s18+$0xFFFFFFE0];
	s16 =	sor.u32 $0x4000, s14  }
0x32: {  	s31 =	sshrl.u32 s15, $0x2;
	s15 =	sadd.s32 $0x0, s16  }
0x33: {  	s17 =	simm.s32 $0x4;
	s18 =	sadd.s32 $0x40, s18;
	s14 =	sor.u32 $0x4000, s31;
	[tilespmem:s15+$0x1830 ss:$0x81] =	vst.msk $0xffff, v3  }
.LBB1_3:
0x34: {  	v3 =	vld [tilespmem:s18+$0x10];
	p1 =	sne.s32 s17, $0x1FC;
	[tilespmem:s15+$0x810 ss:$0x81] =	vst.msk $0xffff, v2;
	s19 =	smov.u32 s17;
	s17 =	sadd.s32 $0x4, s17  }
.Ltmp3:
0x35: {  	v2 =	vld [tilespmem:s18+$0xFFFFFFF0];
	[tilespmem:s15+$0x1020 ss:$0x81] =	vst.msk $0xffff, v0;
	(pc) =	sbr.rel @p1 .LBB1_3-.Ltmp3, $4  }
0x36: {  	v0 =	vld [tilespmem:s18+$0x0];
	[tilespmem:s15+$0x0 ss:$0x81] =	vst.msk $0xffff, v1  }
0x37: {  	s15 =	sshra.s32 s19, $0x2;
	v1 =	vld [tilespmem:s18+$0xFFFFFFE0]  }
0x38: {  	s15 =	sadd.s32 s15, s16  }
0x39: {  	s18 =	sadd.s32 $0x40, s18;
	[tilespmem:s15+$0x1830 ss:$0x81] =	vst.msk $0xffff, v3  }
.Ltmp4:
0x3a: {  	_ = 	snop;
	(pc) =	sbr.rel .LBB1_4-.Ltmp4, $1  }
0x3b: {  	_ =	sdelay $0x3  }
.LBB1_6:
0x3c: {  	_ =	sfence.sel $0x180000  }
0x3d: {  	s2 =	simm.s32 $0x1;
	[bflag:$0x0] =	sbarrier.arrive $0xFFFF  }
0x3e: {  	s31 =	simm.s32 $0x2;
	[sflag:s2] =	ssyncpa.u1 $0x1  }
0x3f: {  	[sflag:s31] =	ssyncpa.u1 $0x1  }
0x40: {  	p0 =	sne.s32 s0, $0x0;
	_ =	strace $0x9000004A  }
0x41: {  	s0 =	sadd.s32 @!p0 $0x100000, s1;
	[bflag:$0x2] =	sbarrier.arrive $0xFFFF  }
0x42: {  	[sflag:s0] =	ssyncadd.tile.s32 @!p0 $0x1;
	_ =	shalt  }
.Lfunc_end1:
_tile_overlayer_lowered:
.L_overlay_start_2:
0x43: {  	(tag) =	ssettag $0x2  }
0x44: {  	s0 =	rddreg [dreg:$0x0];
	s2 =	stileid.u32  }
0x45: {  	s1 =	rddreg [dreg:$0x1];
	p0 =	sne.s32 s2, $0x0  }
0x46: {  	s3 =	rddreg [dreg:$0x2];
	[bflag:$0x3] =	sbarrier.arrive $0xFFFF;
	s2 =	simm.s32 @!p0 $0x1C01  }
0x47: {  	[timem:s3], [sflag:s2] =	dma.local @!p0 [hbm:s0], s1  }
0x48: {  	s0 =	simm.s32 @!p0 $0x1  }
0x49: {  	_ =	swait.ge @!p0 [sflag:s0], s1  }
0x4a: {  	s1 =	ssub.s32 @!p0 $0x0, s1;
	[sflag:s0] =	ssyncset.done @!p0 $0x0  }
0x4b: {  	[sflag:s0] =	ssyncadd.s32 @!p0 s1  }
0x4c: {  	[bflag:$0x3] =	sbarrier.arrive $0xFFFF  }
0x4d: {  	_ =	shalt  }

</sc_bundles>
